<compile_context>
chip_gen: v7x
topology: tpu7x:2x2x1
jax: 0.10.2.dev20260603
libtpu: 0.0.44.dev20260713+nightly
codegen_flags: <defaults>
</compile_context>

<pallas_src>
import functools

import jax
import jax.numpy as jnp
from jax import lax
from jax.experimental import pallas as pl
from jax.experimental.pallas import tpu as pltpu
from jax.experimental.pallas import tpu_sc as plsc

_N = 10000
_E = 320000
_H = 128
_DOUT = 64

_NCORES = 2
_NSUB = 16
_NTILES = _NCORES * _NSUB
_EPT = _E // _NTILES
_EC = 80
_NEC = _EPT // _EC
_RC = 80
_NRC = _N // _RC
_RCPS = (_NRC + _NSUB - 1) // _NSUB

_BLK = 2000
_NB = _N // _BLK


def _make_segsum(w=_H):
    def _segsum_body(h_hbm, src_hbm, dst_hbm, out_hbm, src_v, dst_v, rows_v,
                     acc, sem):
        c = lax.axis_index("c")
        s = lax.axis_index("s")
        wid = c * _NSUB + s

        zeros16 = jnp.zeros((16,), jnp.float32)

        def _zrow(i, carry):
            for j in range(w // 16):
                rows_v[i, pl.ds(j * 16, 16)] = zeros16
            return carry

        lax.fori_loop(0, _RC, _zrow, 0)

        def _zchunk(j, carry):
            chunk = j * _NSUB + s

            @pl.when(chunk < _NRC)
            def _():
                pltpu.sync_copy(rows_v, acc.at[pl.ds(chunk * _RC, _RC)])

            return carry

        lax.fori_loop(0, _RCPS, _zchunk, 0)

        pltpu.sync_copy(src_hbm.at[wid], src_v)
        pltpu.sync_copy(dst_hbm.at[wid], dst_v)
        plsc.subcore_barrier()

        def _echunk(j, carry):
            pltpu.async_copy(h_hbm.at[src_v.at[j]], rows_v, sem).wait()
            pltpu.sync_copy(rows_v, acc.at[dst_v.at[j]], add=True)
            return carry

        lax.fori_loop(0, _NEC, _echunk, 0)
        plsc.subcore_barrier()

        def _ochunk(j, carry):
            chunk = j * _NSUB + s

            @pl.when(chunk < _NRC)
            def _():
                r0 = chunk * _RC
                pltpu.sync_copy(acc.at[pl.ds(r0, _RC)], rows_v)
                pltpu.sync_copy(rows_v, out_hbm.at[pl.ds(c * _N + r0, _RC)])

            return carry

        lax.fori_loop(0, _RCPS, _ochunk, 0)

    return functools.partial(
        pl.kernel,
        mesh=plsc.VectorSubcoreMesh(core_axis_name="c", subcore_axis_name="s"),
        compiler_params=pltpu.CompilerParams(use_tc_tiling_on_sc=False),
        out_type=jax.ShapeDtypeStruct((2 * _N, w), jnp.float32),
        scratch_types=[
            pltpu.VMEM((_NEC, _EC), jnp.int32),
            pltpu.VMEM((_NEC, _EC), jnp.int32),
            pltpu.VMEM((_EC, w), jnp.float32),
            pltpu.VMEM_SHARED((_N, w), jnp.float32),
            pltpu.SemaphoreType.DMA,
        ],
    )(_segsum_body)


_make_segsum = functools.cache(_make_segsum)


def _round_a_body(h_ref, p_ref, wa_ref, ba_ref, wr_ref, br_ref,
                  t_ref, id_ref, st_ref):
    j = pl.program_id(0)
    h = h_ref[...]
    agg = h + p_ref[0] + p_ref[1]
    t = jnp.dot(agg, wa_ref[...], preferred_element_type=jnp.float32) + ba_ref[...]
    t_ref[...] = t
    id_ref[...] = jnp.dot(h, wr_ref[...], preferred_element_type=jnp.float32) + br_ref[...]
    blk = jnp.concatenate(
        [jnp.sum(t, axis=0, keepdims=True),
         jnp.sum(t * t, axis=0, keepdims=True)], axis=0)

    @pl.when(j == 0)
    def _():
        st_ref[...] = blk

    @pl.when(j > 0)
    def _():
        st_ref[...] += blk


def _round_a(h, parts, wa, ba, wr, br):
    return pl.pallas_call(
        _round_a_body,
        grid=(_NB,),
        in_specs=[
            pl.BlockSpec((_BLK, _H), lambda j: (j, 0)),
            pl.BlockSpec((2, _BLK, _H), lambda j: (0, j, 0)),
            pl.BlockSpec((_H, _H), lambda j: (0, 0)),
            pl.BlockSpec((1, _H), lambda j: (0, 0)),
            pl.BlockSpec((_H, _H), lambda j: (0, 0)),
            pl.BlockSpec((1, _H), lambda j: (0, 0)),
        ],
        out_specs=[
            pl.BlockSpec((_BLK, _H), lambda j: (j, 0)),
            pl.BlockSpec((_BLK, _H), lambda j: (j, 0)),
            pl.BlockSpec((2, _H), lambda j: (0, 0)),
        ],
        out_shape=[
            jax.ShapeDtypeStruct((_N, _H), jnp.float32),
            jax.ShapeDtypeStruct((_N, _H), jnp.float32),
            jax.ShapeDtypeStruct((2, _H), jnp.float32),
        ],
    )(h, parts, wa, ba.reshape(1, _H), wr, br.reshape(1, _H))


def _round_b_body(t_ref, id_ref, st_ref, g_ref, be_ref, wb_ref, bb_ref,
                  wc_ref, bc_ref, o_ref):
    st = st_ref[...]
    m = st[0:1] * (1.0 / _N)
    v = st[1:2] * (1.0 / _N) - m * m
    inv = lax.rsqrt(v + 1e-5)
    u = (t_ref[...] - m) * (inv * g_ref[...]) + be_ref[...]
    u = jnp.maximum(u, 0.0)
    u = jnp.maximum(
        jnp.dot(u, wb_ref[...], preferred_element_type=jnp.float32) + bb_ref[...], 0.0)
    hh = jnp.dot(u, wc_ref[...], preferred_element_type=jnp.float32) + bc_ref[...]
    o_ref[...] = jnp.maximum(hh + id_ref[...], 0.0)


def _round_b(t, ident, stats, g, be, wb, bb, wc, bc):
    return pl.pallas_call(
        _round_b_body,
        grid=(_NB,),
        in_specs=[
            pl.BlockSpec((_BLK, _H), lambda j: (j, 0)),
            pl.BlockSpec((_BLK, _H), lambda j: (j, 0)),
            pl.BlockSpec((2, _H), lambda j: (0, 0)),
            pl.BlockSpec((1, _H), lambda j: (0, 0)),
            pl.BlockSpec((1, _H), lambda j: (0, 0)),
            pl.BlockSpec((_H, _H), lambda j: (0, 0)),
            pl.BlockSpec((1, _H), lambda j: (0, 0)),
            pl.BlockSpec((_H, _H), lambda j: (0, 0)),
            pl.BlockSpec((1, _H), lambda j: (0, 0)),
        ],
        out_specs=pl.BlockSpec((_BLK, _H), lambda j: (j, 0)),
        out_shape=jax.ShapeDtypeStruct((_N, _H), jnp.float32),
    )(t, ident, stats, g.reshape(1, _H), be.reshape(1, _H),
      wb, bb.reshape(1, _H), wc, bc.reshape(1, _H))


def _round_b3_body(t_ref, id_ref, st_ref, g_ref, be_ref, wb_ref, bb_ref,
                   wc_ref, bc_ref, w4_ref, o_ref, p_ref):
    st = st_ref[...]
    m = st[0:1] * (1.0 / _N)
    v = st[1:2] * (1.0 / _N) - m * m
    inv = lax.rsqrt(v + 1e-5)
    u = (t_ref[...] - m) * (inv * g_ref[...]) + be_ref[...]
    u = jnp.maximum(u, 0.0)
    u = jnp.maximum(
        jnp.dot(u, wb_ref[...], preferred_element_type=jnp.float32) + bb_ref[...], 0.0)
    hh = jnp.dot(u, wc_ref[...], preferred_element_type=jnp.float32) + bc_ref[...]
    h3 = jnp.maximum(hh + id_ref[...], 0.0)
    o_ref[...] = h3
    p_ref[...] = jnp.dot(h3, w4_ref[...], preferred_element_type=jnp.float32)


def _round_b3(t, ident, stats, g, be, wb, bb, wc, bc, w4):
    return pl.pallas_call(
        _round_b3_body,
        grid=(_NB,),
        in_specs=[
            pl.BlockSpec((_BLK, _H), lambda j: (j, 0)),
            pl.BlockSpec((_BLK, _H), lambda j: (j, 0)),
            pl.BlockSpec((2, _H), lambda j: (0, 0)),
            pl.BlockSpec((1, _H), lambda j: (0, 0)),
            pl.BlockSpec((1, _H), lambda j: (0, 0)),
            pl.BlockSpec((_H, _H), lambda j: (0, 0)),
            pl.BlockSpec((1, _H), lambda j: (0, 0)),
            pl.BlockSpec((_H, _H), lambda j: (0, 0)),
            pl.BlockSpec((1, _H), lambda j: (0, 0)),
            pl.BlockSpec((_H, _DOUT), lambda j: (0, 0)),
        ],
        out_specs=[
            pl.BlockSpec((_BLK, _H), lambda j: (j, 0)),
            pl.BlockSpec((_BLK, _DOUT), lambda j: (j, 0)),
        ],
        out_shape=[
            jax.ShapeDtypeStruct((_N, _H), jnp.float32),
            jax.ShapeDtypeStruct((_N, _DOUT), jnp.float32),
        ],
    )(t, ident, stats, g.reshape(1, _H), be.reshape(1, _H),
      wb, bb.reshape(1, _H), wc, bc.reshape(1, _H), w4)


def _final_body(p_ref, parts_ref, b4_ref, o_ref):
    z = p_ref[...] + parts_ref[0] + parts_ref[1] + b4_ref[...]
    mx = jnp.max(z, axis=1, keepdims=True)
    e = jnp.exp(z - mx)
    o_ref[...] = z - mx - jnp.log(jnp.sum(e, axis=1, keepdims=True))


def _final(p4, parts, b4):
    return pl.pallas_call(
        _final_body,
        grid=(_NB,),
        in_specs=[
            pl.BlockSpec((_BLK, _DOUT), lambda j: (j, 0)),
            pl.BlockSpec((2, _BLK, _DOUT), lambda j: (0, j, 0)),
            pl.BlockSpec((1, _DOUT), lambda j: (0, 0)),
        ],
        out_specs=pl.BlockSpec((_BLK, _DOUT), lambda j: (j, 0)),
        out_shape=jax.ShapeDtypeStruct((_N, _DOUT), jnp.float32),
    )(p4, parts, b4.reshape(1, _DOUT))


def kernel(x, edge_index,
           W1a, b1a, g1, be1, W1b, b1b, W1c, b1c,
           W2a, b2a, g2, be2, W2b, b2b, W2c, b2c,
           W3a, b3a, g3, be3, W3b, b3b, W3c, b3c,
           W4, b4, Wr1, br1, Wr2, br2, Wr3, br3):
    src = edge_index[0].reshape(_NTILES, _NEC, _EC)
    dst = edge_index[1].reshape(_NTILES, _NEC, _EC)

    segsum = _make_segsum()
    segsum64 = _make_segsum(_DOUT)

    def agg_parts(h):
        return segsum(h, src, dst).reshape(2, _N, _H)

    h = x
    p4 = None
    rounds = (
        (W1a, b1a, g1, be1, W1b, b1b, W1c, b1c, Wr1, br1),
        (W2a, b2a, g2, be2, W2b, b2b, W2c, b2c, Wr2, br2),
        (W3a, b3a, g3, be3, W3b, b3b, W3c, b3c, Wr3, br3))
    for r, (wa, ba, g, be, wb, bb, wc, bc, wr, br) in enumerate(rounds):
        parts = agg_parts(h)
        t, ident, stats = _round_a(h, parts, wa, ba, wr, br)
        if r < 2:
            h = _round_b(t, ident, stats, g, be, wb, bb, wc, bc)
        else:
            h, p4 = _round_b3(t, ident, stats, g, be, wb, bb, wc, bc, W4)
    parts4 = segsum64(p4, src, dst).reshape(2, _N, _DOUT)
    return _final(p4, parts4, b4)

# --- scband reference (transcript-rebuilt; emitter-appended) ---
"""Pipeline reference for scband-gin-11871289606991 (READ-ONLY COPY).

The authoritative reference and input builder live on the scoring server;
editing this copy changes nothing except your own understanding.
"""

import jax, jax.numpy as jnp
import numpy as np

N = 10000
E = 320000
DIN = 128
H = 128
DOUT = 64


def setup_inputs(seed: int = 0) -> dict:
    key = jax.random.key(seed)
    ks = jax.random.split(key, 40)

    def w(k, shp):
        return jax.random.normal(k, shp, dtype=jnp.float32) * 0.05

    inp = {}
    inp["x"] = jax.random.normal(ks[0], (N, DIN), dtype=jnp.float32)
    inp["edge_index"] = jax.random.randint(ks[1], (2, E), 0, N, dtype=jnp.int32)
    # conv1 MLP: Linear(DIN,H) -> BN(H) -> ReLU -> Linear(H,H) -> ReLU -> Linear(H,H)
    inp["W1a"] = w(ks[2], (DIN, H)); inp["b1a"] = jnp.zeros((H,), jnp.float32)
    inp["g1"] = jnp.ones((H,), jnp.float32); inp["be1"] = jnp.zeros((H,), jnp.float32)
    inp["W1b"] = w(ks[3], (H, H)); inp["b1b"] = jnp.zeros((H,), jnp.float32)
    inp["W1c"] = w(ks[4], (H, H)); inp["b1c"] = jnp.zeros((H,), jnp.float32)
    # conv2 MLP
    inp["W2a"] = w(ks[5], (H, H)); inp["b2a"] = jnp.zeros((H,), jnp.float32)
    inp["g2"] = jnp.ones((H,), jnp.float32); inp["be2"] = jnp.zeros((H,), jnp.float32)
    inp["W2b"] = w(ks[6], (H, H)); inp["b2b"] = jnp.zeros((H,), jnp.float32)
    inp["W2c"] = w(ks[7], (H, H)); inp["b2c"] = jnp.zeros((H,), jnp.float32)
    # conv3 MLP
    inp["W3a"] = w(ks[8], (H, H)); inp["b3a"] = jnp.zeros((H,), jnp.float32)
    inp["g3"] = jnp.ones((H,), jnp.float32); inp["be3"] = jnp.zeros((H,), jnp.float32)
    inp["W3b"] = w(ks[9], (H, H)); inp["b3b"] = jnp.zeros((H,), jnp.float32)
    inp["W3c"] = w(ks[10], (H, H)); inp["b3c"] = jnp.zeros((H,), jnp.float32)
    # conv4: single Linear(H, DOUT)
    inp["W4"] = w(ks[11], (H, DOUT)); inp["b4"] = jnp.zeros((DOUT,), jnp.float32)
    # residual projections
    inp["Wr1"] = w(ks[12], (DIN, H)); inp["br1"] = jnp.zeros((H,), jnp.float32)
    inp["Wr2"] = w(ks[13], (H, H)); inp["br2"] = jnp.zeros((H,), jnp.float32)
    inp["Wr3"] = w(ks[14], (H, H)); inp["br3"] = jnp.zeros((H,), jnp.float32)
    return inp


def _bn(x, g, b):
    # BatchNorm1d in training mode: batch statistics over node dim
    m = jnp.mean(x, axis=0)
    v = jnp.var(x, axis=0)
    return (x - m) / jnp.sqrt(v + 1e-5) * g + b


def _gin_agg(x, edge_index):
    # GINConv with eps=0: (1+eps)*x + sum_{j in N(i)} x_j (messages flow src->dst)
    src = edge_index[0]
    dst = edge_index[1]
    agg = jax.ops.segment_sum(x[src], dst, num_segments=N)
    return x + agg


def _mlp(h, Wa, ba, g, be, Wb, bb, Wc, bc):
    h = h @ Wa + ba
    h = _bn(h, g, be)
    h = jax.nn.relu(h)
    h = h @ Wb + bb
    h = jax.nn.relu(h)
    h = h @ Wc + bc
    return h


def reference(x, edge_index,
              W1a, b1a, g1, be1, W1b, b1b, W1c, b1c,
              W2a, b2a, g2, be2, W2b, b2b, W2c, b2c,
              W3a, b3a, g3, be3, W3b, b3b, W3c, b3c,
              W4, b4, Wr1, br1, Wr2, br2, Wr3, br3):
    # dropout p=0.0 -> identity; penultimate_layer=False
    identity = x @ Wr1 + br1
    h = _mlp(_gin_agg(x, edge_index), W1a, b1a, g1, be1, W1b, b1b, W1c, b1c)
    h = jax.nn.relu(h + identity)
    identity = h @ Wr2 + br2
    h = _mlp(_gin_agg(h, edge_index), W2a, b2a, g2, be2, W2b, b2b, W2c, b2c)
    h = jax.nn.relu(h + identity)
    identity = h @ Wr3 + br3
    h = _mlp(_gin_agg(h, edge_index), W3a, b3a, g3, be3, W3b, b3b, W3c, b3c)
    h = jax.nn.relu(h + identity)
    h = _gin_agg(h, edge_index) @ W4 + b4
    return jax.nn.log_softmax(h, axis=1)

if __name__ == "__main__":
    import jax
    _d = setup_inputs()
    print(jax.jit(kernel)(*tuple(_d.values())))

</pallas_src>

<mosaic_0001>
#map = affine_map<(d0, d1) -> (0, 0)>
#map1 = affine_map<(d0, d1) -> (0, 0, 0)>
module attributes {stable_mosaic.version = 14 : i64} {
  func.func @_segsum_body(%arg0: i32, %arg1: i32, %arg2: memref<10000x128xf32, #tpu.memory_space<hbm>>, %arg3: memref<32x125x80xi32, #tpu.memory_space<hbm>>, %arg4: memref<32x125x80xi32, #tpu.memory_space<hbm>>, %arg5: memref<20000x128xf32, #tpu.memory_space<hbm>>, %arg6: memref<125x80xi32, #tpu.memory_space<vmem>>, %arg7: memref<125x80xi32, #tpu.memory_space<vmem>>, %arg8: memref<80x128xf32, #tpu.memory_space<vmem>>, %arg9: memref<10000x128xf32, #tpu.memory_space<vmem_shared>>, %arg10: memref<!tpu.dma_semaphore, #tpu.memory_space<semaphore_mem>>) attributes {dimension_semantics = [#tpu.dimension_semantics<core_parallel>, #tpu.dimension_semantics<subcore_parallel>], iteration_bounds = array<i64: 2, 16>, scalar_prefetch = 0 : i64, scratch_operands = 5 : i64, tpu.core_type = #tpu.core_type<sc_vector_subcore>, window_params = [{transform_indices = #map}, {transform_indices = #map1}, {transform_indices = #map1}, {transform_indices = #map}]} {
    %mul3A = arith.constant 16 : i32
    %mul3A_0 = arith.muli %arg0, %mul3A : i32
    %add3A = arith.addi %mul3A_0, %arg1 : i32
    %broadcast_in_dim3A = arith.constant 0.000000e+00 : f32
    %broadcast_in_dim3A_1 = vector.broadcast %broadcast_in_dim3A : f32 to vector<16xf32>
    %scan3A = arith.constant 0 : i32
    %scan3A_2 = arith.constant 0 : i32
    %scan3A_3 = arith.constant 80 : i32
    %scan3A_4 = arith.addi %scan3A_2, %scan3A_3 : i32
    %scan3A_5 = arith.constant 1 : i32
    scf.for %scan3A_26 = %scan3A_2 to %scan3A_4 step %scan3A_5  : i32 {
      %swap3A = arith.index_cast %scan3A_26 : i32 to index
      %swap3A_27 = arith.constant 0 : index
      %swap3A_28 = tpu.vector_load %arg8[%swap3A, %swap3A_27] {strides = array<i32>} : memref<80x128xf32, #tpu.memory_space<vmem>>, vector<1x16xf32>,
      %swap3A_29 = vector.shape_cast %swap3A_28 : vector<1x16xf32> to vector<16xf32>
      %swap3A_30 = vector.shape_cast %broadcast_in_dim3A_1 : vector<16xf32> to vector<1x16xf32>
      tpu.vector_store %arg8[%swap3A, %swap3A_27], %swap3A_30 {strides = array<i32>} : memref<80x128xf32, #tpu.memory_space<vmem>>, vector<1x16xf32>,
      %swap3A_31 = arith.index_cast %scan3A_26 : i32 to index
      %swap3A_32 = arith.constant 16 : index
      %swap3A_33 = tpu.vector_load %arg8[%swap3A_31, %swap3A_32] {strides = array<i32>} : memref<80x128xf32, #tpu.memory_space<vmem>>, vector<1x16xf32>,
      %swap3A_34 = vector.shape_cast %swap3A_33 : vector<1x16xf32> to vector<16xf32>
      %swap3A_35 = vector.shape_cast %broadcast_in_dim3A_1 : vector<16xf32> to vector<1x16xf32>
      tpu.vector_store %arg8[%swap3A_31, %swap3A_32], %swap3A_35 {strides = array<i32>} : memref<80x128xf32, #tpu.memory_space<vmem>>, vector<1x16xf32>,
      %swap3A_36 = arith.index_cast %scan3A_26 : i32 to index
      %swap3A_37 = arith.constant 32 : index
      %swap3A_38 = tpu.vector_load %arg8[%swap3A_36, %swap3A_37] {strides = array<i32>} : memref<80x128xf32, #tpu.memory_space<vmem>>, vector<1x16xf32>,
      %swap3A_39 = vector.shape_cast %swap3A_38 : vector<1x16xf32> to vector<16xf32>
      %swap3A_40 = vector.shape_cast %broadcast_in_dim3A_1 : vector<16xf32> to vector<1x16xf32>
      tpu.vector_store %arg8[%swap3A_36, %swap3A_37], %swap3A_40 {strides = array<i32>} : memref<80x128xf32, #tpu.memory_space<vmem>>, vector<1x16xf32>,
      %swap3A_41 = arith.index_cast %scan3A_26 : i32 to index
      %swap3A_42 = arith.constant 48 : index
      %swap3A_43 = tpu.vector_load %arg8[%swap3A_41, %swap3A_42] {strides = array<i32>} : memref<80x128xf32, #tpu.memory_space<vmem>>, vector<1x16xf32>,
      %swap3A_44 = vector.shape_cast %swap3A_43 : vector<1x16xf32> to vector<16xf32>
      %swap3A_45 = vector.shape_cast %broadcast_in_dim3A_1 : vector<16xf32> to vector<1x16xf32>
      tpu.vector_store %arg8[%swap3A_41, %swap3A_42], %swap3A_45 {strides = array<i32>} : memref<80x128xf32, #tpu.memory_space<vmem>>, vector<1x16xf32>,
      %swap3A_46 = arith.index_cast %scan3A_26 : i32 to index
      %swap3A_47 = arith.constant 64 : index
      %swap3A_48 = tpu.vector_load %arg8[%swap3A_46, %swap3A_47] {strides = array<i32>} : memref<80x128xf32, #tpu.memory_space<vmem>>, vector<1x16xf32>,
      %swap3A_49 = vector.shape_cast %swap3A_48 : vector<1x16xf32> to vector<16xf32>
      %swap3A_50 = vector.shape_cast %broadcast_in_dim3A_1 : vector<16xf32> to vector<1x16xf32>
      tpu.vector_store %arg8[%swap3A_46, %swap3A_47], %swap3A_50 {strides = array<i32>} : memref<80x128xf32, #tpu.memory_space<vmem>>, vector<1x16xf32>,
      %swap3A_51 = arith.index_cast %scan3A_26 : i32 to index
      %swap3A_52 = arith.constant 80 : index
      %swap3A_53 = tpu.vector_load %arg8[%swap3A_51, %swap3A_52] {strides = array<i32>} : memref<80x128xf32, #tpu.memory_space<vmem>>, vector<1x16xf32>,
      %swap3A_54 = vector.shape_cast %swap3A_53 : vector<1x16xf32> to vector<16xf32>
      %swap3A_55 = vector.shape_cast %broadcast_in_dim3A_1 : vector<16xf32> to vector<1x16xf32>
      tpu.vector_store %arg8[%swap3A_51, %swap3A_52], %swap3A_55 {strides = array<i32>} : memref<80x128xf32, #tpu.memory_space<vmem>>, vector<1x16xf32>,
      %swap3A_56 = arith.index_cast %scan3A_26 : i32 to index
      %swap3A_57 = arith.constant 96 : index
      %swap3A_58 = tpu.vector_load %arg8[%swap3A_56, %swap3A_57] {strides = array<i32>} : memref<80x128xf32, #tpu.memory_space<vmem>>, vector<1x16xf32>,
      %swap3A_59 = vector.shape_cast %swap3A_58 : vector<1x16xf32> to vector<16xf32>
      %swap3A_60 = vector.shape_cast %broadcast_in_dim3A_1 : vector<16xf32> to vector<1x16xf32>
      tpu.vector_store %arg8[%swap3A_56, %swap3A_57], %swap3A_60 {strides = array<i32>} : memref<80x128xf32, #tpu.memory_space<vmem>>, vector<1x16xf32>,
      %swap3A_61 = arith.index_cast %scan3A_26 : i32 to index
      %swap3A_62 = arith.constant 112 : index
      %swap3A_63 = tpu.vector_load %arg8[%swap3A_61, %swap3A_62] {strides = array<i32>} : memref<80x128xf32, #tpu.memory_space<vmem>>, vector<1x16xf32>,
      %swap3A_64 = vector.shape_cast %swap3A_63 : vector<1x16xf32> to vector<16xf32>
      %swap3A_65 = vector.shape_cast %broadcast_in_dim3A_1 : vector<16xf32> to vector<1x16xf32>
      tpu.vector_store %arg8[%swap3A_61, %swap3A_62], %swap3A_65 {strides = array<i32>} : memref<80x128xf32, #tpu.memory_space<vmem>>, vector<1x16xf32>,
    }
    %scan3A_6 = arith.constant 80 : i32
    %scan3A_7 = arith.constant 0 : i32
    %scan3A_8 = arith.constant 0 : i32
    %scan3A_9 = arith.constant 8 : i32
    %scan3A_10 = arith.addi %scan3A_8, %scan3A_9 : i32
    %scan3A_11 = arith.constant 1 : i32
    scf.for %scan3A_26 = %scan3A_8 to %scan3A_10 step %scan3A_11  : i32 {
      %mul3A_27 = arith.constant 16 : i32
      %mul3A_28 = arith.muli %scan3A_26, %mul3A_27 : i32
      %add3A_29 = arith.addi %mul3A_28, %arg1 : i32
      %lt3A = arith.constant 125 : i32
      %lt3A_30 = arith.cmpi slt, %add3A_29, %lt3A : i32
      %convert_element_type3A = arith.extui %lt3A_30 : i1 to i32
      %cond3A = arith.constant 0 : i32
      %cond3A_31 = arith.cmpi ne, %convert_element_type3A, %cond3A : i32
      scf.if %cond3A_31 {
        %mul3A_32 = arith.constant 80 : i32
        %mul3A_33 = arith.muli %add3A_29, %mul3A_32 : i32
        "tpu.region"() ({
          %run_scoped3A = tpu.sem_alloc : memref<!tpu.dma_semaphore, #tpu.memory_space<semaphore_mem>>
          %dma_start3A = arith.constant 0 : i32
          %dma_start3A_34 = tpu.memref_slice %arg9[%mul3A_33, %dma_start3A] : memref<10000x128xf32, #tpu.memory_space<vmem_shared>> -> memref<80x128xf32, #tpu.memory_space<vmem_shared>>
          %dma_start3A_35 = arith.constant 0 : i32
          %dma_start3A_36 = tpu.memref_slice %arg9[%mul3A_33, %dma_start3A_35] : memref<10000x128xf32, #tpu.memory_space<vmem_shared>> -> memref<80x128xf32, #tpu.memory_space<vmem_shared>>
          tpu.enqueue_dma source(%arg8 : memref<80x128xf32, #tpu.memory_space<vmem>>) target(%dma_start3A_36 : memref<80x128xf32, #tpu.memory_space<vmem_shared>>) target_semaphore(%run_scoped3A : memref<!tpu.dma_semaphore, #tpu.memory_space<semaphore_mem>>)
          %dma_wait3A = arith.constant 0 : i32
          %dma_wait3A_37 = tpu.memref_slice %arg9[%mul3A_33, %dma_wait3A] : memref<10000x128xf32, #tpu.memory_space<vmem_shared>> -> memref<80x128xf32, #tpu.memory_space<vmem_shared>>
          %dma_wait3A_38 = arith.constant 0 : i32
          %dma_wait3A_39 = tpu.memref_slice %arg9[%mul3A_33, %dma_wait3A_38] : memref<10000x128xf32, #tpu.memory_space<vmem_shared>> -> memref<80x128xf32, #tpu.memory_space<vmem_shared>>
          tpu.wait_dma2 semaphore(%run_scoped3A : memref<!tpu.dma_semaphore, #tpu.memory_space<semaphore_mem>>) src(%arg8 : memref<80x128xf32, #tpu.memory_space<vmem>>) dst(%dma_wait3A_39 : memref<80x128xf32, #tpu.memory_space<vmem_shared>>)
          tpu.yield
        }) : () -> ()
      } else {
      }
    }
    %scan3A_12 = arith.constant 8 : i32
    "tpu.region"() ({
      %run_scoped3A = tpu.sem_alloc : memref<!tpu.dma_semaphore, #tpu.memory_space<semaphore_mem>>
      %dma_start3A = arith.constant 0 : i32
      %dma_start3A_26 = arith.constant 0 : i32
      %dma_start3A_27 = tpu.memref_slice %arg3[%add3A, %dma_start3A, %dma_start3A_26] : memref<32x125x80xi32, #tpu.memory_space<hbm>> -> memref<1x125x80xi32, #tpu.memory_space<hbm>>
      %dma_start3A_28 = tpu.memref_squeeze %dma_start3A_27 : memref<1x125x80xi32, #tpu.memory_space<hbm>> -> memref<125x80xi32, #tpu.memory_space<hbm>>
      %dma_start3A_29 = arith.constant 0 : i32
      %dma_start3A_30 = arith.constant 0 : i32
      %dma_start3A_31 = tpu.memref_slice %arg3[%add3A, %dma_start3A_29, %dma_start3A_30] : memref<32x125x80xi32, #tpu.memory_space<hbm>> -> memref<1x125x80xi32, #tpu.memory_space<hbm>>
      %dma_start3A_32 = tpu.memref_squeeze %dma_start3A_31 : memref<1x125x80xi32, #tpu.memory_space<hbm>> -> memref<125x80xi32, #tpu.memory_space<hbm>>
      tpu.enqueue_dma source(%dma_start3A_32 : memref<125x80xi32, #tpu.memory_space<hbm>>) target(%arg6 : memref<125x80xi32, #tpu.memory_space<vmem>>) target_semaphore(%run_scoped3A : memref<!tpu.dma_semaphore, #tpu.memory_space<semaphore_mem>>)
      %dma_wait3A = arith.constant 0 : i32
      %dma_wait3A_33 = arith.constant 0 : i32
      %dma_wait3A_34 = tpu.memref_slice %arg3[%add3A, %dma_wait3A, %dma_wait3A_33] : memref<32x125x80xi32, #tpu.memory_space<hbm>> -> memref<1x125x80xi32, #tpu.memory_space<hbm>>
      %dma_wait3A_35 = tpu.memref_squeeze %dma_wait3A_34 : memref<1x125x80xi32, #tpu.memory_space<hbm>> -> memref<125x80xi32, #tpu.memory_space<hbm>>
      %dma_wait3A_36 = arith.constant 0 : i32
      %dma_wait3A_37 = arith.constant 0 : i32
      %dma_wait3A_38 = tpu.memref_slice %arg3[%add3A, %dma_wait3A_36, %dma_wait3A_37] : memref<32x125x80xi32, #tpu.memory_space<hbm>> -> memref<1x125x80xi32, #tpu.memory_space<hbm>>
      %dma_wait3A_39 = tpu.memref_squeeze %dma_wait3A_38 : memref<1x125x80xi32, #tpu.memory_space<hbm>> -> memref<125x80xi32, #tpu.memory_space<hbm>>
      tpu.wait_dma2 semaphore(%run_scoped3A : memref<!tpu.dma_semaphore, #tpu.memory_space<semaphore_mem>>) src(%dma_wait3A_39 : memref<125x80xi32, #tpu.memory_space<hbm>>) dst(%arg6 : memref<125x80xi32, #tpu.memory_space<vmem>>)
      tpu.yield
    }) : () -> ()
    "tpu.region"() ({
      %run_scoped3A = tpu.sem_alloc : memref<!tpu.dma_semaphore, #tpu.memory_space<semaphore_mem>>
      %dma_start3A = arith.constant 0 : i32
      %dma_start3A_26 = arith.constant 0 : i32
      %dma_start3A_27 = tpu.memref_slice %arg4[%add3A, %dma_start3A, %dma_start3A_26] : memref<32x125x80xi32, #tpu.memory_space<hbm>> -> memref<1x125x80xi32, #tpu.memory_space<hbm>>
      %dma_start3A_28 = tpu.memref_squeeze %dma_start3A_27 : memref<1x125x80xi32, #tpu.memory_space<hbm>> -> memref<125x80xi32, #tpu.memory_space<hbm>>
      %dma_start3A_29 = arith.constant 0 : i32
      %dma_start3A_30 = arith.constant 0 : i32
      %dma_start3A_31 = tpu.memref_slice %arg4[%add3A, %dma_start3A_29, %dma_start3A_30] : memref<32x125x80xi32, #tpu.memory_space<hbm>> -> memref<1x125x80xi32, #tpu.memory_space<hbm>>
      %dma_start3A_32 = tpu.memref_squeeze %dma_start3A_31 : memref<1x125x80xi32, #tpu.memory_space<hbm>> -> memref<125x80xi32, #tpu.memory_space<hbm>>
      tpu.enqueue_dma source(%dma_start3A_32 : memref<125x80xi32, #tpu.memory_space<hbm>>) target(%arg7 : memref<125x80xi32, #tpu.memory_space<vmem>>) target_semaphore(%run_scoped3A : memref<!tpu.dma_semaphore, #tpu.memory_space<semaphore_mem>>)
      %dma_wait3A = arith.constant 0 : i32
      %dma_wait3A_33 = arith.constant 0 : i32
      %dma_wait3A_34 = tpu.memref_slice %arg4[%add3A, %dma_wait3A, %dma_wait3A_33] : memref<32x125x80xi32, #tpu.memory_space<hbm>> -> memref<1x125x80xi32, #tpu.memory_space<hbm>>
      %dma_wait3A_35 = tpu.memref_squeeze %dma_wait3A_34 : memref<1x125x80xi32, #tpu.memory_space<hbm>> -> memref<125x80xi32, #tpu.memory_space<hbm>>
      %dma_wait3A_36 = arith.constant 0 : i32
      %dma_wait3A_37 = arith.constant 0 : i32
      %dma_wait3A_38 = tpu.memref_slice %arg4[%add3A, %dma_wait3A_36, %dma_wait3A_37] : memref<32x125x80xi32, #tpu.memory_space<hbm>> -> memref<1x125x80xi32, #tpu.memory_space<hbm>>
      %dma_wait3A_39 = tpu.memref_squeeze %dma_wait3A_38 : memref<1x125x80xi32, #tpu.memory_space<hbm>> -> memref<125x80xi32, #tpu.memory_space<hbm>>
      tpu.wait_dma2 semaphore(%run_scoped3A : memref<!tpu.dma_semaphore, #tpu.memory_space<semaphore_mem>>) src(%dma_wait3A_39 : memref<125x80xi32, #tpu.memory_space<hbm>>) dst(%arg7 : memref<125x80xi32, #tpu.memory_space<vmem>>)
      tpu.yield
    }) : () -> ()
    %barrier3A = arith.constant 0 : index
    tpu.barrier barrier_id(%barrier3A)
    %scan3A_13 = arith.constant 0 : i32
    %scan3A_14 = arith.constant 0 : i32
    %scan3A_15 = arith.constant 125 : i32
    %scan3A_16 = arith.addi %scan3A_14, %scan3A_15 : i32
    %scan3A_17 = arith.constant 1 : i32
    scf.for %scan3A_26 = %scan3A_14 to %scan3A_16 step %scan3A_17  : i32 {
      %dma_start3A = arith.constant 0 : i32
      %dma_start3A_27 = tpu.memref_slice %arg6[%scan3A_26, %dma_start3A] : memref<125x80xi32, #tpu.memory_space<vmem>> -> memref<1x80xi32, #tpu.memory_space<vmem>>
      %dma_start3A_28 = tpu.memref_squeeze %dma_start3A_27 : memref<1x80xi32, #tpu.memory_space<vmem>> -> memref<80xi32, #tpu.memory_space<vmem>>
      %dma_start3A_29 = arith.constant 0 : i32
      %dma_start3A_30 = arith.constant 0 : i32
      %dma_start3A_31 = tpu.memref_slice %arg2[%dma_start3A_29, %dma_start3A_30] : memref<10000x128xf32, #tpu.memory_space<hbm>> -> memref<10000x128xf32, #tpu.memory_space<hbm>>
      tpu.enqueue_indirect_dma source(%dma_start3A_31 : memref<10000x128xf32, #tpu.memory_space<hbm>>) target(%arg8 : memref<80x128xf32, #tpu.memory_space<vmem>>) offsets(%dma_start3A_28 : memref<80xi32, #tpu.memory_space<vmem>>) semaphore(%arg10 : memref<!tpu.dma_semaphore, #tpu.memory_space<semaphore_mem>>)
      %dma_wait3A = arith.constant 0 : i32
      %dma_wait3A_32 = tpu.memref_slice %arg6[%scan3A_26, %dma_wait3A] : memref<125x80xi32, #tpu.memory_space<vmem>> -> memref<1x80xi32, #tpu.memory_space<vmem>>
      %dma_wait3A_33 = tpu.memref_squeeze %dma_wait3A_32 : memref<1x80xi32, #tpu.memory_space<vmem>> -> memref<80xi32, #tpu.memory_space<vmem>>
      %dma_wait3A_34 = arith.constant 0 : i32
      %dma_wait3A_35 = arith.constant 0 : i32
      %dma_wait3A_36 = tpu.memref_slice %arg2[%dma_wait3A_34, %dma_wait3A_35] : memref<10000x128xf32, #tpu.memory_space<hbm>> -> memref<10000x128xf32, #tpu.memory_space<hbm>>
      tpu.wait_indirect_dma semaphore(%arg10 : memref<!tpu.dma_semaphore, #tpu.memory_space<semaphore_mem>>) src(%dma_wait3A_36 : memref<10000x128xf32, #tpu.memory_space<hbm>>) dst(%arg8 : memref<80x128xf32, #tpu.memory_space<vmem>>)
      "tpu.region"() ({
        %run_scoped3A = tpu.sem_alloc : memref<!tpu.dma_semaphore, #tpu.memory_space<semaphore_mem>>
        %dma_start3A_37 = arith.constant 0 : i32
        %dma_start3A_38 = tpu.memref_slice %arg7[%scan3A_26, %dma_start3A_37] : memref<125x80xi32, #tpu.memory_space<vmem>> -> memref<1x80xi32, #tpu.memory_space<vmem>>
        %dma_start3A_39 = tpu.memref_squeeze %dma_start3A_38 : memref<1x80xi32, #tpu.memory_space<vmem>> -> memref<80xi32, #tpu.memory_space<vmem>>
        %dma_start3A_40 = arith.constant 0 : i32
        %dma_start3A_41 = arith.constant 0 : i32
        %dma_start3A_42 = tpu.memref_slice %arg9[%dma_start3A_40, %dma_start3A_41] : memref<10000x128xf32, #tpu.memory_space<vmem_shared>> -> memref<10000x128xf32, #tpu.memory_space<vmem_shared>>
        tpu.enqueue_indirect_dma source(%arg8 : memref<80x128xf32, #tpu.memory_space<vmem>>) target(%dma_start3A_42 : memref<10000x128xf32, #tpu.memory_space<vmem_shared>>) offsets(%dma_start3A_39 : memref<80xi32, #tpu.memory_space<vmem>>) semaphore(%run_scoped3A : memref<!tpu.dma_semaphore, #tpu.memory_space<semaphore_mem>>) {add = true}
        %dma_wait3A_43 = arith.constant 0 : i32
        %dma_wait3A_44 = tpu.memref_slice %arg7[%scan3A_26, %dma_wait3A_43] : memref<125x80xi32, #tpu.memory_space<vmem>> -> memref<1x80xi32, #tpu.memory_space<vmem>>
        %dma_wait3A_45 = tpu.memref_squeeze %dma_wait3A_44 : memref<1x80xi32, #tpu.memory_space<vmem>> -> memref<80xi32, #tpu.memory_space<vmem>>
        %dma_wait3A_46 = arith.constant 0 : i32
        %dma_wait3A_47 = arith.constant 0 : i32
        %dma_wait3A_48 = tpu.memref_slice %arg9[%dma_wait3A_46, %dma_wait3A_47] : memref<10000x128xf32, #tpu.memory_space<vmem_shared>> -> memref<10000x128xf32, #tpu.memory_space<vmem_shared>>
        tpu.wait_indirect_dma semaphore(%run_scoped3A : memref<!tpu.dma_semaphore, #tpu.memory_space<semaphore_mem>>) src(%arg8 : memref<80x128xf32, #tpu.memory_space<vmem>>) dst(%dma_wait3A_48 : memref<10000x128xf32, #tpu.memory_space<vmem_shared>>)
        tpu.yield
      }) : () -> ()
    }
    %scan3A_18 = arith.constant 125 : i32
    %barrier3A_19 = arith.constant 0 : index
    tpu.barrier barrier_id(%barrier3A_19)
    %scan3A_20 = arith.constant 0 : i32
    %scan3A_21 = arith.constant 0 : i32
    %scan3A_22 = arith.constant 8 : i32
    %scan3A_23 = arith.addi %scan3A_21, %scan3A_22 : i32
    %scan3A_24 = arith.constant 1 : i32
    scf.for %scan3A_26 = %scan3A_21 to %scan3A_23 step %scan3A_24  : i32 {
      %mul3A_27 = arith.constant 16 : i32
      %mul3A_28 = arith.muli %scan3A_26, %mul3A_27 : i32
      %add3A_29 = arith.addi %mul3A_28, %arg1 : i32
      %lt3A = arith.constant 125 : i32
      %lt3A_30 = arith.cmpi slt, %add3A_29, %lt3A : i32
      %convert_element_type3A = arith.extui %lt3A_30 : i1 to i32
      %cond3A = arith.constant 0 : i32
      %cond3A_31 = arith.cmpi ne, %convert_element_type3A, %cond3A : i32
      scf.if %cond3A_31 {
        %mul3A_32 = arith.constant 80 : i32
        %mul3A_33 = arith.muli %add3A_29, %mul3A_32 : i32
        "tpu.region"() ({
          %run_scoped3A = tpu.sem_alloc : memref<!tpu.dma_semaphore, #tpu.memory_space<semaphore_mem>>
          %dma_start3A = arith.constant 0 : i32
          %dma_start3A_37 = tpu.memref_slice %arg9[%mul3A_33, %dma_start3A] : memref<10000x128xf32, #tpu.memory_space<vmem_shared>> -> memref<80x128xf32, #tpu.memory_space<vmem_shared>>
          %dma_start3A_38 = arith.constant 0 : i32
          %dma_start3A_39 = tpu.memref_slice %arg9[%mul3A_33, %dma_start3A_38] : memref<10000x128xf32, #tpu.memory_space<vmem_shared>> -> memref<80x128xf32, #tpu.memory_space<vmem_shared>>
          tpu.enqueue_dma source(%dma_start3A_39 : memref<80x128xf32, #tpu.memory_space<vmem_shared>>) target(%arg8 : memref<80x128xf32, #tpu.memory_space<vmem>>) target_semaphore(%run_scoped3A : memref<!tpu.dma_semaphore, #tpu.memory_space<semaphore_mem>>)
          %dma_wait3A = arith.constant 0 : i32
          %dma_wait3A_40 = tpu.memref_slice %arg9[%mul3A_33, %dma_wait3A] : memref<10000x128xf32, #tpu.memory_space<vmem_shared>> -> memref<80x128xf32, #tpu.memory_space<vmem_shared>>
          %dma_wait3A_41 = arith.constant 0 : i32
          %dma_wait3A_42 = tpu.memref_slice %arg9[%mul3A_33, %dma_wait3A_41] : memref<10000x128xf32, #tpu.memory_space<vmem_shared>> -> memref<80x128xf32, #tpu.memory_space<vmem_shared>>
          tpu.wait_dma2 semaphore(%run_scoped3A : memref<!tpu.dma_semaphore, #tpu.memory_space<semaphore_mem>>) src(%dma_wait3A_42 : memref<80x128xf32, #tpu.memory_space<vmem_shared>>) dst(%arg8 : memref<80x128xf32, #tpu.memory_space<vmem>>)
          tpu.yield
        }) : () -> ()
        %mul3A_34 = arith.constant 10000 : i32
        %mul3A_35 = arith.muli %arg0, %mul3A_34 : i32
        %add3A_36 = arith.addi %mul3A_35, %mul3A_33 : i32
        "tpu.region"() ({
          %run_scoped3A = tpu.sem_alloc : memref<!tpu.dma_semaphore, #tpu.memory_space<semaphore_mem>>
          %dma_start3A = arith.constant 0 : i32
          %dma_start3A_37 = tpu.memref_slice %arg5[%add3A_36, %dma_start3A] : memref<20000x128xf32, #tpu.memory_space<hbm>> -> memref<80x128xf32, #tpu.memory_space<hbm>>
          %dma_start3A_38 = arith.constant 0 : i32
          %dma_start3A_39 = tpu.memref_slice %arg5[%add3A_36, %dma_start3A_38] : memref<20000x128xf32, #tpu.memory_space<hbm>> -> memref<80x128xf32, #tpu.memory_space<hbm>>
          tpu.enqueue_dma source(%arg8 : memref<80x128xf32, #tpu.memory_space<vmem>>) target(%dma_start3A_39 : memref<80x128xf32, #tpu.memory_space<hbm>>) target_semaphore(%run_scoped3A : memref<!tpu.dma_semaphore, #tpu.memory_space<semaphore_mem>>)
          %dma_wait3A = arith.constant 0 : i32
          %dma_wait3A_40 = tpu.memref_slice %arg5[%add3A_36, %dma_wait3A] : memref<20000x128xf32, #tpu.memory_space<hbm>> -> memref<80x128xf32, #tpu.memory_space<hbm>>
          %dma_wait3A_41 = arith.constant 0 : i32
          %dma_wait3A_42 = tpu.memref_slice %arg5[%add3A_36, %dma_wait3A_41] : memref<20000x128xf32, #tpu.memory_space<hbm>> -> memref<80x128xf32, #tpu.memory_space<hbm>>
          tpu.wait_dma2 semaphore(%run_scoped3A : memref<!tpu.dma_semaphore, #tpu.memory_space<semaphore_mem>>) src(%arg8 : memref<80x128xf32, #tpu.memory_space<vmem>>) dst(%dma_wait3A_42 : memref<80x128xf32, #tpu.memory_space<hbm>>)
          tpu.yield
        }) : () -> ()
      } else {
      }
    }
    %scan3A_25 = arith.constant 8 : i32
    return
  }
}

#map = affine_map<(d0, d1) -> (0, 0)>
#map1 = affine_map<(d0, d1) -> (0, 0, 0)>
module attributes {stable_mosaic.version = 14 : i64} {
  func.func @_segsum_body(%arg0: i32, %arg1: i32, %arg2: memref<10000x64xf32, #tpu.memory_space<hbm>>, %arg3: memref<32x125x80xi32, #tpu.memory_space<hbm>>, %arg4: memref<32x125x80xi32, #tpu.memory_space<hbm>>, %arg5: memref<20000x64xf32, #tpu.memory_space<hbm>>, %arg6: memref<125x80xi32, #tpu.memory_space<vmem>>, %arg7: memref<125x80xi32, #tpu.memory_space<vmem>>, %arg8: memref<80x64xf32, #tpu.memory_space<vmem>>, %arg9: memref<10000x64xf32, #tpu.memory_space<vmem_shared>>, %arg10: memref<!tpu.dma_semaphore, #tpu.memory_space<semaphore_mem>>) attributes {dimension_semantics = [#tpu.dimension_semantics<core_parallel>, #tpu.dimension_semantics<subcore_parallel>], iteration_bounds = array<i64: 2, 16>, scalar_prefetch = 0 : i64, scratch_operands = 5 : i64, tpu.core_type = #tpu.core_type<sc_vector_subcore>, window_params = [{transform_indices = #map}, {transform_indices = #map1}, {transform_indices = #map1}, {transform_indices = #map}]} {
    %mul3A = arith.constant 16 : i32
    %mul3A_0 = arith.muli %arg0, %mul3A : i32
    %add3A = arith.addi %mul3A_0, %arg1 : i32
    %broadcast_in_dim3A = arith.constant 0.000000e+00 : f32
    %broadcast_in_dim3A_1 = vector.broadcast %broadcast_in_dim3A : f32 to vector<16xf32>
    %scan3A = arith.constant 0 : i32
    %scan3A_2 = arith.constant 0 : i32
    %scan3A_3 = arith.constant 80 : i32
    %scan3A_4 = arith.addi %scan3A_2, %scan3A_3 : i32
    %scan3A_5 = arith.constant 1 : i32
    scf.for %scan3A_26 = %scan3A_2 to %scan3A_4 step %scan3A_5  : i32 {
      %swap3A = arith.index_cast %scan3A_26 : i32 to index
      %swap3A_27 = arith.constant 0 : index
      %swap3A_28 = tpu.vector_load %arg8[%swap3A, %swap3A_27] {strides = array<i32>} : memref<80x64xf32, #tpu.memory_space<vmem>>, vector<1x16xf32>,
      %swap3A_29 = vector.shape_cast %swap3A_28 : vector<1x16xf32> to vector<16xf32>
      %swap3A_30 = vector.shape_cast %broadcast_in_dim3A_1 : vector<16xf32> to vector<1x16xf32>
      tpu.vector_store %arg8[%swap3A, %swap3A_27], %swap3A_30 {strides = array<i32>} : memref<80x64xf32, #tpu.memory_space<vmem>>, vector<1x16xf32>,
      %swap3A_31 = arith.index_cast %scan3A_26 : i32 to index
      %swap3A_32 = arith.constant 16 : index
      %swap3A_33 = tpu.vector_load %arg8[%swap3A_31, %swap3A_32] {strides = array<i32>} : memref<80x64xf32, #tpu.memory_space<vmem>>, vector<1x16xf32>,
      %swap3A_34 = vector.shape_cast %swap3A_33 : vector<1x16xf32> to vector<16xf32>
      %swap3A_35 = vector.shape_cast %broadcast_in_dim3A_1 : vector<16xf32> to vector<1x16xf32>
      tpu.vector_store %arg8[%swap3A_31, %swap3A_32], %swap3A_35 {strides = array<i32>} : memref<80x64xf32, #tpu.memory_space<vmem>>, vector<1x16xf32>,
      %swap3A_36 = arith.index_cast %scan3A_26 : i32 to index
      %swap3A_37 = arith.constant 32 : index
      %swap3A_38 = tpu.vector_load %arg8[%swap3A_36, %swap3A_37] {strides = array<i32>} : memref<80x64xf32, #tpu.memory_space<vmem>>, vector<1x16xf32>,
      %swap3A_39 = vector.shape_cast %swap3A_38 : vector<1x16xf32> to vector<16xf32>
      %swap3A_40 = vector.shape_cast %broadcast_in_dim3A_1 : vector<16xf32> to vector<1x16xf32>
      tpu.vector_store %arg8[%swap3A_36, %swap3A_37], %swap3A_40 {strides = array<i32>} : memref<80x64xf32, #tpu.memory_space<vmem>>, vector<1x16xf32>,
      %swap3A_41 = arith.index_cast %scan3A_26 : i32 to index
      %swap3A_42 = arith.constant 48 : index
      %swap3A_43 = tpu.vector_load %arg8[%swap3A_41, %swap3A_42] {strides = array<i32>} : memref<80x64xf32, #tpu.memory_space<vmem>>, vector<1x16xf32>,
      %swap3A_44 = vector.shape_cast %swap3A_43 : vector<1x16xf32> to vector<16xf32>
      %swap3A_45 = vector.shape_cast %broadcast_in_dim3A_1 : vector<16xf32> to vector<1x16xf32>
      tpu.vector_store %arg8[%swap3A_41, %swap3A_42], %swap3A_45 {strides = array<i32>} : memref<80x64xf32, #tpu.memory_space<vmem>>, vector<1x16xf32>,
    }
    %scan3A_6 = arith.constant 80 : i32
    %scan3A_7 = arith.constant 0 : i32
    %scan3A_8 = arith.constant 0 : i32
    %scan3A_9 = arith.constant 8 : i32
    %scan3A_10 = arith.addi %scan3A_8, %scan3A_9 : i32
    %scan3A_11 = arith.constant 1 : i32
    scf.for %scan3A_26 = %scan3A_8 to %scan3A_10 step %scan3A_11  : i32 {
      %mul3A_27 = arith.constant 16 : i32
      %mul3A_28 = arith.muli %scan3A_26, %mul3A_27 : i32
      %add3A_29 = arith.addi %mul3A_28, %arg1 : i32
      %lt3A = arith.constant 125 : i32
      %lt3A_30 = arith.cmpi slt, %add3A_29, %lt3A : i32
      %convert_element_type3A = arith.extui %lt3A_30 : i1 to i32
      %cond3A = arith.constant 0 : i32
      %cond3A_31 = arith.cmpi ne, %convert_element_type3A, %cond3A : i32
      scf.if %cond3A_31 {
        %mul3A_32 = arith.constant 80 : i32
        %mul3A_33 = arith.muli %add3A_29, %mul3A_32 : i32
        "tpu.region"() ({
          %run_scoped3A = tpu.sem_alloc : memref<!tpu.dma_semaphore, #tpu.memory_space<semaphore_mem>>
          %dma_start3A = arith.constant 0 : i32
          %dma_start3A_34 = tpu.memref_slice %arg9[%mul3A_33, %dma_start3A] : memref<10000x64xf32, #tpu.memory_space<vmem_shared>> -> memref<80x64xf32, #tpu.memory_space<vmem_shared>>
          %dma_start3A_35 = arith.constant 0 : i32
          %dma_start3A_36 = tpu.memref_slice %arg9[%mul3A_33, %dma_start3A_35] : memref<10000x64xf32, #tpu.memory_space<vmem_shared>> -> memref<80x64xf32, #tpu.memory_space<vmem_shared>>
          tpu.enqueue_dma source(%arg8 : memref<80x64xf32, #tpu.memory_space<vmem>>) target(%dma_start3A_36 : memref<80x64xf32, #tpu.memory_space<vmem_shared>>) target_semaphore(%run_scoped3A : memref<!tpu.dma_semaphore, #tpu.memory_space<semaphore_mem>>)
          %dma_wait3A = arith.constant 0 : i32
          %dma_wait3A_37 = tpu.memref_slice %arg9[%mul3A_33, %dma_wait3A] : memref<10000x64xf32, #tpu.memory_space<vmem_shared>> -> memref<80x64xf32, #tpu.memory_space<vmem_shared>>
          %dma_wait3A_38 = arith.constant 0 : i32
          %dma_wait3A_39 = tpu.memref_slice %arg9[%mul3A_33, %dma_wait3A_38] : memref<10000x64xf32, #tpu.memory_space<vmem_shared>> -> memref<80x64xf32, #tpu.memory_space<vmem_shared>>
          tpu.wait_dma2 semaphore(%run_scoped3A : memref<!tpu.dma_semaphore, #tpu.memory_space<semaphore_mem>>) src(%arg8 : memref<80x64xf32, #tpu.memory_space<vmem>>) dst(%dma_wait3A_39 : memref<80x64xf32, #tpu.memory_space<vmem_shared>>)
          tpu.yield
        }) : () -> ()
      } else {
      }
    }
    %scan3A_12 = arith.constant 8 : i32
    "tpu.region"() ({
      %run_scoped3A = tpu.sem_alloc : memref<!tpu.dma_semaphore, #tpu.memory_space<semaphore_mem>>
      %dma_start3A = arith.constant 0 : i32
      %dma_start3A_26 = arith.constant 0 : i32
      %dma_start3A_27 = tpu.memref_slice %arg3[%add3A, %dma_start3A, %dma_start3A_26] : memref<32x125x80xi32, #tpu.memory_space<hbm>> -> memref<1x125x80xi32, #tpu.memory_space<hbm>>
      %dma_start3A_28 = tpu.memref_squeeze %dma_start3A_27 : memref<1x125x80xi32, #tpu.memory_space<hbm>> -> memref<125x80xi32, #tpu.memory_space<hbm>>
      %dma_start3A_29 = arith.constant 0 : i32
      %dma_start3A_30 = arith.constant 0 : i32
      %dma_start3A_31 = tpu.memref_slice %arg3[%add3A, %dma_start3A_29, %dma_start3A_30] : memref<32x125x80xi32, #tpu.memory_space<hbm>> -> memref<1x125x80xi32, #tpu.memory_space<hbm>>
      %dma_start3A_32 = tpu.memref_squeeze %dma_start3A_31 : memref<1x125x80xi32, #tpu.memory_space<hbm>> -> memref<125x80xi32, #tpu.memory_space<hbm>>
      tpu.enqueue_dma source(%dma_start3A_32 : memref<125x80xi32, #tpu.memory_space<hbm>>) target(%arg6 : memref<125x80xi32, #tpu.memory_space<vmem>>) target_semaphore(%run_scoped3A : memref<!tpu.dma_semaphore, #tpu.memory_space<semaphore_mem>>)
      %dma_wait3A = arith.constant 0 : i32
      %dma_wait3A_33 = arith.constant 0 : i32
      %dma_wait3A_34 = tpu.memref_slice %arg3[%add3A, %dma_wait3A, %dma_wait3A_33] : memref<32x125x80xi32, #tpu.memory_space<hbm>> -> memref<1x125x80xi32, #tpu.memory_space<hbm>>
      %dma_wait3A_35 = tpu.memref_squeeze %dma_wait3A_34 : memref<1x125x80xi32, #tpu.memory_space<hbm>> -> memref<125x80xi32, #tpu.memory_space<hbm>>
      %dma_wait3A_36 = arith.constant 0 : i32
      %dma_wait3A_37 = arith.constant 0 : i32
      %dma_wait3A_38 = tpu.memref_slice %arg3[%add3A, %dma_wait3A_36, %dma_wait3A_37] : memref<32x125x80xi32, #tpu.memory_space<hbm>> -> memref<1x125x80xi32, #tpu.memory_space<hbm>>
      %dma_wait3A_39 = tpu.memref_squeeze %dma_wait3A_38 : memref<1x125x80xi32, #tpu.memory_space<hbm>> -> memref<125x80xi32, #tpu.memory_space<hbm>>
      tpu.wait_dma2 semaphore(%run_scoped3A : memref<!tpu.dma_semaphore, #tpu.memory_space<semaphore_mem>>) src(%dma_wait3A_39 : memref<125x80xi32, #tpu.memory_space<hbm>>) dst(%arg6 : memref<125x80xi32, #tpu.memory_space<vmem>>)
      tpu.yield
    }) : () -> ()
    "tpu.region"() ({
      %run_scoped3A = tpu.sem_alloc : memref<!tpu.dma_semaphore, #tpu.memory_space<semaphore_mem>>
      %dma_start3A = arith.constant 0 : i32
      %dma_start3A_26 = arith.constant 0 : i32
      %dma_start3A_27 = tpu.memref_slice %arg4[%add3A, %dma_start3A, %dma_start3A_26] : memref<32x125x80xi32, #tpu.memory_space<hbm>> -> memref<1x125x80xi32, #tpu.memory_space<hbm>>
      %dma_start3A_28 = tpu.memref_squeeze %dma_start3A_27 : memref<1x125x80xi32, #tpu.memory_space<hbm>> -> memref<125x80xi32, #tpu.memory_space<hbm>>
      %dma_start3A_29 = arith.constant 0 : i32
      %dma_start3A_30 = arith.constant 0 : i32
      %dma_start3A_31 = tpu.memref_slice %arg4[%add3A, %dma_start3A_29, %dma_start3A_30] : memref<32x125x80xi32, #tpu.memory_space<hbm>> -> memref<1x125x80xi32, #tpu.memory_space<hbm>>
      %dma_start3A_32 = tpu.memref_squeeze %dma_start3A_31 : memref<1x125x80xi32, #tpu.memory_space<hbm>> -> memref<125x80xi32, #tpu.memory_space<hbm>>
      tpu.enqueue_dma source(%dma_start3A_32 : memref<125x80xi32, #tpu.memory_space<hbm>>) target(%arg7 : memref<125x80xi32, #tpu.memory_space<vmem>>) target_semaphore(%run_scoped3A : memref<!tpu.dma_semaphore, #tpu.memory_space<semaphore_mem>>)
      %dma_wait3A = arith.constant 0 : i32
      %dma_wait3A_33 = arith.constant 0 : i32
      %dma_wait3A_34 = tpu.memref_slice %arg4[%add3A, %dma_wait3A, %dma_wait3A_33] : memref<32x125x80xi32, #tpu.memory_space<hbm>> -> memref<1x125x80xi32, #tpu.memory_space<hbm>>
      %dma_wait3A_35 = tpu.memref_squeeze %dma_wait3A_34 : memref<1x125x80xi32, #tpu.memory_space<hbm>> -> memref<125x80xi32, #tpu.memory_space<hbm>>
      %dma_wait3A_36 = arith.constant 0 : i32
      %dma_wait3A_37 = arith.constant 0 : i32
      %dma_wait3A_38 = tpu.memref_slice %arg4[%add3A, %dma_wait3A_36, %dma_wait3A_37] : memref<32x125x80xi32, #tpu.memory_space<hbm>> -> memref<1x125x80xi32, #tpu.memory_space<hbm>>
      %dma_wait3A_39 = tpu.memref_squeeze %dma_wait3A_38 : memref<1x125x80xi32, #tpu.memory_space<hbm>> -> memref<125x80xi32, #tpu.memory_space<hbm>>
      tpu.wait_dma2 semaphore(%run_scoped3A : memref<!tpu.dma_semaphore, #tpu.memory_space<semaphore_mem>>) src(%dma_wait3A_39 : memref<125x80xi32, #tpu.memory_space<hbm>>) dst(%arg7 : memref<125x80xi32, #tpu.memory_space<vmem>>)
      tpu.yield
    }) : () -> ()
    %barrier3A = arith.constant 0 : index
    tpu.barrier barrier_id(%barrier3A)
    %scan3A_13 = arith.constant 0 : i32
    %scan3A_14 = arith.constant 0 : i32
    %scan3A_15 = arith.constant 125 : i32
    %scan3A_16 = arith.addi %scan3A_14, %scan3A_15 : i32
    %scan3A_17 = arith.constant 1 : i32
    scf.for %scan3A_26 = %scan3A_14 to %scan3A_16 step %scan3A_17  : i32 {
      %dma_start3A = arith.constant 0 : i32
      %dma_start3A_27 = tpu.memref_slice %arg6[%scan3A_26, %dma_start3A] : memref<125x80xi32, #tpu.memory_space<vmem>> -> memref<1x80xi32, #tpu.memory_space<vmem>>
      %dma_start3A_28 = tpu.memref_squeeze %dma_start3A_27 : memref<1x80xi32, #tpu.memory_space<vmem>> -> memref<80xi32, #tpu.memory_space<vmem>>
      %dma_start3A_29 = arith.constant 0 : i32
      %dma_start3A_30 = arith.constant 0 : i32
      %dma_start3A_31 = tpu.memref_slice %arg2[%dma_start3A_29, %dma_start3A_30] : memref<10000x64xf32, #tpu.memory_space<hbm>> -> memref<10000x64xf32, #tpu.memory_space<hbm>>
      tpu.enqueue_indirect_dma source(%dma_start3A_31 : memref<10000x64xf32, #tpu.memory_space<hbm>>) target(%arg8 : memref<80x64xf32, #tpu.memory_space<vmem>>) offsets(%dma_start3A_28 : memref<80xi32, #tpu.memory_space<vmem>>) semaphore(%arg10 : memref<!tpu.dma_semaphore, #tpu.memory_space<semaphore_mem>>)
      %dma_wait3A = arith.constant 0 : i32
      %dma_wait3A_32 = tpu.memref_slice %arg6[%scan3A_26, %dma_wait3A] : memref<125x80xi32, #tpu.memory_space<vmem>> -> memref<1x80xi32, #tpu.memory_space<vmem>>
      %dma_wait3A_33 = tpu.memref_squeeze %dma_wait3A_32 : memref<1x80xi32, #tpu.memory_space<vmem>> -> memref<80xi32, #tpu.memory_space<vmem>>
      %dma_wait3A_34 = arith.constant 0 : i32
      %dma_wait3A_35 = arith.constant 0 : i32
      %dma_wait3A_36 = tpu.memref_slice %arg2[%dma_wait3A_34, %dma_wait3A_35] : memref<10000x64xf32, #tpu.memory_space<hbm>> -> memref<10000x64xf32, #tpu.memory_space<hbm>>
      tpu.wait_indirect_dma semaphore(%arg10 : memref<!tpu.dma_semaphore, #tpu.memory_space<semaphore_mem>>) src(%dma_wait3A_36 : memref<10000x64xf32, #tpu.memory_space<hbm>>) dst(%arg8 : memref<80x64xf32, #tpu.memory_space<vmem>>)
      "tpu.region"() ({
        %run_scoped3A = tpu.sem_alloc : memref<!tpu.dma_semaphore, #tpu.memory_space<semaphore_mem>>
        %dma_start3A_37 = arith.constant 0 : i32
        %dma_start3A_38 = tpu.memref_slice %arg7[%scan3A_26, %dma_start3A_37] : memref<125x80xi32, #tpu.memory_space<vmem>> -> memref<1x80xi32, #tpu.memory_space<vmem>>
        %dma_start3A_39 = tpu.memref_squeeze %dma_start3A_38 : memref<1x80xi32, #tpu.memory_space<vmem>> -> memref<80xi32, #tpu.memory_space<vmem>>
        %dma_start3A_40 = arith.constant 0 : i32
        %dma_start3A_41 = arith.constant 0 : i32
        %dma_start3A_42 = tpu.memref_slice %arg9[%dma_start3A_40, %dma_start3A_41] : memref<10000x64xf32, #tpu.memory_space<vmem_shared>> -> memref<10000x64xf32, #tpu.memory_space<vmem_shared>>
        tpu.enqueue_indirect_dma source(%arg8 : memref<80x64xf32, #tpu.memory_space<vmem>>) target(%dma_start3A_42 : memref<10000x64xf32, #tpu.memory_space<vmem_shared>>) offsets(%dma_start3A_39 : memref<80xi32, #tpu.memory_space<vmem>>) semaphore(%run_scoped3A : memref<!tpu.dma_semaphore, #tpu.memory_space<semaphore_mem>>) {add = true}
        %dma_wait3A_43 = arith.constant 0 : i32
        %dma_wait3A_44 = tpu.memref_slice %arg7[%scan3A_26, %dma_wait3A_43] : memref<125x80xi32, #tpu.memory_space<vmem>> -> memref<1x80xi32, #tpu.memory_space<vmem>>
        %dma_wait3A_45 = tpu.memref_squeeze %dma_wait3A_44 : memref<1x80xi32, #tpu.memory_space<vmem>> -> memref<80xi32, #tpu.memory_space<vmem>>
        %dma_wait3A_46 = arith.constant 0 : i32
        %dma_wait3A_47 = arith.constant 0 : i32
        %dma_wait3A_48 = tpu.memref_slice %arg9[%dma_wait3A_46, %dma_wait3A_47] : memref<10000x64xf32, #tpu.memory_space<vmem_shared>> -> memref<10000x64xf32, #tpu.memory_space<vmem_shared>>
        tpu.wait_indirect_dma semaphore(%run_scoped3A : memref<!tpu.dma_semaphore, #tpu.memory_space<semaphore_mem>>) src(%arg8 : memref<80x64xf32, #tpu.memory_space<vmem>>) dst(%dma_wait3A_48 : memref<10000x64xf32, #tpu.memory_space<vmem_shared>>)
        tpu.yield
      }) : () -> ()
    }
    %scan3A_18 = arith.constant 125 : i32
    %barrier3A_19 = arith.constant 0 : index
    tpu.barrier barrier_id(%barrier3A_19)
    %scan3A_20 = arith.constant 0 : i32
    %scan3A_21 = arith.constant 0 : i32
    %scan3A_22 = arith.constant 8 : i32
    %scan3A_23 = arith.addi %scan3A_21, %scan3A_22 : i32
    %scan3A_24 = arith.constant 1 : i32
    scf.for %scan3A_26 = %scan3A_21 to %scan3A_23 step %scan3A_24  : i32 {
      %mul3A_27 = arith.constant 16 : i32
      %mul3A_28 = arith.muli %scan3A_26, %mul3A_27 : i32
      %add3A_29 = arith.addi %mul3A_28, %arg1 : i32
      %lt3A = arith.constant 125 : i32
      %lt3A_30 = arith.cmpi slt, %add3A_29, %lt3A : i32
      %convert_element_type3A = arith.extui %lt3A_30 : i1 to i32
      %cond3A = arith.constant 0 : i32
      %cond3A_31 = arith.cmpi ne, %convert_element_type3A, %cond3A : i32
      scf.if %cond3A_31 {
        %mul3A_32 = arith.constant 80 : i32
        %mul3A_33 = arith.muli %add3A_29, %mul3A_32 : i32
        "tpu.region"() ({
          %run_scoped3A = tpu.sem_alloc : memref<!tpu.dma_semaphore, #tpu.memory_space<semaphore_mem>>
          %dma_start3A = arith.constant 0 : i32
          %dma_start3A_37 = tpu.memref_slice %arg9[%mul3A_33, %dma_start3A] : memref<10000x64xf32, #tpu.memory_space<vmem_shared>> -> memref<80x64xf32, #tpu.memory_space<vmem_shared>>
          %dma_start3A_38 = arith.constant 0 : i32
          %dma_start3A_39 = tpu.memref_slice %arg9[%mul3A_33, %dma_start3A_38] : memref<10000x64xf32, #tpu.memory_space<vmem_shared>> -> memref<80x64xf32, #tpu.memory_space<vmem_shared>>
          tpu.enqueue_dma source(%dma_start3A_39 : memref<80x64xf32, #tpu.memory_space<vmem_shared>>) target(%arg8 : memref<80x64xf32, #tpu.memory_space<vmem>>) target_semaphore(%run_scoped3A : memref<!tpu.dma_semaphore, #tpu.memory_space<semaphore_mem>>)
          %dma_wait3A = arith.constant 0 : i32
          %dma_wait3A_40 = tpu.memref_slice %arg9[%mul3A_33, %dma_wait3A] : memref<10000x64xf32, #tpu.memory_space<vmem_shared>> -> memref<80x64xf32, #tpu.memory_space<vmem_shared>>
          %dma_wait3A_41 = arith.constant 0 : i32
          %dma_wait3A_42 = tpu.memref_slice %arg9[%mul3A_33, %dma_wait3A_41] : memref<10000x64xf32, #tpu.memory_space<vmem_shared>> -> memref<80x64xf32, #tpu.memory_space<vmem_shared>>
          tpu.wait_dma2 semaphore(%run_scoped3A : memref<!tpu.dma_semaphore, #tpu.memory_space<semaphore_mem>>) src(%dma_wait3A_42 : memref<80x64xf32, #tpu.memory_space<vmem_shared>>) dst(%arg8 : memref<80x64xf32, #tpu.memory_space<vmem>>)
          tpu.yield
        }) : () -> ()
        %mul3A_34 = arith.constant 10000 : i32
        %mul3A_35 = arith.muli %arg0, %mul3A_34 : i32
        %add3A_36 = arith.addi %mul3A_35, %mul3A_33 : i32
        "tpu.region"() ({
          %run_scoped3A = tpu.sem_alloc : memref<!tpu.dma_semaphore, #tpu.memory_space<semaphore_mem>>
          %dma_start3A = arith.constant 0 : i32
          %dma_start3A_37 = tpu.memref_slice %arg5[%add3A_36, %dma_start3A] : memref<20000x64xf32, #tpu.memory_space<hbm>> -> memref<80x64xf32, #tpu.memory_space<hbm>>
          %dma_start3A_38 = arith.constant 0 : i32
          %dma_start3A_39 = tpu.memref_slice %arg5[%add3A_36, %dma_start3A_38] : memref<20000x64xf32, #tpu.memory_space<hbm>> -> memref<80x64xf32, #tpu.memory_space<hbm>>
          tpu.enqueue_dma source(%arg8 : memref<80x64xf32, #tpu.memory_space<vmem>>) target(%dma_start3A_39 : memref<80x64xf32, #tpu.memory_space<hbm>>) target_semaphore(%run_scoped3A : memref<!tpu.dma_semaphore, #tpu.memory_space<semaphore_mem>>)
          %dma_wait3A = arith.constant 0 : i32
          %dma_wait3A_40 = tpu.memref_slice %arg5[%add3A_36, %dma_wait3A] : memref<20000x64xf32, #tpu.memory_space<hbm>> -> memref<80x64xf32, #tpu.memory_space<hbm>>
          %dma_wait3A_41 = arith.constant 0 : i32
          %dma_wait3A_42 = tpu.memref_slice %arg5[%add3A_36, %dma_wait3A_41] : memref<20000x64xf32, #tpu.memory_space<hbm>> -> memref<80x64xf32, #tpu.memory_space<hbm>>
          tpu.wait_dma2 semaphore(%run_scoped3A : memref<!tpu.dma_semaphore, #tpu.memory_space<semaphore_mem>>) src(%arg8 : memref<80x64xf32, #tpu.memory_space<vmem>>) dst(%dma_wait3A_42 : memref<80x64xf32, #tpu.memory_space<hbm>>)
          tpu.yield
        }) : () -> ()
      } else {
      }
    }
    %scan3A_25 = arith.constant 8 : i32
    return
  }
}

#map = affine_map<(d0, d1) -> (0, 0)>
#map1 = affine_map<(d0, d1) -> (0, 0, 0)>
module attributes {stable_mosaic.version = 14 : i64} {
  func.func @_segsum_body(%arg0: i32, %arg1: i32, %arg2: memref<10000x128xf32, #tpu.memory_space<hbm>>, %arg3: memref<32x125x80xi32, #tpu.memory_space<hbm>>, %arg4: memref<32x125x80xi32, #tpu.memory_space<hbm>>, %arg5: memref<20000x128xf32, #tpu.memory_space<hbm>>, %arg6: memref<125x80xi32, #tpu.memory_space<vmem>>, %arg7: memref<125x80xi32, #tpu.memory_space<vmem>>, %arg8: memref<80x128xf32, #tpu.memory_space<vmem>>, %arg9: memref<10000x128xf32, #tpu.memory_space<vmem_shared>>, %arg10: memref<!tpu.dma_semaphore, #tpu.memory_space<semaphore_mem>>) attributes {dimension_semantics = [#tpu.dimension_semantics<core_parallel>, #tpu.dimension_semantics<subcore_parallel>], iteration_bounds = array<i64: 2, 16>, scalar_prefetch = 0 : i64, scratch_operands = 5 : i64, tpu.core_type = #tpu.core_type<sc_vector_subcore>, window_params = [{transform_indices = #map}, {transform_indices = #map1}, {transform_indices = #map1}, {transform_indices = #map}]} {
    %mul3A = arith.constant 16 : i32
    %mul3A_0 = arith.muli %arg0, %mul3A : i32
    %add3A = arith.addi %mul3A_0, %arg1 : i32
    %broadcast_in_dim3A = arith.constant 0.000000e+00 : f32
    %broadcast_in_dim3A_1 = vector.broadcast %broadcast_in_dim3A : f32 to vector<16xf32>
    %scan3A = arith.constant 0 : i32
    %scan3A_2 = arith.constant 0 : i32
    %scan3A_3 = arith.constant 80 : i32
    %scan3A_4 = arith.addi %scan3A_2, %scan3A_3 : i32
    %scan3A_5 = arith.constant 1 : i32
    scf.for %scan3A_26 = %scan3A_2 to %scan3A_4 step %scan3A_5  : i32 {
      %swap3A = arith.index_cast %scan3A_26 : i32 to index
      %swap3A_27 = arith.constant 0 : index
      %swap3A_28 = tpu.vector_load %arg8[%swap3A, %swap3A_27] {strides = array<i32>} : memref<80x128xf32, #tpu.memory_space<vmem>>, vector<1x16xf32>,
      %swap3A_29 = vector.shape_cast %swap3A_28 : vector<1x16xf32> to vector<16xf32>
      %swap3A_30 = vector.shape_cast %broadcast_in_dim3A_1 : vector<16xf32> to vector<1x16xf32>
      tpu.vector_store %arg8[%swap3A, %swap3A_27], %swap3A_30 {strides = array<i32>} : memref<80x128xf32, #tpu.memory_space<vmem>>, vector<1x16xf32>,
      %swap3A_31 = arith.index_cast %scan3A_26 : i32 to index
      %swap3A_32 = arith.constant 16 : index
      %swap3A_33 = tpu.vector_load %arg8[%swap3A_31, %swap3A_32] {strides = array<i32>} : memref<80x128xf32, #tpu.memory_space<vmem>>, vector<1x16xf32>,
      %swap3A_34 = vector.shape_cast %swap3A_33 : vector<1x16xf32> to vector<16xf32>
      %swap3A_35 = vector.shape_cast %broadcast_in_dim3A_1 : vector<16xf32> to vector<1x16xf32>
      tpu.vector_store %arg8[%swap3A_31, %swap3A_32], %swap3A_35 {strides = array<i32>} : memref<80x128xf32, #tpu.memory_space<vmem>>, vector<1x16xf32>,
      %swap3A_36 = arith.index_cast %scan3A_26 : i32 to index
      %swap3A_37 = arith.constant 32 : index
      %swap3A_38 = tpu.vector_load %arg8[%swap3A_36, %swap3A_37] {strides = array<i32>} : memref<80x128xf32, #tpu.memory_space<vmem>>, vector<1x16xf32>,
      %swap3A_39 = vector.shape_cast %swap3A_38 : vector<1x16xf32> to vector<16xf32>
      %swap3A_40 = vector.shape_cast %broadcast_in_dim3A_1 : vector<16xf32> to vector<1x16xf32>
      tpu.vector_store %arg8[%swap3A_36, %swap3A_37], %swap3A_40 {strides = array<i32>} : memref<80x128xf32, #tpu.memory_space<vmem>>, vector<1x16xf32>,
      %swap3A_41 = arith.index_cast %scan3A_26 : i32 to index
      %swap3A_42 = arith.constant 48 : index
      %swap3A_43 = tpu.vector_load %arg8[%swap3A_41, %swap3A_42] {strides = array<i32>} : memref<80x128xf32, #tpu.memory_space<vmem>>, vector<1x16xf32>,
      %swap3A_44 = vector.shape_cast %swap3A_43 : vector<1x16xf32> to vector<16xf32>
      %swap3A_45 = vector.shape_cast %broadcast_in_dim3A_1 : vector<16xf32> to vector<1x16xf32>
      tpu.vector_store %arg8[%swap3A_41, %swap3A_42], %swap3A_45 {strides = array<i32>} : memref<80x128xf32, #tpu.memory_space<vmem>>, vector<1x16xf32>,
      %swap3A_46 = arith.index_cast %scan3A_26 : i32 to index
      %swap3A_47 = arith.constant 64 : index
      %swap3A_48 = tpu.vector_load %arg8[%swap3A_46, %swap3A_47] {strides = array<i32>} : memref<80x128xf32, #tpu.memory_space<vmem>>, vector<1x16xf32>,
      %swap3A_49 = vector.shape_cast %swap3A_48 : vector<1x16xf32> to vector<16xf32>
      %swap3A_50 = vector.shape_cast %broadcast_in_dim3A_1 : vector<16xf32> to vector<1x16xf32>
      tpu.vector_store %arg8[%swap3A_46, %swap3A_47], %swap3A_50 {strides = array<i32>} : memref<80x128xf32, #tpu.memory_space<vmem>>, vector<1x16xf32>,
      %swap3A_51 = arith.index_cast %scan3A_26 : i32 to index
      %swap3A_52 = arith.constant 80 : index
      %swap3A_53 = tpu.vector_load %arg8[%swap3A_51, %swap3A_52] {strides = array<i32>} : memref<80x128xf32, #tpu.memory_space<vmem>>, vector<1x16xf32>,
      %swap3A_54 = vector.shape_cast %swap3A_53 : vector<1x16xf32> to vector<16xf32>
      %swap3A_55 = vector.shape_cast %broadcast_in_dim3A_1 : vector<16xf32> to vector<1x16xf32>
      tpu.vector_store %arg8[%swap3A_51, %swap3A_52], %swap3A_55 {strides = array<i32>} : memref<80x128xf32, #tpu.memory_space<vmem>>, vector<1x16xf32>,
      %swap3A_56 = arith.index_cast %scan3A_26 : i32 to index
      %swap3A_57 = arith.constant 96 : index
      %swap3A_58 = tpu.vector_load %arg8[%swap3A_56, %swap3A_57] {strides = array<i32>} : memref<80x128xf32, #tpu.memory_space<vmem>>, vector<1x16xf32>,
      %swap3A_59 = vector.shape_cast %swap3A_58 : vector<1x16xf32> to vector<16xf32>
      %swap3A_60 = vector.shape_cast %broadcast_in_dim3A_1 : vector<16xf32> to vector<1x16xf32>
      tpu.vector_store %arg8[%swap3A_56, %swap3A_57], %swap3A_60 {strides = array<i32>} : memref<80x128xf32, #tpu.memory_space<vmem>>, vector<1x16xf32>,
      %swap3A_61 = arith.index_cast %scan3A_26 : i32 to index
      %swap3A_62 = arith.constant 112 : index
      %swap3A_63 = tpu.vector_load %arg8[%swap3A_61, %swap3A_62] {strides = array<i32>} : memref<80x128xf32, #tpu.memory_space<vmem>>, vector<1x16xf32>,
      %swap3A_64 = vector.shape_cast %swap3A_63 : vector<1x16xf32> to vector<16xf32>
      %swap3A_65 = vector.shape_cast %broadcast_in_dim3A_1 : vector<16xf32> to vector<1x16xf32>
      tpu.vector_store %arg8[%swap3A_61, %swap3A_62], %swap3A_65 {strides = array<i32>} : memref<80x128xf32, #tpu.memory_space<vmem>>, vector<1x16xf32>,
    }
    %scan3A_6 = arith.constant 80 : i32
    %scan3A_7 = arith.constant 0 : i32
    %scan3A_8 = arith.constant 0 : i32
    %scan3A_9 = arith.constant 8 : i32
    %scan3A_10 = arith.addi %scan3A_8, %scan3A_9 : i32
    %scan3A_11 = arith.constant 1 : i32
    scf.for %scan3A_26 = %scan3A_8 to %scan3A_10 step %scan3A_11  : i32 {
      %mul3A_27 = arith.constant 16 : i32
      %mul3A_28 = arith.muli %scan3A_26, %mul3A_27 : i32
      %add3A_29 = arith.addi %mul3A_28, %arg1 : i32
      %lt3A = arith.constant 125 : i32
      %lt3A_30 = arith.cmpi slt, %add3A_29, %lt3A : i32
      %convert_element_type3A = arith.extui %lt3A_30 : i1 to i32
      %cond3A = arith.constant 0 : i32
      %cond3A_31 = arith.cmpi ne, %convert_element_type3A, %cond3A : i32
      scf.if %cond3A_31 {
        %mul3A_32 = arith.constant 80 : i32
        %mul3A_33 = arith.muli %add3A_29, %mul3A_32 : i32
        "tpu.region"() ({
          %run_scoped3A = tpu.sem_alloc : memref<!tpu.dma_semaphore, #tpu.memory_space<semaphore_mem>>
          %dma_start3A = arith.constant 0 : i32
          %dma_start3A_34 = tpu.memref_slice %arg9[%mul3A_33, %dma_start3A] : memref<10000x128xf32, #tpu.memory_space<vmem_shared>> -> memref<80x128xf32, #tpu.memory_space<vmem_shared>>
          %dma_start3A_35 = arith.constant 0 : i32
          %dma_start3A_36 = tpu.memref_slice %arg9[%mul3A_33, %dma_start3A_35] : memref<10000x128xf32, #tpu.memory_space<vmem_shared>> -> memref<80x128xf32, #tpu.memory_space<vmem_shared>>
          tpu.enqueue_dma source(%arg8 : memref<80x128xf32, #tpu.memory_space<vmem>>) target(%dma_start3A_36 : memref<80x128xf32, #tpu.memory_space<vmem_shared>>) target_semaphore(%run_scoped3A : memref<!tpu.dma_semaphore, #tpu.memory_space<semaphore_mem>>)
          %dma_wait3A = arith.constant 0 : i32
          %dma_wait3A_37 = tpu.memref_slice %arg9[%mul3A_33, %dma_wait3A] : memref<10000x128xf32, #tpu.memory_space<vmem_shared>> -> memref<80x128xf32, #tpu.memory_space<vmem_shared>>
          %dma_wait3A_38 = arith.constant 0 : i32
          %dma_wait3A_39 = tpu.memref_slice %arg9[%mul3A_33, %dma_wait3A_38] : memref<10000x128xf32, #tpu.memory_space<vmem_shared>> -> memref<80x128xf32, #tpu.memory_space<vmem_shared>>
          tpu.wait_dma2 semaphore(%run_scoped3A : memref<!tpu.dma_semaphore, #tpu.memory_space<semaphore_mem>>) src(%arg8 : memref<80x128xf32, #tpu.memory_space<vmem>>) dst(%dma_wait3A_39 : memref<80x128xf32, #tpu.memory_space<vmem_shared>>)
          tpu.yield
        }) : () -> ()
      } else {
      }
    }
    %scan3A_12 = arith.constant 8 : i32
    "tpu.region"() ({
      %run_scoped3A = tpu.sem_alloc : memref<!tpu.dma_semaphore, #tpu.memory_space<semaphore_mem>>
      %dma_start3A = arith.constant 0 : i32
      %dma_start3A_26 = arith.constant 0 : i32
      %dma_start3A_27 = tpu.memref_slice %arg3[%add3A, %dma_start3A, %dma_start3A_26] : memref<32x125x80xi32, #tpu.memory_space<hbm>> -> memref<1x125x80xi32, #tpu.memory_space<hbm>>
      %dma_start3A_28 = tpu.memref_squeeze %dma_start3A_27 : memref<1x125x80xi32, #tpu.memory_space<hbm>> -> memref<125x80xi32, #tpu.memory_space<hbm>>
      %dma_start3A_29 = arith.constant 0 : i32
      %dma_start3A_30 = arith.constant 0 : i32
      %dma_start3A_31 = tpu.memref_slice %arg3[%add3A, %dma_start3A_29, %dma_start3A_30] : memref<32x125x80xi32, #tpu.memory_space<hbm>> -> memref<1x125x80xi32, #tpu.memory_space<hbm>>
      %dma_start3A_32 = tpu.memref_squeeze %dma_start3A_31 : memref<1x125x80xi32, #tpu.memory_space<hbm>> -> memref<125x80xi32, #tpu.memory_space<hbm>>
      tpu.enqueue_dma source(%dma_start3A_32 : memref<125x80xi32, #tpu.memory_space<hbm>>) target(%arg6 : memref<125x80xi32, #tpu.memory_space<vmem>>) target_semaphore(%run_scoped3A : memref<!tpu.dma_semaphore, #tpu.memory_space<semaphore_mem>>)
      %dma_wait3A = arith.constant 0 : i32
      %dma_wait3A_33 = arith.constant 0 : i32
      %dma_wait3A_34 = tpu.memref_slice %arg3[%add3A, %dma_wait3A, %dma_wait3A_33] : memref<32x125x80xi32, #tpu.memory_space<hbm>> -> memref<1x125x80xi32, #tpu.memory_space<hbm>>
      %dma_wait3A_35 = tpu.memref_squeeze %dma_wait3A_34 : memref<1x125x80xi32, #tpu.memory_space<hbm>> -> memref<125x80xi32, #tpu.memory_space<hbm>>
      %dma_wait3A_36 = arith.constant 0 : i32
      %dma_wait3A_37 = arith.constant 0 : i32
      %dma_wait3A_38 = tpu.memref_slice %arg3[%add3A, %dma_wait3A_36, %dma_wait3A_37] : memref<32x125x80xi32, #tpu.memory_space<hbm>> -> memref<1x125x80xi32, #tpu.memory_space<hbm>>
      %dma_wait3A_39 = tpu.memref_squeeze %dma_wait3A_38 : memref<1x125x80xi32, #tpu.memory_space<hbm>> -> memref<125x80xi32, #tpu.memory_space<hbm>>
      tpu.wait_dma2 semaphore(%run_scoped3A : memref<!tpu.dma_semaphore, #tpu.memory_space<semaphore_mem>>) src(%dma_wait3A_39 : memref<125x80xi32, #tpu.memory_space<hbm>>) dst(%arg6 : memref<125x80xi32, #tpu.memory_space<vmem>>)
      tpu.yield
    }) : () -> ()
    "tpu.region"() ({
      %run_scoped3A = tpu.sem_alloc : memref<!tpu.dma_semaphore, #tpu.memory_space<semaphore_mem>>
      %dma_start3A = arith.constant 0 : i32
      %dma_start3A_26 = arith.constant 0 : i32
      %dma_start3A_27 = tpu.memref_slice %arg4[%add3A, %dma_start3A, %dma_start3A_26] : memref<32x125x80xi32, #tpu.memory_space<hbm>> -> memref<1x125x80xi32, #tpu.memory_space<hbm>>
      %dma_start3A_28 = tpu.memref_squeeze %dma_start3A_27 : memref<1x125x80xi32, #tpu.memory_space<hbm>> -> memref<125x80xi32, #tpu.memory_space<hbm>>
      %dma_start3A_29 = arith.constant 0 : i32
      %dma_start3A_30 = arith.constant 0 : i32
      %dma_start3A_31 = tpu.memref_slice %arg4[%add3A, %dma_start3A_29, %dma_start3A_30] : memref<32x125x80xi32, #tpu.memory_space<hbm>> -> memref<1x125x80xi32, #tpu.memory_space<hbm>>
      %dma_start3A_32 = tpu.memref_squeeze %dma_start3A_31 : memref<1x125x80xi32, #tpu.memory_space<hbm>> -> memref<125x80xi32, #tpu.memory_space<hbm>>
      tpu.enqueue_dma source(%dma_start3A_32 : memref<125x80xi32, #tpu.memory_space<hbm>>) target(%arg7 : memref<125x80xi32, #tpu.memory_space<vmem>>) target_semaphore(%run_scoped3A : memref<!tpu.dma_semaphore, #tpu.memory_space<semaphore_mem>>)
      %dma_wait3A = arith.constant 0 : i32
      %dma_wait3A_33 = arith.constant 0 : i32
      %dma_wait3A_34 = tpu.memref_slice %arg4[%add3A, %dma_wait3A, %dma_wait3A_33] : memref<32x125x80xi32, #tpu.memory_space<hbm>> -> memref<1x125x80xi32, #tpu.memory_space<hbm>>
      %dma_wait3A_35 = tpu.memref_squeeze %dma_wait3A_34 : memref<1x125x80xi32, #tpu.memory_space<hbm>> -> memref<125x80xi32, #tpu.memory_space<hbm>>
      %dma_wait3A_36 = arith.constant 0 : i32
      %dma_wait3A_37 = arith.constant 0 : i32
      %dma_wait3A_38 = tpu.memref_slice %arg4[%add3A, %dma_wait3A_36, %dma_wait3A_37] : memref<32x125x80xi32, #tpu.memory_space<hbm>> -> memref<1x125x80xi32, #tpu.memory_space<hbm>>
      %dma_wait3A_39 = tpu.memref_squeeze %dma_wait3A_38 : memref<1x125x80xi32, #tpu.memory_space<hbm>> -> memref<125x80xi32, #tpu.memory_space<hbm>>
      tpu.wait_dma2 semaphore(%run_scoped3A : memref<!tpu.dma_semaphore, #tpu.memory_space<semaphore_mem>>) src(%dma_wait3A_39 : memref<125x80xi32, #tpu.memory_space<hbm>>) dst(%arg7 : memref<125x80xi32, #tpu.memory_space<vmem>>)
      tpu.yield
    }) : () -> ()
    %barrier3A = arith.constant 0 : index
    tpu.barrier barrier_id(%barrier3A)
    %scan3A_13 = arith.constant 0 : i32
    %scan3A_14 = arith.constant 0 : i32
    %scan3A_15 = arith.constant 125 : i32
    %scan3A_16 = arith.addi %scan3A_14, %scan3A_15 : i32
    %scan3A_17 = arith.constant 1 : i32
    scf.for %scan3A_26 = %scan3A_14 to %scan3A_16 step %scan3A_17  : i32 {
      %dma_start3A = arith.constant 0 : i32
      %dma_start3A_27 = tpu.memref_slice %arg6[%scan3A_26, %dma_start3A] : memref<125x80xi32, #tpu.memory_space<vmem>> -> memref<1x80xi32, #tpu.memory_space<vmem>>
      %dma_start3A_28 = tpu.memref_squeeze %dma_start3A_27 : memref<1x80xi32, #tpu.memory_space<vmem>> -> memref<80xi32, #tpu.memory_space<vmem>>
      %dma_start3A_29 = arith.constant 0 : i32
      %dma_start3A_30 = arith.constant 0 : i32
      %dma_start3A_31 = tpu.memref_slice %arg2[%dma_start3A_29, %dma_start3A_30] : memref<10000x128xf32, #tpu.memory_space<hbm>> -> memref<10000x128xf32, #tpu.memory_space<hbm>>
      tpu.enqueue_indirect_dma source(%dma_start3A_31 : memref<10000x128xf32, #tpu.memory_space<hbm>>) target(%arg8 : memref<80x128xf32, #tpu.memory_space<vmem>>) offsets(%dma_start3A_28 : memref<80xi32, #tpu.memory_space<vmem>>) semaphore(%arg10 : memref<!tpu.dma_semaphore, #tpu.memory_space<semaphore_mem>>)
      %dma_wait3A = arith.constant 0 : i32
      %dma_wait3A_32 = tpu.memref_slice %arg6[%scan3A_26, %dma_wait3A] : memref<125x80xi32, #tpu.memory_space<vmem>> -> memref<1x80xi32, #tpu.memory_space<vmem>>
      %dma_wait3A_33 = tpu.memref_squeeze %dma_wait3A_32 : memref<1x80xi32, #tpu.memory_space<vmem>> -> memref<80xi32, #tpu.memory_space<vmem>>
      %dma_wait3A_34 = arith.constant 0 : i32
      %dma_wait3A_35 = arith.constant 0 : i32
      %dma_wait3A_36 = tpu.memref_slice %arg2[%dma_wait3A_34, %dma_wait3A_35] : memref<10000x128xf32, #tpu.memory_space<hbm>> -> memref<10000x128xf32, #tpu.memory_space<hbm>>
      tpu.wait_indirect_dma semaphore(%arg10 : memref<!tpu.dma_semaphore, #tpu.memory_space<semaphore_mem>>) src(%dma_wait3A_36 : memref<10000x128xf32, #tpu.memory_space<hbm>>) dst(%arg8 : memref<80x128xf32, #tpu.memory_space<vmem>>)
      "tpu.region"() ({
        %run_scoped3A = tpu.sem_alloc : memref<!tpu.dma_semaphore, #tpu.memory_space<semaphore_mem>>
        %dma_start3A_37 = arith.constant 0 : i32
        %dma_start3A_38 = tpu.memref_slice %arg7[%scan3A_26, %dma_start3A_37] : memref<125x80xi32, #tpu.memory_space<vmem>> -> memref<1x80xi32, #tpu.memory_space<vmem>>
        %dma_start3A_39 = tpu.memref_squeeze %dma_start3A_38 : memref<1x80xi32, #tpu.memory_space<vmem>> -> memref<80xi32, #tpu.memory_space<vmem>>
        %dma_start3A_40 = arith.constant 0 : i32
        %dma_start3A_41 = arith.constant 0 : i32
        %dma_start3A_42 = tpu.memref_slice %arg9[%dma_start3A_40, %dma_start3A_41] : memref<10000x128xf32, #tpu.memory_space<vmem_shared>> -> memref<10000x128xf32, #tpu.memory_space<vmem_shared>>
        tpu.enqueue_indirect_dma source(%arg8 : memref<80x128xf32, #tpu.memory_space<vmem>>) target(%dma_start3A_42 : memref<10000x128xf32, #tpu.memory_space<vmem_shared>>) offsets(%dma_start3A_39 : memref<80xi32, #tpu.memory_space<vmem>>) semaphore(%run_scoped3A : memref<!tpu.dma_semaphore, #tpu.memory_space<semaphore_mem>>) {add = true}
        %dma_wait3A_43 = arith.constant 0 : i32
        %dma_wait3A_44 = tpu.memref_slice %arg7[%scan3A_26, %dma_wait3A_43] : memref<125x80xi32, #tpu.memory_space<vmem>> -> memref<1x80xi32, #tpu.memory_space<vmem>>
        %dma_wait3A_45 = tpu.memref_squeeze %dma_wait3A_44 : memref<1x80xi32, #tpu.memory_space<vmem>> -> memref<80xi32, #tpu.memory_space<vmem>>
        %dma_wait3A_46 = arith.constant 0 : i32
        %dma_wait3A_47 = arith.constant 0 : i32
        %dma_wait3A_48 = tpu.memref_slice %arg9[%dma_wait3A_46, %dma_wait3A_47] : memref<10000x128xf32, #tpu.memory_space<vmem_shared>> -> memref<10000x128xf32, #tpu.memory_space<vmem_shared>>
        tpu.wait_indirect_dma semaphore(%run_scoped3A : memref<!tpu.dma_semaphore, #tpu.memory_space<semaphore_mem>>) src(%arg8 : memref<80x128xf32, #tpu.memory_space<vmem>>) dst(%dma_wait3A_48 : memref<10000x128xf32, #tpu.memory_space<vmem_shared>>)
        tpu.yield
      }) : () -> ()
    }
    %scan3A_18 = arith.constant 125 : i32
    %barrier3A_19 = arith.constant 0 : index
    tpu.barrier barrier_id(%barrier3A_19)
    %scan3A_20 = arith.constant 0 : i32
    %scan3A_21 = arith.constant 0 : i32
    %scan3A_22 = arith.constant 8 : i32
    %scan3A_23 = arith.addi %scan3A_21, %scan3A_22 : i32
    %scan3A_24 = arith.constant 1 : i32
    scf.for %scan3A_26 = %scan3A_21 to %scan3A_23 step %scan3A_24  : i32 {
      %mul3A_27 = arith.constant 16 : i32
      %mul3A_28 = arith.muli %scan3A_26, %mul3A_27 : i32
      %add3A_29 = arith.addi %mul3A_28, %arg1 : i32
      %lt3A = arith.constant 125 : i32
      %lt3A_30 = arith.cmpi slt, %add3A_29, %lt3A : i32
      %convert_element_type3A = arith.extui %lt3A_30 : i1 to i32
      %cond3A = arith.constant 0 : i32
      %cond3A_31 = arith.cmpi ne, %convert_element_type3A, %cond3A : i32
      scf.if %cond3A_31 {
        %mul3A_32 = arith.constant 80 : i32
        %mul3A_33 = arith.muli %add3A_29, %mul3A_32 : i32
        "tpu.region"() ({
          %run_scoped3A = tpu.sem_alloc : memref<!tpu.dma_semaphore, #tpu.memory_space<semaphore_mem>>
          %dma_start3A = arith.constant 0 : i32
          %dma_start3A_37 = tpu.memref_slice %arg9[%mul3A_33, %dma_start3A] : memref<10000x128xf32, #tpu.memory_space<vmem_shared>> -> memref<80x128xf32, #tpu.memory_space<vmem_shared>>
          %dma_start3A_38 = arith.constant 0 : i32
          %dma_start3A_39 = tpu.memref_slice %arg9[%mul3A_33, %dma_start3A_38] : memref<10000x128xf32, #tpu.memory_space<vmem_shared>> -> memref<80x128xf32, #tpu.memory_space<vmem_shared>>
          tpu.enqueue_dma source(%dma_start3A_39 : memref<80x128xf32, #tpu.memory_space<vmem_shared>>) target(%arg8 : memref<80x128xf32, #tpu.memory_space<vmem>>) target_semaphore(%run_scoped3A : memref<!tpu.dma_semaphore, #tpu.memory_space<semaphore_mem>>)
          %dma_wait3A = arith.constant 0 : i32
          %dma_wait3A_40 = tpu.memref_slice %arg9[%mul3A_33, %dma_wait3A] : memref<10000x128xf32, #tpu.memory_space<vmem_shared>> -> memref<80x128xf32, #tpu.memory_space<vmem_shared>>
          %dma_wait3A_41 = arith.constant 0 : i32
          %dma_wait3A_42 = tpu.memref_slice %arg9[%mul3A_33, %dma_wait3A_41] : memref<10000x128xf32, #tpu.memory_space<vmem_shared>> -> memref<80x128xf32, #tpu.memory_space<vmem_shared>>
          tpu.wait_dma2 semaphore(%run_scoped3A : memref<!tpu.dma_semaphore, #tpu.memory_space<semaphore_mem>>) src(%dma_wait3A_42 : memref<80x128xf32, #tpu.memory_space<vmem_shared>>) dst(%arg8 : memref<80x128xf32, #tpu.memory_space<vmem>>)
          tpu.yield
        }) : () -> ()
        %mul3A_34 = arith.constant 10000 : i32
        %mul3A_35 = arith.muli %arg0, %mul3A_34 : i32
        %add3A_36 = arith.addi %mul3A_35, %mul3A_33 : i32
        "tpu.region"() ({
          %run_scoped3A = tpu.sem_alloc : memref<!tpu.dma_semaphore, #tpu.memory_space<semaphore_mem>>
          %dma_start3A = arith.constant 0 : i32
          %dma_start3A_37 = tpu.memref_slice %arg5[%add3A_36, %dma_start3A] : memref<20000x128xf32, #tpu.memory_space<hbm>> -> memref<80x128xf32, #tpu.memory_space<hbm>>
          %dma_start3A_38 = arith.constant 0 : i32
          %dma_start3A_39 = tpu.memref_slice %arg5[%add3A_36, %dma_start3A_38] : memref<20000x128xf32, #tpu.memory_space<hbm>> -> memref<80x128xf32, #tpu.memory_space<hbm>>
          tpu.enqueue_dma source(%arg8 : memref<80x128xf32, #tpu.memory_space<vmem>>) target(%dma_start3A_39 : memref<80x128xf32, #tpu.memory_space<hbm>>) target_semaphore(%run_scoped3A : memref<!tpu.dma_semaphore, #tpu.memory_space<semaphore_mem>>)
          %dma_wait3A = arith.constant 0 : i32
          %dma_wait3A_40 = tpu.memref_slice %arg5[%add3A_36, %dma_wait3A] : memref<20000x128xf32, #tpu.memory_space<hbm>> -> memref<80x128xf32, #tpu.memory_space<hbm>>
          %dma_wait3A_41 = arith.constant 0 : i32
          %dma_wait3A_42 = tpu.memref_slice %arg5[%add3A_36, %dma_wait3A_41] : memref<20000x128xf32, #tpu.memory_space<hbm>> -> memref<80x128xf32, #tpu.memory_space<hbm>>
          tpu.wait_dma2 semaphore(%run_scoped3A : memref<!tpu.dma_semaphore, #tpu.memory_space<semaphore_mem>>) src(%arg8 : memref<80x128xf32, #tpu.memory_space<vmem>>) dst(%dma_wait3A_42 : memref<80x128xf32, #tpu.memory_space<hbm>>)
          tpu.yield
        }) : () -> ()
      } else {
      }
    }
    %scan3A_25 = arith.constant 8 : i32
    return
  }
}

#map = affine_map<(d0, d1) -> (0, 0)>
#map1 = affine_map<(d0, d1) -> (0, 0, 0)>
module attributes {stable_mosaic.version = 14 : i64} {
  func.func @_segsum_body(%arg0: i32, %arg1: i32, %arg2: memref<10000x128xf32, #tpu.memory_space<hbm>>, %arg3: memref<32x125x80xi32, #tpu.memory_space<hbm>>, %arg4: memref<32x125x80xi32, #tpu.memory_space<hbm>>, %arg5: memref<20000x128xf32, #tpu.memory_space<hbm>>, %arg6: memref<125x80xi32, #tpu.memory_space<vmem>>, %arg7: memref<125x80xi32, #tpu.memory_space<vmem>>, %arg8: memref<80x128xf32, #tpu.memory_space<vmem>>, %arg9: memref<10000x128xf32, #tpu.memory_space<vmem_shared>>, %arg10: memref<!tpu.dma_semaphore, #tpu.memory_space<semaphore_mem>>) attributes {dimension_semantics = [#tpu.dimension_semantics<core_parallel>, #tpu.dimension_semantics<subcore_parallel>], iteration_bounds = array<i64: 2, 16>, scalar_prefetch = 0 : i64, scratch_operands = 5 : i64, tpu.core_type = #tpu.core_type<sc_vector_subcore>, window_params = [{transform_indices = #map}, {transform_indices = #map1}, {transform_indices = #map1}, {transform_indices = #map}]} {
    %mul3A = arith.constant 16 : i32
    %mul3A_0 = arith.muli %arg0, %mul3A : i32
    %add3A = arith.addi %mul3A_0, %arg1 : i32
    %broadcast_in_dim3A = arith.constant 0.000000e+00 : f32
    %broadcast_in_dim3A_1 = vector.broadcast %broadcast_in_dim3A : f32 to vector<16xf32>
    %scan3A = arith.constant 0 : i32
    %scan3A_2 = arith.constant 0 : i32
    %scan3A_3 = arith.constant 80 : i32
    %scan3A_4 = arith.addi %scan3A_2, %scan3A_3 : i32
    %scan3A_5 = arith.constant 1 : i32
    scf.for %scan3A_26 = %scan3A_2 to %scan3A_4 step %scan3A_5  : i32 {
      %swap3A = arith.index_cast %scan3A_26 : i32 to index
      %swap3A_27 = arith.constant 0 : index
      %swap3A_28 = tpu.vector_load %arg8[%swap3A, %swap3A_27] {strides = array<i32>} : memref<80x128xf32, #tpu.memory_space<vmem>>, vector<1x16xf32>,
      %swap3A_29 = vector.shape_cast %swap3A_28 : vector<1x16xf32> to vector<16xf32>
      %swap3A_30 = vector.shape_cast %broadcast_in_dim3A_1 : vector<16xf32> to vector<1x16xf32>
      tpu.vector_store %arg8[%swap3A, %swap3A_27], %swap3A_30 {strides = array<i32>} : memref<80x128xf32, #tpu.memory_space<vmem>>, vector<1x16xf32>,
      %swap3A_31 = arith.index_cast %scan3A_26 : i32 to index
      %swap3A_32 = arith.constant 16 : index
      %swap3A_33 = tpu.vector_load %arg8[%swap3A_31, %swap3A_32] {strides = array<i32>} : memref<80x128xf32, #tpu.memory_space<vmem>>, vector<1x16xf32>,
      %swap3A_34 = vector.shape_cast %swap3A_33 : vector<1x16xf32> to vector<16xf32>
      %swap3A_35 = vector.shape_cast %broadcast_in_dim3A_1 : vector<16xf32> to vector<1x16xf32>
      tpu.vector_store %arg8[%swap3A_31, %swap3A_32], %swap3A_35 {strides = array<i32>} : memref<80x128xf32, #tpu.memory_space<vmem>>, vector<1x16xf32>,
      %swap3A_36 = arith.index_cast %scan3A_26 : i32 to index
      %swap3A_37 = arith.constant 32 : index
      %swap3A_38 = tpu.vector_load %arg8[%swap3A_36, %swap3A_37] {strides = array<i32>} : memref<80x128xf32, #tpu.memory_space<vmem>>, vector<1x16xf32>,
      %swap3A_39 = vector.shape_cast %swap3A_38 : vector<1x16xf32> to vector<16xf32>
      %swap3A_40 = vector.shape_cast %broadcast_in_dim3A_1 : vector<16xf32> to vector<1x16xf32>
      tpu.vector_store %arg8[%swap3A_36, %swap3A_37], %swap3A_40 {strides = array<i32>} : memref<80x128xf32, #tpu.memory_space<vmem>>, vector<1x16xf32>,
      %swap3A_41 = arith.index_cast %scan3A_26 : i32 to index
      %swap3A_42 = arith.constant 48 : index
      %swap3A_43 = tpu.vector_load %arg8[%swap3A_41, %swap3A_42] {strides = array<i32>} : memref<80x128xf32, #tpu.memory_space<vmem>>, vector<1x16xf32>,
      %swap3A_44 = vector.shape_cast %swap3A_43 : vector<1x16xf32> to vector<16xf32>
      %swap3A_45 = vector.shape_cast %broadcast_in_dim3A_1 : vector<16xf32> to vector<1x16xf32>
      tpu.vector_store %arg8[%swap3A_41, %swap3A_42], %swap3A_45 {strides = array<i32>} : memref<80x128xf32, #tpu.memory_space<vmem>>, vector<1x16xf32>,
      %swap3A_46 = arith.index_cast %scan3A_26 : i32 to index
      %swap3A_47 = arith.constant 64 : index
      %swap3A_48 = tpu.vector_load %arg8[%swap3A_46, %swap3A_47] {strides = array<i32>} : memref<80x128xf32, #tpu.memory_space<vmem>>, vector<1x16xf32>,
      %swap3A_49 = vector.shape_cast %swap3A_48 : vector<1x16xf32> to vector<16xf32>
      %swap3A_50 = vector.shape_cast %broadcast_in_dim3A_1 : vector<16xf32> to vector<1x16xf32>
      tpu.vector_store %arg8[%swap3A_46, %swap3A_47], %swap3A_50 {strides = array<i32>} : memref<80x128xf32, #tpu.memory_space<vmem>>, vector<1x16xf32>,
      %swap3A_51 = arith.index_cast %scan3A_26 : i32 to index
      %swap3A_52 = arith.constant 80 : index
      %swap3A_53 = tpu.vector_load %arg8[%swap3A_51, %swap3A_52] {strides = array<i32>} : memref<80x128xf32, #tpu.memory_space<vmem>>, vector<1x16xf32>,
      %swap3A_54 = vector.shape_cast %swap3A_53 : vector<1x16xf32> to vector<16xf32>
      %swap3A_55 = vector.shape_cast %broadcast_in_dim3A_1 : vector<16xf32> to vector<1x16xf32>
      tpu.vector_store %arg8[%swap3A_51, %swap3A_52], %swap3A_55 {strides = array<i32>} : memref<80x128xf32, #tpu.memory_space<vmem>>, vector<1x16xf32>,
      %swap3A_56 = arith.index_cast %scan3A_26 : i32 to index
      %swap3A_57 = arith.constant 96 : index
      %swap3A_58 = tpu.vector_load %arg8[%swap3A_56, %swap3A_57] {strides = array<i32>} : memref<80x128xf32, #tpu.memory_space<vmem>>, vector<1x16xf32>,
      %swap3A_59 = vector.shape_cast %swap3A_58 : vector<1x16xf32> to vector<16xf32>
      %swap3A_60 = vector.shape_cast %broadcast_in_dim3A_1 : vector<16xf32> to vector<1x16xf32>
      tpu.vector_store %arg8[%swap3A_56, %swap3A_57], %swap3A_60 {strides = array<i32>} : memref<80x128xf32, #tpu.memory_space<vmem>>, vector<1x16xf32>,
      %swap3A_61 = arith.index_cast %scan3A_26 : i32 to index
      %swap3A_62 = arith.constant 112 : index
      %swap3A_63 = tpu.vector_load %arg8[%swap3A_61, %swap3A_62] {strides = array<i32>} : memref<80x128xf32, #tpu.memory_space<vmem>>, vector<1x16xf32>,
      %swap3A_64 = vector.shape_cast %swap3A_63 : vector<1x16xf32> to vector<16xf32>
      %swap3A_65 = vector.shape_cast %broadcast_in_dim3A_1 : vector<16xf32> to vector<1x16xf32>
      tpu.vector_store %arg8[%swap3A_61, %swap3A_62], %swap3A_65 {strides = array<i32>} : memref<80x128xf32, #tpu.memory_space<vmem>>, vector<1x16xf32>,
    }
    %scan3A_6 = arith.constant 80 : i32
    %scan3A_7 = arith.constant 0 : i32
    %scan3A_8 = arith.constant 0 : i32
    %scan3A_9 = arith.constant 8 : i32
    %scan3A_10 = arith.addi %scan3A_8, %scan3A_9 : i32
    %scan3A_11 = arith.constant 1 : i32
    scf.for %scan3A_26 = %scan3A_8 to %scan3A_10 step %scan3A_11  : i32 {
      %mul3A_27 = arith.constant 16 : i32
      %mul3A_28 = arith.muli %scan3A_26, %mul3A_27 : i32
      %add3A_29 = arith.addi %mul3A_28, %arg1 : i32
      %lt3A = arith.constant 125 : i32
      %lt3A_30 = arith.cmpi slt, %add3A_29, %lt3A : i32
      %convert_element_type3A = arith.extui %lt3A_30 : i1 to i32
      %cond3A = arith.constant 0 : i32
      %cond3A_31 = arith.cmpi ne, %convert_element_type3A, %cond3A : i32
      scf.if %cond3A_31 {
        %mul3A_32 = arith.constant 80 : i32
        %mul3A_33 = arith.muli %add3A_29, %mul3A_32 : i32
        "tpu.region"() ({
          %run_scoped3A = tpu.sem_alloc : memref<!tpu.dma_semaphore, #tpu.memory_space<semaphore_mem>>
          %dma_start3A = arith.constant 0 : i32
          %dma_start3A_34 = tpu.memref_slice %arg9[%mul3A_33, %dma_start3A] : memref<10000x128xf32, #tpu.memory_space<vmem_shared>> -> memref<80x128xf32, #tpu.memory_space<vmem_shared>>
          %dma_start3A_35 = arith.constant 0 : i32
          %dma_start3A_36 = tpu.memref_slice %arg9[%mul3A_33, %dma_start3A_35] : memref<10000x128xf32, #tpu.memory_space<vmem_shared>> -> memref<80x128xf32, #tpu.memory_space<vmem_shared>>
          tpu.enqueue_dma source(%arg8 : memref<80x128xf32, #tpu.memory_space<vmem>>) target(%dma_start3A_36 : memref<80x128xf32, #tpu.memory_space<vmem_shared>>) target_semaphore(%run_scoped3A : memref<!tpu.dma_semaphore, #tpu.memory_space<semaphore_mem>>)
          %dma_wait3A = arith.constant 0 : i32
          %dma_wait3A_37 = tpu.memref_slice %arg9[%mul3A_33, %dma_wait3A] : memref<10000x128xf32, #tpu.memory_space<vmem_shared>> -> memref<80x128xf32, #tpu.memory_space<vmem_shared>>
          %dma_wait3A_38 = arith.constant 0 : i32
          %dma_wait3A_39 = tpu.memref_slice %arg9[%mul3A_33, %dma_wait3A_38] : memref<10000x128xf32, #tpu.memory_space<vmem_shared>> -> memref<80x128xf32, #tpu.memory_space<vmem_shared>>
          tpu.wait_dma2 semaphore(%run_scoped3A : memref<!tpu.dma_semaphore, #tpu.memory_space<semaphore_mem>>) src(%arg8 : memref<80x128xf32, #tpu.memory_space<vmem>>) dst(%dma_wait3A_39 : memref<80x128xf32, #tpu.memory_space<vmem_shared>>)
          tpu.yield
        }) : () -> ()
      } else {
      }
    }
    %scan3A_12 = arith.constant 8 : i32
    "tpu.region"() ({
      %run_scoped3A = tpu.sem_alloc : memref<!tpu.dma_semaphore, #tpu.memory_space<semaphore_mem>>
      %dma_start3A = arith.constant 0 : i32
      %dma_start3A_26 = arith.constant 0 : i32
      %dma_start3A_27 = tpu.memref_slice %arg3[%add3A, %dma_start3A, %dma_start3A_26] : memref<32x125x80xi32, #tpu.memory_space<hbm>> -> memref<1x125x80xi32, #tpu.memory_space<hbm>>
      %dma_start3A_28 = tpu.memref_squeeze %dma_start3A_27 : memref<1x125x80xi32, #tpu.memory_space<hbm>> -> memref<125x80xi32, #tpu.memory_space<hbm>>
      %dma_start3A_29 = arith.constant 0 : i32
      %dma_start3A_30 = arith.constant 0 : i32
      %dma_start3A_31 = tpu.memref_slice %arg3[%add3A, %dma_start3A_29, %dma_start3A_30] : memref<32x125x80xi32, #tpu.memory_space<hbm>> -> memref<1x125x80xi32, #tpu.memory_space<hbm>>
      %dma_start3A_32 = tpu.memref_squeeze %dma_start3A_31 : memref<1x125x80xi32, #tpu.memory_space<hbm>> -> memref<125x80xi32, #tpu.memory_space<hbm>>
      tpu.enqueue_dma source(%dma_start3A_32 : memref<125x80xi32, #tpu.memory_space<hbm>>) target(%arg6 : memref<125x80xi32, #tpu.memory_space<vmem>>) target_semaphore(%run_scoped3A : memref<!tpu.dma_semaphore, #tpu.memory_space<semaphore_mem>>)
      %dma_wait3A = arith.constant 0 : i32
      %dma_wait3A_33 = arith.constant 0 : i32
      %dma_wait3A_34 = tpu.memref_slice %arg3[%add3A, %dma_wait3A, %dma_wait3A_33] : memref<32x125x80xi32, #tpu.memory_space<hbm>> -> memref<1x125x80xi32, #tpu.memory_space<hbm>>
      %dma_wait3A_35 = tpu.memref_squeeze %dma_wait3A_34 : memref<1x125x80xi32, #tpu.memory_space<hbm>> -> memref<125x80xi32, #tpu.memory_space<hbm>>
      %dma_wait3A_36 = arith.constant 0 : i32
      %dma_wait3A_37 = arith.constant 0 : i32
      %dma_wait3A_38 = tpu.memref_slice %arg3[%add3A, %dma_wait3A_36, %dma_wait3A_37] : memref<32x125x80xi32, #tpu.memory_space<hbm>> -> memref<1x125x80xi32, #tpu.memory_space<hbm>>
      %dma_wait3A_39 = tpu.memref_squeeze %dma_wait3A_38 : memref<1x125x80xi32, #tpu.memory_space<hbm>> -> memref<125x80xi32, #tpu.memory_space<hbm>>
      tpu.wait_dma2 semaphore(%run_scoped3A : memref<!tpu.dma_semaphore, #tpu.memory_space<semaphore_mem>>) src(%dma_wait3A_39 : memref<125x80xi32, #tpu.memory_space<hbm>>) dst(%arg6 : memref<125x80xi32, #tpu.memory_space<vmem>>)
      tpu.yield
    }) : () -> ()
    "tpu.region"() ({
      %run_scoped3A = tpu.sem_alloc : memref<!tpu.dma_semaphore, #tpu.memory_space<semaphore_mem>>
      %dma_start3A = arith.constant 0 : i32
      %dma_start3A_26 = arith.constant 0 : i32
      %dma_start3A_27 = tpu.memref_slice %arg4[%add3A, %dma_start3A, %dma_start3A_26] : memref<32x125x80xi32, #tpu.memory_space<hbm>> -> memref<1x125x80xi32, #tpu.memory_space<hbm>>
      %dma_start3A_28 = tpu.memref_squeeze %dma_start3A_27 : memref<1x125x80xi32, #tpu.memory_space<hbm>> -> memref<125x80xi32, #tpu.memory_space<hbm>>
      %dma_start3A_29 = arith.constant 0 : i32
      %dma_start3A_30 = arith.constant 0 : i32
      %dma_start3A_31 = tpu.memref_slice %arg4[%add3A, %dma_start3A_29, %dma_start3A_30] : memref<32x125x80xi32, #tpu.memory_space<hbm>> -> memref<1x125x80xi32, #tpu.memory_space<hbm>>
      %dma_start3A_32 = tpu.memref_squeeze %dma_start3A_31 : memref<1x125x80xi32, #tpu.memory_space<hbm>> -> memref<125x80xi32, #tpu.memory_space<hbm>>
      tpu.enqueue_dma source(%dma_start3A_32 : memref<125x80xi32, #tpu.memory_space<hbm>>) target(%arg7 : memref<125x80xi32, #tpu.memory_space<vmem>>) target_semaphore(%run_scoped3A : memref<!tpu.dma_semaphore, #tpu.memory_space<semaphore_mem>>)
      %dma_wait3A = arith.constant 0 : i32
      %dma_wait3A_33 = arith.constant 0 : i32
      %dma_wait3A_34 = tpu.memref_slice %arg4[%add3A, %dma_wait3A, %dma_wait3A_33] : memref<32x125x80xi32, #tpu.memory_space<hbm>> -> memref<1x125x80xi32, #tpu.memory_space<hbm>>
      %dma_wait3A_35 = tpu.memref_squeeze %dma_wait3A_34 : memref<1x125x80xi32, #tpu.memory_space<hbm>> -> memref<125x80xi32, #tpu.memory_space<hbm>>
      %dma_wait3A_36 = arith.constant 0 : i32
      %dma_wait3A_37 = arith.constant 0 : i32
      %dma_wait3A_38 = tpu.memref_slice %arg4[%add3A, %dma_wait3A_36, %dma_wait3A_37] : memref<32x125x80xi32, #tpu.memory_space<hbm>> -> memref<1x125x80xi32, #tpu.memory_space<hbm>>
      %dma_wait3A_39 = tpu.memref_squeeze %dma_wait3A_38 : memref<1x125x80xi32, #tpu.memory_space<hbm>> -> memref<125x80xi32, #tpu.memory_space<hbm>>
      tpu.wait_dma2 semaphore(%run_scoped3A : memref<!tpu.dma_semaphore, #tpu.memory_space<semaphore_mem>>) src(%dma_wait3A_39 : memref<125x80xi32, #tpu.memory_space<hbm>>) dst(%arg7 : memref<125x80xi32, #tpu.memory_space<vmem>>)
      tpu.yield
    }) : () -> ()
    %barrier3A = arith.constant 0 : index
    tpu.barrier barrier_id(%barrier3A)
    %scan3A_13 = arith.constant 0 : i32
    %scan3A_14 = arith.constant 0 : i32
    %scan3A_15 = arith.constant 125 : i32
    %scan3A_16 = arith.addi %scan3A_14, %scan3A_15 : i32
    %scan3A_17 = arith.constant 1 : i32
    scf.for %scan3A_26 = %scan3A_14 to %scan3A_16 step %scan3A_17  : i32 {
      %dma_start3A = arith.constant 0 : i32
      %dma_start3A_27 = tpu.memref_slice %arg6[%scan3A_26, %dma_start3A] : memref<125x80xi32, #tpu.memory_space<vmem>> -> memref<1x80xi32, #tpu.memory_space<vmem>>
      %dma_start3A_28 = tpu.memref_squeeze %dma_start3A_27 : memref<1x80xi32, #tpu.memory_space<vmem>> -> memref<80xi32, #tpu.memory_space<vmem>>
      %dma_start3A_29 = arith.constant 0 : i32
      %dma_start3A_30 = arith.constant 0 : i32
      %dma_start3A_31 = tpu.memref_slice %arg2[%dma_start3A_29, %dma_start3A_30] : memref<10000x128xf32, #tpu.memory_space<hbm>> -> memref<10000x128xf32, #tpu.memory_space<hbm>>
      tpu.enqueue_indirect_dma source(%dma_start3A_31 : memref<10000x128xf32, #tpu.memory_space<hbm>>) target(%arg8 : memref<80x128xf32, #tpu.memory_space<vmem>>) offsets(%dma_start3A_28 : memref<80xi32, #tpu.memory_space<vmem>>) semaphore(%arg10 : memref<!tpu.dma_semaphore, #tpu.memory_space<semaphore_mem>>)
      %dma_wait3A = arith.constant 0 : i32
      %dma_wait3A_32 = tpu.memref_slice %arg6[%scan3A_26, %dma_wait3A] : memref<125x80xi32, #tpu.memory_space<vmem>> -> memref<1x80xi32, #tpu.memory_space<vmem>>
      %dma_wait3A_33 = tpu.memref_squeeze %dma_wait3A_32 : memref<1x80xi32, #tpu.memory_space<vmem>> -> memref<80xi32, #tpu.memory_space<vmem>>
      %dma_wait3A_34 = arith.constant 0 : i32
      %dma_wait3A_35 = arith.constant 0 : i32
      %dma_wait3A_36 = tpu.memref_slice %arg2[%dma_wait3A_34, %dma_wait3A_35] : memref<10000x128xf32, #tpu.memory_space<hbm>> -> memref<10000x128xf32, #tpu.memory_space<hbm>>
      tpu.wait_indirect_dma semaphore(%arg10 : memref<!tpu.dma_semaphore, #tpu.memory_space<semaphore_mem>>) src(%dma_wait3A_36 : memref<10000x128xf32, #tpu.memory_space<hbm>>) dst(%arg8 : memref<80x128xf32, #tpu.memory_space<vmem>>)
      "tpu.region"() ({
        %run_scoped3A = tpu.sem_alloc : memref<!tpu.dma_semaphore, #tpu.memory_space<semaphore_mem>>
        %dma_start3A_37 = arith.constant 0 : i32
        %dma_start3A_38 = tpu.memref_slice %arg7[%scan3A_26, %dma_start3A_37] : memref<125x80xi32, #tpu.memory_space<vmem>> -> memref<1x80xi32, #tpu.memory_space<vmem>>
        %dma_start3A_39 = tpu.memref_squeeze %dma_start3A_38 : memref<1x80xi32, #tpu.memory_space<vmem>> -> memref<80xi32, #tpu.memory_space<vmem>>
        %dma_start3A_40 = arith.constant 0 : i32
        %dma_start3A_41 = arith.constant 0 : i32
        %dma_start3A_42 = tpu.memref_slice %arg9[%dma_start3A_40, %dma_start3A_41] : memref<10000x128xf32, #tpu.memory_space<vmem_shared>> -> memref<10000x128xf32, #tpu.memory_space<vmem_shared>>
        tpu.enqueue_indirect_dma source(%arg8 : memref<80x128xf32, #tpu.memory_space<vmem>>) target(%dma_start3A_42 : memref<10000x128xf32, #tpu.memory_space<vmem_shared>>) offsets(%dma_start3A_39 : memref<80xi32, #tpu.memory_space<vmem>>) semaphore(%run_scoped3A : memref<!tpu.dma_semaphore, #tpu.memory_space<semaphore_mem>>) {add = true}
        %dma_wait3A_43 = arith.constant 0 : i32
        %dma_wait3A_44 = tpu.memref_slice %arg7[%scan3A_26, %dma_wait3A_43] : memref<125x80xi32, #tpu.memory_space<vmem>> -> memref<1x80xi32, #tpu.memory_space<vmem>>
        %dma_wait3A_45 = tpu.memref_squeeze %dma_wait3A_44 : memref<1x80xi32, #tpu.memory_space<vmem>> -> memref<80xi32, #tpu.memory_space<vmem>>
        %dma_wait3A_46 = arith.constant 0 : i32
        %dma_wait3A_47 = arith.constant 0 : i32
        %dma_wait3A_48 = tpu.memref_slice %arg9[%dma_wait3A_46, %dma_wait3A_47] : memref<10000x128xf32, #tpu.memory_space<vmem_shared>> -> memref<10000x128xf32, #tpu.memory_space<vmem_shared>>
        tpu.wait_indirect_dma semaphore(%run_scoped3A : memref<!tpu.dma_semaphore, #tpu.memory_space<semaphore_mem>>) src(%arg8 : memref<80x128xf32, #tpu.memory_space<vmem>>) dst(%dma_wait3A_48 : memref<10000x128xf32, #tpu.memory_space<vmem_shared>>)
        tpu.yield
      }) : () -> ()
    }
    %scan3A_18 = arith.constant 125 : i32
    %barrier3A_19 = arith.constant 0 : index
    tpu.barrier barrier_id(%barrier3A_19)
    %scan3A_20 = arith.constant 0 : i32
    %scan3A_21 = arith.constant 0 : i32
    %scan3A_22 = arith.constant 8 : i32
    %scan3A_23 = arith.addi %scan3A_21, %scan3A_22 : i32
    %scan3A_24 = arith.constant 1 : i32
    scf.for %scan3A_26 = %scan3A_21 to %scan3A_23 step %scan3A_24  : i32 {
      %mul3A_27 = arith.constant 16 : i32
      %mul3A_28 = arith.muli %scan3A_26, %mul3A_27 : i32
      %add3A_29 = arith.addi %mul3A_28, %arg1 : i32
      %lt3A = arith.constant 125 : i32
      %lt3A_30 = arith.cmpi slt, %add3A_29, %lt3A : i32
      %convert_element_type3A = arith.extui %lt3A_30 : i1 to i32
      %cond3A = arith.constant 0 : i32
      %cond3A_31 = arith.cmpi ne, %convert_element_type3A, %cond3A : i32
      scf.if %cond3A_31 {
        %mul3A_32 = arith.constant 80 : i32
        %mul3A_33 = arith.muli %add3A_29, %mul3A_32 : i32
        "tpu.region"() ({
          %run_scoped3A = tpu.sem_alloc : memref<!tpu.dma_semaphore, #tpu.memory_space<semaphore_mem>>
          %dma_start3A = arith.constant 0 : i32
          %dma_start3A_37 = tpu.memref_slice %arg9[%mul3A_33, %dma_start3A] : memref<10000x128xf32, #tpu.memory_space<vmem_shared>> -> memref<80x128xf32, #tpu.memory_space<vmem_shared>>
          %dma_start3A_38 = arith.constant 0 : i32
          %dma_start3A_39 = tpu.memref_slice %arg9[%mul3A_33, %dma_start3A_38] : memref<10000x128xf32, #tpu.memory_space<vmem_shared>> -> memref<80x128xf32, #tpu.memory_space<vmem_shared>>
          tpu.enqueue_dma source(%dma_start3A_39 : memref<80x128xf32, #tpu.memory_space<vmem_shared>>) target(%arg8 : memref<80x128xf32, #tpu.memory_space<vmem>>) target_semaphore(%run_scoped3A : memref<!tpu.dma_semaphore, #tpu.memory_space<semaphore_mem>>)
          %dma_wait3A = arith.constant 0 : i32
          %dma_wait3A_40 = tpu.memref_slice %arg9[%mul3A_33, %dma_wait3A] : memref<10000x128xf32, #tpu.memory_space<vmem_shared>> -> memref<80x128xf32, #tpu.memory_space<vmem_shared>>
          %dma_wait3A_41 = arith.constant 0 : i32
          %dma_wait3A_42 = tpu.memref_slice %arg9[%mul3A_33, %dma_wait3A_41] : memref<10000x128xf32, #tpu.memory_space<vmem_shared>> -> memref<80x128xf32, #tpu.memory_space<vmem_shared>>
          tpu.wait_dma2 semaphore(%run_scoped3A : memref<!tpu.dma_semaphore, #tpu.memory_space<semaphore_mem>>) src(%dma_wait3A_42 : memref<80x128xf32, #tpu.memory_space<vmem_shared>>) dst(%arg8 : memref<80x128xf32, #tpu.memory_space<vmem>>)
          tpu.yield
        }) : () -> ()
        %mul3A_34 = arith.constant 10000 : i32
        %mul3A_35 = arith.muli %arg0, %mul3A_34 : i32
        %add3A_36 = arith.addi %mul3A_35, %mul3A_33 : i32
        "tpu.region"() ({
          %run_scoped3A = tpu.sem_alloc : memref<!tpu.dma_semaphore, #tpu.memory_space<semaphore_mem>>
          %dma_start3A = arith.constant 0 : i32
          %dma_start3A_37 = tpu.memref_slice %arg5[%add3A_36, %dma_start3A] : memref<20000x128xf32, #tpu.memory_space<hbm>> -> memref<80x128xf32, #tpu.memory_space<hbm>>
          %dma_start3A_38 = arith.constant 0 : i32
          %dma_start3A_39 = tpu.memref_slice %arg5[%add3A_36, %dma_start3A_38] : memref<20000x128xf32, #tpu.memory_space<hbm>> -> memref<80x128xf32, #tpu.memory_space<hbm>>
          tpu.enqueue_dma source(%arg8 : memref<80x128xf32, #tpu.memory_space<vmem>>) target(%dma_start3A_39 : memref<80x128xf32, #tpu.memory_space<hbm>>) target_semaphore(%run_scoped3A : memref<!tpu.dma_semaphore, #tpu.memory_space<semaphore_mem>>)
          %dma_wait3A = arith.constant 0 : i32
          %dma_wait3A_40 = tpu.memref_slice %arg5[%add3A_36, %dma_wait3A] : memref<20000x128xf32, #tpu.memory_space<hbm>> -> memref<80x128xf32, #tpu.memory_space<hbm>>
          %dma_wait3A_41 = arith.constant 0 : i32
          %dma_wait3A_42 = tpu.memref_slice %arg5[%add3A_36, %dma_wait3A_41] : memref<20000x128xf32, #tpu.memory_space<hbm>> -> memref<80x128xf32, #tpu.memory_space<hbm>>
          tpu.wait_dma2 semaphore(%run_scoped3A : memref<!tpu.dma_semaphore, #tpu.memory_space<semaphore_mem>>) src(%arg8 : memref<80x128xf32, #tpu.memory_space<vmem>>) dst(%dma_wait3A_42 : memref<80x128xf32, #tpu.memory_space<hbm>>)
          tpu.yield
        }) : () -> ()
      } else {
      }
    }
    %scan3A_25 = arith.constant 8 : i32
    return
  }
}

module attributes {stable_mosaic.version = 14 : i64} {
  func.func @_round_a_body(%arg0: i32, %arg1: memref<2000x128xf32, #tpu.memory_space<vmem>>, %arg2: memref<2x2000x128xf32, #tpu.memory_space<vmem>>, %arg3: memref<128x128xf32, #tpu.memory_space<vmem>>, %arg4: memref<1x128xf32, #tpu.memory_space<vmem>>, %arg5: memref<128x128xf32, #tpu.memory_space<vmem>>, %arg6: memref<1x128xf32, #tpu.memory_space<vmem>>, %arg7: memref<2000x128xf32, #tpu.memory_space<vmem>>, %arg8: memref<2000x128xf32, #tpu.memory_space<vmem>>, %arg9: memref<2x128xf32, #tpu.memory_space<vmem>>) attributes {dimension_semantics = [#tpu.dimension_semantics<arbitrary>], iteration_bounds = array<i64: 5>, scalar_prefetch = 0 : i64, scratch_operands = 0 : i64, tpu.core_type = #tpu.core_type<tc>, window_params = [{transform_indices = @transform_0, window_bounds = array<i64: 2000, 128>}, {transform_indices = @transform_1, window_bounds = array<i64: 2, 2000, 128>}, {pipeline_mode = #tpu.pipeline_mode<synchronous>, transform_indices = @transform_2, window_bounds = array<i64: 128, 128>}, {pipeline_mode = #tpu.pipeline_mode<synchronous>, transform_indices = @transform_3, window_bounds = array<i64: 1, 128>}, {pipeline_mode = #tpu.pipeline_mode<synchronous>, transform_indices = @transform_4, window_bounds = array<i64: 128, 128>}, {pipeline_mode = #tpu.pipeline_mode<synchronous>, transform_indices = @transform_5, window_bounds = array<i64: 1, 128>}, {transform_indices = @transform_6, window_bounds = array<i64: 2000, 128>}, {transform_indices = @transform_7, window_bounds = array<i64: 2000, 128>}, {pipeline_mode = #tpu.pipeline_mode<synchronous>, transform_indices = @transform_8, window_bounds = array<i64: 2, 128>}]} {
    %get3A = arith.constant 0 : index
    %get3A_0 = arith.constant 0 : index
    %get3A_1 = vector.load %arg1[%get3A, %get3A_0] : memref<2000x128xf32, #tpu.memory_space<vmem>>, vector<2000x128xf32>
    %get3A_2 = arith.constant 0 : index
    %get3A_3 = arith.constant 0 : index
    %get3A_4 = arith.constant 0 : index
    %get3A_5 = vector.load %arg2[%get3A_2, %get3A_3, %get3A_4] : memref<2x2000x128xf32, #tpu.memory_space<vmem>>, vector<1x2000x128xf32>
    %get3A_6 = vector.shape_cast %get3A_5 : vector<1x2000x128xf32> to vector<2000x128xf32>
    %add3A = arith.addf %get3A_1, %get3A_6 : vector<2000x128xf32>
    %get3A_7 = arith.constant 1 : index
    %get3A_8 = arith.constant 0 : index
    %get3A_9 = arith.constant 0 : index
    %get3A_10 = vector.load %arg2[%get3A_7, %get3A_8, %get3A_9] : memref<2x2000x128xf32, #tpu.memory_space<vmem>>, vector<1x2000x128xf32>
    %get3A_11 = vector.shape_cast %get3A_10 : vector<1x2000x128xf32> to vector<2000x128xf32>
    %add3A_12 = arith.addf %add3A, %get3A_11 : vector<2000x128xf32>
    %get3A_13 = arith.constant 0 : index
    %get3A_14 = arith.constant 0 : index
    %get3A_15 = vector.load %arg3[%get3A_13, %get3A_14] : memref<128x128xf32, #tpu.memory_space<vmem>>, vector<128x128xf32>
    %dot_general3A = arith.constant dense<0.000000e+00> : vector<2000x128xf32>
    %dot_general3A_16 = tpu.matmul %add3A_12, %get3A_15, %dot_general3A {dimension_numbers = #tpu.dot_dimension_numbers<[1], [0], [0], [1], [0, 0, 1, 1], [], []>, transpose_lhs_hint = false} : vector<2000x128xf32>, vector<128x128xf32>, vector<2000x128xf32> -> vector<2000x128xf32>
    %get3A_17 = arith.constant 0 : index
    %get3A_18 = arith.constant 0 : index
    %get3A_19 = vector.load %arg4[%get3A_17, %get3A_18] : memref<1x128xf32, #tpu.memory_space<vmem>>, vector<1x128xf32>
    %add3A_20 = vector.broadcast %get3A_19 : vector<1x128xf32> to vector<2000x128xf32>
    %add3A_21 = arith.addf %dot_general3A_16, %add3A_20 : vector<2000x128xf32>
    %swap3A = arith.constant 0 : index
    %swap3A_22 = arith.constant 0 : index
    %swap3A_23 = vector.load %arg7[%swap3A, %swap3A_22] : memref<2000x128xf32, #tpu.memory_space<vmem>>, vector<2000x128xf32>
    tpu.vector_store %arg7[%swap3A, %swap3A_22], %add3A_21 {strides = array<i32>} : memref<2000x128xf32, #tpu.memory_space<vmem>>, vector<2000x128xf32>,
    %get3A_24 = arith.constant 0 : index
    %get3A_25 = arith.constant 0 : index
    %get3A_26 = vector.load %arg5[%get3A_24, %get3A_25] : memref<128x128xf32, #tpu.memory_space<vmem>>, vector<128x128xf32>
    %dot_general3A_27 = arith.constant dense<0.000000e+00> : vector<2000x128xf32>
    %dot_general3A_28 = tpu.matmul %get3A_1, %get3A_26, %dot_general3A_27 {dimension_numbers = #tpu.dot_dimension_numbers<[1], [0], [0], [1], [0, 0, 1, 1], [], []>, transpose_lhs_hint = false} : vector<2000x128xf32>, vector<128x128xf32>, vector<2000x128xf32> -> vector<2000x128xf32>
    %get3A_29 = arith.constant 0 : index
    %get3A_30 = arith.constant 0 : index
    %get3A_31 = vector.load %arg6[%get3A_29, %get3A_30] : memref<1x128xf32, #tpu.memory_space<vmem>>, vector<1x128xf32>
    %add3A_32 = vector.broadcast %get3A_31 : vector<1x128xf32> to vector<2000x128xf32>
    %add3A_33 = arith.addf %dot_general3A_28, %add3A_32 : vector<2000x128xf32>
    %swap3A_34 = arith.constant 0 : index
    %swap3A_35 = arith.constant 0 : index
    %swap3A_36 = vector.load %arg8[%swap3A_34, %swap3A_35] : memref<2000x128xf32, #tpu.memory_space<vmem>>, vector<2000x128xf32>
    tpu.vector_store %arg8[%swap3A_34, %swap3A_35], %add3A_33 {strides = array<i32>} : memref<2000x128xf32, #tpu.memory_space<vmem>>, vector<2000x128xf32>,
    %reduce_sum3A = arith.constant dense<0.000000e+00> : vector<128xf32>
    %reduce_sum3A_37 = vector.multi_reduction <add>, %add3A_21, %reduce_sum3A [0] : vector<2000x128xf32> to vector<128xf32>
    %broadcast_in_dim3A = vector.shape_cast %reduce_sum3A_37 : vector<128xf32> to vector<1x128xf32>
    %mul3A = arith.mulf %add3A_21, %add3A_21 : vector<2000x128xf32>
    %reduce_sum3A_38 = arith.constant dense<0.000000e+00> : vector<128xf32>
    %reduce_sum3A_39 = vector.multi_reduction <add>, %mul3A, %reduce_sum3A_38 [0] : vector<2000x128xf32> to vector<128xf32>
    %broadcast_in_dim3A_40 = vector.shape_cast %reduce_sum3A_39 : vector<128xf32> to vector<1x128xf32>
    %concatenate3A = tpu.concatenate %broadcast_in_dim3A, %broadcast_in_dim3A_40 in 0 : vector<1x128xf32>, vector<1x128xf32> -> vector<2x128xf32>
    %eq3A = arith.constant 0 : i32
    %eq3A_41 = arith.cmpi eq, %arg0, %eq3A : i32
    %convert_element_type3A = arith.extui %eq3A_41 : i1 to i32
    %cond3A = arith.constant 0 : i32
    %cond3A_42 = arith.cmpi ne, %convert_element_type3A, %cond3A : i32
    scf.if %cond3A_42 {
      %swap3A_47 = arith.constant 0 : index
      %swap3A_48 = arith.constant 0 : index
      %swap3A_49 = vector.load %arg9[%swap3A_47, %swap3A_48] : memref<2x128xf32, #tpu.memory_space<vmem>>, vector<2x128xf32>
      tpu.vector_store %arg9[%swap3A_47, %swap3A_48], %concatenate3A {strides = array<i32>} : memref<2x128xf32, #tpu.memory_space<vmem>>, vector<2x128xf32>,
    } else {
    }
    %gt3A = arith.constant 0 : i32
    %gt3A_43 = arith.cmpi sgt, %arg0, %gt3A : i32
    %convert_element_type3A_44 = arith.extui %gt3A_43 : i1 to i32
    %cond3A_45 = arith.constant 0 : i32
    %cond3A_46 = arith.cmpi ne, %convert_element_type3A_44, %cond3A_45 : i32
    scf.if %cond3A_46 {
      %get3A_47 = arith.constant 0 : index
      %get3A_48 = arith.constant 0 : index
      %get3A_49 = vector.load %arg9[%get3A_47, %get3A_48] : memref<2x128xf32, #tpu.memory_space<vmem>>, vector<2x128xf32>
      %add3A_50 = arith.addf %get3A_49, %concatenate3A : vector<2x128xf32>
      %swap3A_51 = arith.constant 0 : index
      %swap3A_52 = arith.constant 0 : index
      %swap3A_53 = vector.load %arg9[%swap3A_51, %swap3A_52] : memref<2x128xf32, #tpu.memory_space<vmem>>, vector<2x128xf32>
      tpu.vector_store %arg9[%swap3A_51, %swap3A_52], %add3A_50 {strides = array<i32>} : memref<2x128xf32, #tpu.memory_space<vmem>>, vector<2x128xf32>,
    } else {
    }
    return
  }
  func.func @transform_0(%arg0: i32) -> (i32, i32) {
    %c0_i32 = arith.constant 0 : i32
    %c0_i32_0 = arith.constant 0 : i32
    return %arg0, %c0_i32 : i32, i32
  }
  func.func @transform_1(%arg0: i32) -> (i32, i32, i32) {
    %c0_i32 = arith.constant 0 : i32
    %c0_i32_0 = arith.constant 0 : i32
    %c0_i32_1 = arith.constant 0 : i32
    return %c0_i32, %arg0, %c0_i32_0 : i32, i32, i32
  }
  func.func @transform_2(%arg0: i32) -> (i32, i32) {
    %c0_i32 = arith.constant 0 : i32
    %c0_i32_0 = arith.constant 0 : i32
    %c0_i32_1 = arith.constant 0 : i32
    return %c0_i32, %c0_i32_0 : i32, i32
  }
  func.func @transform_3(%arg0: i32) -> (i32, i32) {
    %c0_i32 = arith.constant 0 : i32
    %c0_i32_0 = arith.constant 0 : i32
    %c0_i32_1 = arith.constant 0 : i32
    return %c0_i32, %c0_i32_0 : i32, i32
  }
  func.func @transform_4(%arg0: i32) -> (i32, i32) {
    %c0_i32 = arith.constant 0 : i32
    %c0_i32_0 = arith.constant 0 : i32
    %c0_i32_1 = arith.constant 0 : i32
    return %c0_i32, %c0_i32_0 : i32, i32
  }
  func.func @transform_5(%arg0: i32) -> (i32, i32) {
    %c0_i32 = arith.constant 0 : i32
    %c0_i32_0 = arith.constant 0 : i32
    %c0_i32_1 = arith.constant 0 : i32
    return %c0_i32, %c0_i32_0 : i32, i32
  }
  func.func @transform_6(%arg0: i32) -> (i32, i32) {
    %c0_i32 = arith.constant 0 : i32
    %c0_i32_0 = arith.constant 0 : i32
    return %arg0, %c0_i32 : i32, i32
  }
  func.func @transform_7(%arg0: i32) -> (i32, i32) {
    %c0_i32 = arith.constant 0 : i32
    %c0_i32_0 = arith.constant 0 : i32
    return %arg0, %c0_i32 : i32, i32
  }
  func.func @transform_8(%arg0: i32) -> (i32, i32) {
    %c0_i32 = arith.constant 0 : i32
    %c0_i32_0 = arith.constant 0 : i32
    %c0_i32_1 = arith.constant 0 : i32
    return %c0_i32, %c0_i32_0 : i32, i32
  }
}

module attributes {stable_mosaic.version = 14 : i64} {
  func.func @_round_b3_body(%arg0: i32, %arg1: memref<2000x128xf32, #tpu.memory_space<vmem>>, %arg2: memref<2000x128xf32, #tpu.memory_space<vmem>>, %arg3: memref<2x128xf32, #tpu.memory_space<vmem>>, %arg4: memref<1x128xf32, #tpu.memory_space<vmem>>, %arg5: memref<1x128xf32, #tpu.memory_space<vmem>>, %arg6: memref<128x128xf32, #tpu.memory_space<vmem>>, %arg7: memref<1x128xf32, #tpu.memory_space<vmem>>, %arg8: memref<128x128xf32, #tpu.memory_space<vmem>>, %arg9: memref<1x128xf32, #tpu.memory_space<vmem>>, %arg10: memref<128x64xf32, #tpu.memory_space<vmem>>, %arg11: memref<2000x128xf32, #tpu.memory_space<vmem>>, %arg12: memref<2000x64xf32, #tpu.memory_space<vmem>>) attributes {dimension_semantics = [#tpu.dimension_semantics<arbitrary>], iteration_bounds = array<i64: 5>, scalar_prefetch = 0 : i64, scratch_operands = 0 : i64, tpu.core_type = #tpu.core_type<tc>, window_params = [{transform_indices = @transform_0, window_bounds = array<i64: 2000, 128>}, {transform_indices = @transform_1, window_bounds = array<i64: 2000, 128>}, {pipeline_mode = #tpu.pipeline_mode<synchronous>, transform_indices = @transform_2, window_bounds = array<i64: 2, 128>}, {pipeline_mode = #tpu.pipeline_mode<synchronous>, transform_indices = @transform_3, window_bounds = array<i64: 1, 128>}, {pipeline_mode = #tpu.pipeline_mode<synchronous>, transform_indices = @transform_4, window_bounds = array<i64: 1, 128>}, {pipeline_mode = #tpu.pipeline_mode<synchronous>, transform_indices = @transform_5, window_bounds = array<i64: 128, 128>}, {pipeline_mode = #tpu.pipeline_mode<synchronous>, transform_indices = @transform_6, window_bounds = array<i64: 1, 128>}, {pipeline_mode = #tpu.pipeline_mode<synchronous>, transform_indices = @transform_7, window_bounds = array<i64: 128, 128>}, {pipeline_mode = #tpu.pipeline_mode<synchronous>, transform_indices = @transform_8, window_bounds = array<i64: 1, 128>}, {pipeline_mode = #tpu.pipeline_mode<synchronous>, transform_indices = @transform_9, window_bounds = array<i64: 128, 64>}, {transform_indices = @transform_10, window_bounds = array<i64: 2000, 128>}, {transform_indices = @transform_11, window_bounds = array<i64: 2000, 64>}]} {
    %get3A = arith.constant 0 : index
    %get3A_0 = arith.constant 0 : index
    %get3A_1 = vector.load %arg3[%get3A, %get3A_0] : memref<2x128xf32, #tpu.memory_space<vmem>>, vector<2x128xf32>
    %slice3A = vector.extract_strided_slice %get3A_1 {offsets = [0, 0], sizes = [1, 128], strides = [1, 1]} : vector<2x128xf32> to vector<1x128xf32>
    %mul3A = arith.constant 9.99999974E-5 : f32
    %mul3A_2 = vector.broadcast %mul3A : f32 to vector<1x128xf32>
    %mul3A_3 = arith.mulf %slice3A, %mul3A_2 : vector<1x128xf32>
    %slice3A_4 = vector.extract_strided_slice %get3A_1 {offsets = [1, 0], sizes = [1, 128], strides = [1, 1]} : vector<2x128xf32> to vector<1x128xf32>
    %mul3A_5 = arith.constant 9.99999974E-5 : f32
    %mul3A_6 = vector.broadcast %mul3A_5 : f32 to vector<1x128xf32>
    %mul3A_7 = arith.mulf %slice3A_4, %mul3A_6 : vector<1x128xf32>
    %mul3A_8 = arith.mulf %mul3A_3, %mul3A_3 : vector<1x128xf32>
    %sub3A = arith.subf %mul3A_7, %mul3A_8 : vector<1x128xf32>
    %add3A = arith.constant 9.99999974E-6 : f32
    %add3A_9 = vector.broadcast %add3A : f32 to vector<1x128xf32>
    %add3A_10 = arith.addf %sub3A, %add3A_9 : vector<1x128xf32>
    %rsqrt3A = math.rsqrt %add3A_10 : vector<1x128xf32>
    %get3A_11 = arith.constant 0 : index
    %get3A_12 = arith.constant 0 : index
    %get3A_13 = vector.load %arg1[%get3A_11, %get3A_12] : memref<2000x128xf32, #tpu.memory_space<vmem>>, vector<2000x128xf32>
    %sub3A_14 = vector.broadcast %mul3A_3 : vector<1x128xf32> to vector<2000x128xf32>
    %sub3A_15 = arith.subf %get3A_13, %sub3A_14 : vector<2000x128xf32>
    %get3A_16 = arith.constant 0 : index
    %get3A_17 = arith.constant 0 : index
    %get3A_18 = vector.load %arg4[%get3A_16, %get3A_17] : memref<1x128xf32, #tpu.memory_space<vmem>>, vector<1x128xf32>
    %mul3A_19 = arith.mulf %rsqrt3A, %get3A_18 : vector<1x128xf32>
    %mul3A_20 = vector.broadcast %mul3A_19 : vector<1x128xf32> to vector<2000x128xf32>
    %mul3A_21 = arith.mulf %sub3A_15, %mul3A_20 : vector<2000x128xf32>
    %get3A_22 = arith.constant 0 : index
    %get3A_23 = arith.constant 0 : index
    %get3A_24 = vector.load %arg5[%get3A_22, %get3A_23] : memref<1x128xf32, #tpu.memory_space<vmem>>, vector<1x128xf32>
    %add3A_25 = vector.broadcast %get3A_24 : vector<1x128xf32> to vector<2000x128xf32>
    %add3A_26 = arith.addf %mul3A_21, %add3A_25 : vector<2000x128xf32>
    %max3A = arith.constant 0.000000e+00 : f32
    %max3A_27 = vector.broadcast %max3A : f32 to vector<2000x128xf32>
    %max3A_28 = arith.maximumf %add3A_26, %max3A_27 : vector<2000x128xf32>
    %get3A_29 = arith.constant 0 : index
    %get3A_30 = arith.constant 0 : index
    %get3A_31 = vector.load %arg6[%get3A_29, %get3A_30] : memref<128x128xf32, #tpu.memory_space<vmem>>, vector<128x128xf32>
    %dot_general3A = arith.constant dense<0.000000e+00> : vector<2000x128xf32>
    %dot_general3A_32 = tpu.matmul %max3A_28, %get3A_31, %dot_general3A {dimension_numbers = #tpu.dot_dimension_numbers<[1], [0], [0], [1], [0, 0, 1, 1], [], []>, transpose_lhs_hint = false} : vector<2000x128xf32>, vector<128x128xf32>, vector<2000x128xf32> -> vector<2000x128xf32>
    %get3A_33 = arith.constant 0 : index
    %get3A_34 = arith.constant 0 : index
    %get3A_35 = vector.load %arg7[%get3A_33, %get3A_34] : memref<1x128xf32, #tpu.memory_space<vmem>>, vector<1x128xf32>
    %add3A_36 = vector.broadcast %get3A_35 : vector<1x128xf32> to vector<2000x128xf32>
    %add3A_37 = arith.addf %dot_general3A_32, %add3A_36 : vector<2000x128xf32>
    %max3A_38 = arith.constant 0.000000e+00 : f32
    %max3A_39 = vector.broadcast %max3A_38 : f32 to vector<2000x128xf32>
    %max3A_40 = arith.maximumf %add3A_37, %max3A_39 : vector<2000x128xf32>
    %get3A_41 = arith.constant 0 : index
    %get3A_42 = arith.constant 0 : index
    %get3A_43 = vector.load %arg8[%get3A_41, %get3A_42] : memref<128x128xf32, #tpu.memory_space<vmem>>, vector<128x128xf32>
    %dot_general3A_44 = arith.constant dense<0.000000e+00> : vector<2000x128xf32>
    %dot_general3A_45 = tpu.matmul %max3A_40, %get3A_43, %dot_general3A_44 {dimension_numbers = #tpu.dot_dimension_numbers<[1], [0], [0], [1], [0, 0, 1, 1], [], []>, transpose_lhs_hint = false} : vector<2000x128xf32>, vector<128x128xf32>, vector<2000x128xf32> -> vector<2000x128xf32>
    %get3A_46 = arith.constant 0 : index
    %get3A_47 = arith.constant 0 : index
    %get3A_48 = vector.load %arg9[%get3A_46, %get3A_47] : memref<1x128xf32, #tpu.memory_space<vmem>>, vector<1x128xf32>
    %add3A_49 = vector.broadcast %get3A_48 : vector<1x128xf32> to vector<2000x128xf32>
    %add3A_50 = arith.addf %dot_general3A_45, %add3A_49 : vector<2000x128xf32>
    %get3A_51 = arith.constant 0 : index
    %get3A_52 = arith.constant 0 : index
    %get3A_53 = vector.load %arg2[%get3A_51, %get3A_52] : memref<2000x128xf32, #tpu.memory_space<vmem>>, vector<2000x128xf32>
    %add3A_54 = arith.addf %add3A_50, %get3A_53 : vector<2000x128xf32>
    %max3A_55 = arith.constant 0.000000e+00 : f32
    %max3A_56 = vector.broadcast %max3A_55 : f32 to vector<2000x128xf32>
    %max3A_57 = arith.maximumf %add3A_54, %max3A_56 : vector<2000x128xf32>
    %swap3A = arith.constant 0 : index
    %swap3A_58 = arith.constant 0 : index
    %swap3A_59 = vector.load %arg11[%swap3A, %swap3A_58] : memref<2000x128xf32, #tpu.memory_space<vmem>>, vector<2000x128xf32>
    tpu.vector_store %arg11[%swap3A, %swap3A_58], %max3A_57 {strides = array<i32>} : memref<2000x128xf32, #tpu.memory_space<vmem>>, vector<2000x128xf32>,
    %get3A_60 = arith.constant 0 : index
    %get3A_61 = arith.constant 0 : index
    %get3A_62 = vector.load %arg10[%get3A_60, %get3A_61] : memref<128x64xf32, #tpu.memory_space<vmem>>, vector<128x64xf32>
    %dot_general3A_63 = arith.constant dense<0.000000e+00> : vector<2000x64xf32>
    %dot_general3A_64 = tpu.matmul %max3A_57, %get3A_62, %dot_general3A_63 {dimension_numbers = #tpu.dot_dimension_numbers<[1], [0], [0], [1], [0, 0, 1, 1], [], []>, transpose_lhs_hint = false} : vector<2000x128xf32>, vector<128x64xf32>, vector<2000x64xf32> -> vector<2000x64xf32>
    %swap3A_65 = arith.constant 0 : index
    %swap3A_66 = arith.constant 0 : index
    %swap3A_67 = vector.load %arg12[%swap3A_65, %swap3A_66] : memref<2000x64xf32, #tpu.memory_space<vmem>>, vector<2000x64xf32>
    tpu.vector_store %arg12[%swap3A_65, %swap3A_66], %dot_general3A_64 {strides = array<i32>} : memref<2000x64xf32, #tpu.memory_space<vmem>>, vector<2000x64xf32>,
    return
  }
  func.func @transform_0(%arg0: i32) -> (i32, i32) {
    %c0_i32 = arith.constant 0 : i32
    %c0_i32_0 = arith.constant 0 : i32
    return %arg0, %c0_i32 : i32, i32
  }
  func.func @transform_1(%arg0: i32) -> (i32, i32) {
    %c0_i32 = arith.constant 0 : i32
    %c0_i32_0 = arith.constant 0 : i32
    return %arg0, %c0_i32 : i32, i32
  }
  func.func @transform_2(%arg0: i32) -> (i32, i32) {
    %c0_i32 = arith.constant 0 : i32
    %c0_i32_0 = arith.constant 0 : i32
    %c0_i32_1 = arith.constant 0 : i32
    return %c0_i32, %c0_i32_0 : i32, i32
  }
  func.func @transform_3(%arg0: i32) -> (i32, i32) {
    %c0_i32 = arith.constant 0 : i32
    %c0_i32_0 = arith.constant 0 : i32
    %c0_i32_1 = arith.constant 0 : i32
    return %c0_i32, %c0_i32_0 : i32, i32
  }
  func.func @transform_4(%arg0: i32) -> (i32, i32) {
    %c0_i32 = arith.constant 0 : i32
    %c0_i32_0 = arith.constant 0 : i32
    %c0_i32_1 = arith.constant 0 : i32
    return %c0_i32, %c0_i32_0 : i32, i32
  }
  func.func @transform_5(%arg0: i32) -> (i32, i32) {
    %c0_i32 = arith.constant 0 : i32
    %c0_i32_0 = arith.constant 0 : i32
    %c0_i32_1 = arith.constant 0 : i32
    return %c0_i32, %c0_i32_0 : i32, i32
  }
  func.func @transform_6(%arg0: i32) -> (i32, i32) {
    %c0_i32 = arith.constant 0 : i32
    %c0_i32_0 = arith.constant 0 : i32
    %c0_i32_1 = arith.constant 0 : i32
    return %c0_i32, %c0_i32_0 : i32, i32
  }
  func.func @transform_7(%arg0: i32) -> (i32, i32) {
    %c0_i32 = arith.constant 0 : i32
    %c0_i32_0 = arith.constant 0 : i32
    %c0_i32_1 = arith.constant 0 : i32
    return %c0_i32, %c0_i32_0 : i32, i32
  }
  func.func @transform_8(%arg0: i32) -> (i32, i32) {
    %c0_i32 = arith.constant 0 : i32
    %c0_i32_0 = arith.constant 0 : i32
    %c0_i32_1 = arith.constant 0 : i32
    return %c0_i32, %c0_i32_0 : i32, i32
  }
  func.func @transform_9(%arg0: i32) -> (i32, i32) {
    %c0_i32 = arith.constant 0 : i32
    %c0_i32_0 = arith.constant 0 : i32
    %c0_i32_1 = arith.constant 0 : i32
    return %c0_i32, %c0_i32_0 : i32, i32
  }
  func.func @transform_10(%arg0: i32) -> (i32, i32) {
    %c0_i32 = arith.constant 0 : i32
    %c0_i32_0 = arith.constant 0 : i32
    return %arg0, %c0_i32 : i32, i32
  }
  func.func @transform_11(%arg0: i32) -> (i32, i32) {
    %c0_i32 = arith.constant 0 : i32
    %c0_i32_0 = arith.constant 0 : i32
    return %arg0, %c0_i32 : i32, i32
  }
}

module attributes {stable_mosaic.version = 14 : i64} {
  func.func @_round_b_body(%arg0: i32, %arg1: memref<2000x128xf32, #tpu.memory_space<vmem>>, %arg2: memref<2000x128xf32, #tpu.memory_space<vmem>>, %arg3: memref<2x128xf32, #tpu.memory_space<vmem>>, %arg4: memref<1x128xf32, #tpu.memory_space<vmem>>, %arg5: memref<1x128xf32, #tpu.memory_space<vmem>>, %arg6: memref<128x128xf32, #tpu.memory_space<vmem>>, %arg7: memref<1x128xf32, #tpu.memory_space<vmem>>, %arg8: memref<128x128xf32, #tpu.memory_space<vmem>>, %arg9: memref<1x128xf32, #tpu.memory_space<vmem>>, %arg10: memref<2000x128xf32, #tpu.memory_space<vmem>>) attributes {dimension_semantics = [#tpu.dimension_semantics<arbitrary>], iteration_bounds = array<i64: 5>, scalar_prefetch = 0 : i64, scratch_operands = 0 : i64, tpu.core_type = #tpu.core_type<tc>, window_params = [{transform_indices = @transform_0, window_bounds = array<i64: 2000, 128>}, {transform_indices = @transform_1, window_bounds = array<i64: 2000, 128>}, {pipeline_mode = #tpu.pipeline_mode<synchronous>, transform_indices = @transform_2, window_bounds = array<i64: 2, 128>}, {pipeline_mode = #tpu.pipeline_mode<synchronous>, transform_indices = @transform_3, window_bounds = array<i64: 1, 128>}, {pipeline_mode = #tpu.pipeline_mode<synchronous>, transform_indices = @transform_4, window_bounds = array<i64: 1, 128>}, {pipeline_mode = #tpu.pipeline_mode<synchronous>, transform_indices = @transform_5, window_bounds = array<i64: 128, 128>}, {pipeline_mode = #tpu.pipeline_mode<synchronous>, transform_indices = @transform_6, window_bounds = array<i64: 1, 128>}, {pipeline_mode = #tpu.pipeline_mode<synchronous>, transform_indices = @transform_7, window_bounds = array<i64: 128, 128>}, {pipeline_mode = #tpu.pipeline_mode<synchronous>, transform_indices = @transform_8, window_bounds = array<i64: 1, 128>}, {transform_indices = @transform_9, window_bounds = array<i64: 2000, 128>}]} {
    %get3A = arith.constant 0 : index
    %get3A_0 = arith.constant 0 : index
    %get3A_1 = vector.load %arg3[%get3A, %get3A_0] : memref<2x128xf32, #tpu.memory_space<vmem>>, vector<2x128xf32>
    %slice3A = vector.extract_strided_slice %get3A_1 {offsets = [0, 0], sizes = [1, 128], strides = [1, 1]} : vector<2x128xf32> to vector<1x128xf32>
    %mul3A = arith.constant 9.99999974E-5 : f32
    %mul3A_2 = vector.broadcast %mul3A : f32 to vector<1x128xf32>
    %mul3A_3 = arith.mulf %slice3A, %mul3A_2 : vector<1x128xf32>
    %slice3A_4 = vector.extract_strided_slice %get3A_1 {offsets = [1, 0], sizes = [1, 128], strides = [1, 1]} : vector<2x128xf32> to vector<1x128xf32>
    %mul3A_5 = arith.constant 9.99999974E-5 : f32
    %mul3A_6 = vector.broadcast %mul3A_5 : f32 to vector<1x128xf32>
    %mul3A_7 = arith.mulf %slice3A_4, %mul3A_6 : vector<1x128xf32>
    %mul3A_8 = arith.mulf %mul3A_3, %mul3A_3 : vector<1x128xf32>
    %sub3A = arith.subf %mul3A_7, %mul3A_8 : vector<1x128xf32>
    %add3A = arith.constant 9.99999974E-6 : f32
    %add3A_9 = vector.broadcast %add3A : f32 to vector<1x128xf32>
    %add3A_10 = arith.addf %sub3A, %add3A_9 : vector<1x128xf32>
    %rsqrt3A = math.rsqrt %add3A_10 : vector<1x128xf32>
    %get3A_11 = arith.constant 0 : index
    %get3A_12 = arith.constant 0 : index
    %get3A_13 = vector.load %arg1[%get3A_11, %get3A_12] : memref<2000x128xf32, #tpu.memory_space<vmem>>, vector<2000x128xf32>
    %sub3A_14 = vector.broadcast %mul3A_3 : vector<1x128xf32> to vector<2000x128xf32>
    %sub3A_15 = arith.subf %get3A_13, %sub3A_14 : vector<2000x128xf32>
    %get3A_16 = arith.constant 0 : index
    %get3A_17 = arith.constant 0 : index
    %get3A_18 = vector.load %arg4[%get3A_16, %get3A_17] : memref<1x128xf32, #tpu.memory_space<vmem>>, vector<1x128xf32>
    %mul3A_19 = arith.mulf %rsqrt3A, %get3A_18 : vector<1x128xf32>
    %mul3A_20 = vector.broadcast %mul3A_19 : vector<1x128xf32> to vector<2000x128xf32>
    %mul3A_21 = arith.mulf %sub3A_15, %mul3A_20 : vector<2000x128xf32>
    %get3A_22 = arith.constant 0 : index
    %get3A_23 = arith.constant 0 : index
    %get3A_24 = vector.load %arg5[%get3A_22, %get3A_23] : memref<1x128xf32, #tpu.memory_space<vmem>>, vector<1x128xf32>
    %add3A_25 = vector.broadcast %get3A_24 : vector<1x128xf32> to vector<2000x128xf32>
    %add3A_26 = arith.addf %mul3A_21, %add3A_25 : vector<2000x128xf32>
    %max3A = arith.constant 0.000000e+00 : f32
    %max3A_27 = vector.broadcast %max3A : f32 to vector<2000x128xf32>
    %max3A_28 = arith.maximumf %add3A_26, %max3A_27 : vector<2000x128xf32>
    %get3A_29 = arith.constant 0 : index
    %get3A_30 = arith.constant 0 : index
    %get3A_31 = vector.load %arg6[%get3A_29, %get3A_30] : memref<128x128xf32, #tpu.memory_space<vmem>>, vector<128x128xf32>
    %dot_general3A = arith.constant dense<0.000000e+00> : vector<2000x128xf32>
    %dot_general3A_32 = tpu.matmul %max3A_28, %get3A_31, %dot_general3A {dimension_numbers = #tpu.dot_dimension_numbers<[1], [0], [0], [1], [0, 0, 1, 1], [], []>, transpose_lhs_hint = false} : vector<2000x128xf32>, vector<128x128xf32>, vector<2000x128xf32> -> vector<2000x128xf32>
    %get3A_33 = arith.constant 0 : index
    %get3A_34 = arith.constant 0 : index
    %get3A_35 = vector.load %arg7[%get3A_33, %get3A_34] : memref<1x128xf32, #tpu.memory_space<vmem>>, vector<1x128xf32>
    %add3A_36 = vector.broadcast %get3A_35 : vector<1x128xf32> to vector<2000x128xf32>
    %add3A_37 = arith.addf %dot_general3A_32, %add3A_36 : vector<2000x128xf32>
    %max3A_38 = arith.constant 0.000000e+00 : f32
    %max3A_39 = vector.broadcast %max3A_38 : f32 to vector<2000x128xf32>
    %max3A_40 = arith.maximumf %add3A_37, %max3A_39 : vector<2000x128xf32>
    %get3A_41 = arith.constant 0 : index
    %get3A_42 = arith.constant 0 : index
    %get3A_43 = vector.load %arg8[%get3A_41, %get3A_42] : memref<128x128xf32, #tpu.memory_space<vmem>>, vector<128x128xf32>
    %dot_general3A_44 = arith.constant dense<0.000000e+00> : vector<2000x128xf32>
    %dot_general3A_45 = tpu.matmul %max3A_40, %get3A_43, %dot_general3A_44 {dimension_numbers = #tpu.dot_dimension_numbers<[1], [0], [0], [1], [0, 0, 1, 1], [], []>, transpose_lhs_hint = false} : vector<2000x128xf32>, vector<128x128xf32>, vector<2000x128xf32> -> vector<2000x128xf32>
    %get3A_46 = arith.constant 0 : index
    %get3A_47 = arith.constant 0 : index
    %get3A_48 = vector.load %arg9[%get3A_46, %get3A_47] : memref<1x128xf32, #tpu.memory_space<vmem>>, vector<1x128xf32>
    %add3A_49 = vector.broadcast %get3A_48 : vector<1x128xf32> to vector<2000x128xf32>
    %add3A_50 = arith.addf %dot_general3A_45, %add3A_49 : vector<2000x128xf32>
    %get3A_51 = arith.constant 0 : index
    %get3A_52 = arith.constant 0 : index
    %get3A_53 = vector.load %arg2[%get3A_51, %get3A_52] : memref<2000x128xf32, #tpu.memory_space<vmem>>, vector<2000x128xf32>
    %add3A_54 = arith.addf %add3A_50, %get3A_53 : vector<2000x128xf32>
    %max3A_55 = arith.constant 0.000000e+00 : f32
    %max3A_56 = vector.broadcast %max3A_55 : f32 to vector<2000x128xf32>
    %max3A_57 = arith.maximumf %add3A_54, %max3A_56 : vector<2000x128xf32>
    %swap3A = arith.constant 0 : index
    %swap3A_58 = arith.constant 0 : index
    %swap3A_59 = vector.load %arg10[%swap3A, %swap3A_58] : memref<2000x128xf32, #tpu.memory_space<vmem>>, vector<2000x128xf32>
    tpu.vector_store %arg10[%swap3A, %swap3A_58], %max3A_57 {strides = array<i32>} : memref<2000x128xf32, #tpu.memory_space<vmem>>, vector<2000x128xf32>,
    return
  }
  func.func @transform_0(%arg0: i32) -> (i32, i32) {
    %c0_i32 = arith.constant 0 : i32
    %c0_i32_0 = arith.constant 0 : i32
    return %arg0, %c0_i32 : i32, i32
  }
  func.func @transform_1(%arg0: i32) -> (i32, i32) {
    %c0_i32 = arith.constant 0 : i32
    %c0_i32_0 = arith.constant 0 : i32
    return %arg0, %c0_i32 : i32, i32
  }
  func.func @transform_2(%arg0: i32) -> (i32, i32) {
    %c0_i32 = arith.constant 0 : i32
    %c0_i32_0 = arith.constant 0 : i32
    %c0_i32_1 = arith.constant 0 : i32
    return %c0_i32, %c0_i32_0 : i32, i32
  }
  func.func @transform_3(%arg0: i32) -> (i32, i32) {
    %c0_i32 = arith.constant 0 : i32
    %c0_i32_0 = arith.constant 0 : i32
    %c0_i32_1 = arith.constant 0 : i32
    return %c0_i32, %c0_i32_0 : i32, i32
  }
  func.func @transform_4(%arg0: i32) -> (i32, i32) {
    %c0_i32 = arith.constant 0 : i32
    %c0_i32_0 = arith.constant 0 : i32
    %c0_i32_1 = arith.constant 0 : i32
    return %c0_i32, %c0_i32_0 : i32, i32
  }
  func.func @transform_5(%arg0: i32) -> (i32, i32) {
    %c0_i32 = arith.constant 0 : i32
    %c0_i32_0 = arith.constant 0 : i32
    %c0_i32_1 = arith.constant 0 : i32
    return %c0_i32, %c0_i32_0 : i32, i32
  }
  func.func @transform_6(%arg0: i32) -> (i32, i32) {
    %c0_i32 = arith.constant 0 : i32
    %c0_i32_0 = arith.constant 0 : i32
    %c0_i32_1 = arith.constant 0 : i32
    return %c0_i32, %c0_i32_0 : i32, i32
  }
  func.func @transform_7(%arg0: i32) -> (i32, i32) {
    %c0_i32 = arith.constant 0 : i32
    %c0_i32_0 = arith.constant 0 : i32
    %c0_i32_1 = arith.constant 0 : i32
    return %c0_i32, %c0_i32_0 : i32, i32
  }
  func.func @transform_8(%arg0: i32) -> (i32, i32) {
    %c0_i32 = arith.constant 0 : i32
    %c0_i32_0 = arith.constant 0 : i32
    %c0_i32_1 = arith.constant 0 : i32
    return %c0_i32, %c0_i32_0 : i32, i32
  }
  func.func @transform_9(%arg0: i32) -> (i32, i32) {
    %c0_i32 = arith.constant 0 : i32
    %c0_i32_0 = arith.constant 0 : i32
    return %arg0, %c0_i32 : i32, i32
  }
}

module attributes {stable_mosaic.version = 14 : i64} {
  func.func @_final_body(%arg0: i32, %arg1: memref<2000x64xf32, #tpu.memory_space<vmem>>, %arg2: memref<2x2000x64xf32, #tpu.memory_space<vmem>>, %arg3: memref<1x64xf32, #tpu.memory_space<vmem>>, %arg4: memref<2000x64xf32, #tpu.memory_space<vmem>>) attributes {dimension_semantics = [#tpu.dimension_semantics<arbitrary>], iteration_bounds = array<i64: 5>, scalar_prefetch = 0 : i64, scratch_operands = 0 : i64, tpu.core_type = #tpu.core_type<tc>, window_params = [{transform_indices = @transform_0, window_bounds = array<i64: 2000, 64>}, {transform_indices = @transform_1, window_bounds = array<i64: 2, 2000, 64>}, {pipeline_mode = #tpu.pipeline_mode<synchronous>, transform_indices = @transform_2, window_bounds = array<i64: 1, 64>}, {transform_indices = @transform_3, window_bounds = array<i64: 2000, 64>}]} {
    %get3A = arith.constant 0 : index
    %get3A_0 = arith.constant 0 : index
    %get3A_1 = vector.load %arg1[%get3A, %get3A_0] : memref<2000x64xf32, #tpu.memory_space<vmem>>, vector<2000x64xf32>
    %get3A_2 = arith.constant 0 : index
    %get3A_3 = arith.constant 0 : index
    %get3A_4 = arith.constant 0 : index
    %get3A_5 = vector.load %arg2[%get3A_2, %get3A_3, %get3A_4] : memref<2x2000x64xf32, #tpu.memory_space<vmem>>, vector<1x2000x64xf32>
    %get3A_6 = vector.shape_cast %get3A_5 : vector<1x2000x64xf32> to vector<2000x64xf32>
    %add3A = arith.addf %get3A_1, %get3A_6 : vector<2000x64xf32>
    %get3A_7 = arith.constant 1 : index
    %get3A_8 = arith.constant 0 : index
    %get3A_9 = arith.constant 0 : index
    %get3A_10 = vector.load %arg2[%get3A_7, %get3A_8, %get3A_9] : memref<2x2000x64xf32, #tpu.memory_space<vmem>>, vector<1x2000x64xf32>
    %get3A_11 = vector.shape_cast %get3A_10 : vector<1x2000x64xf32> to vector<2000x64xf32>
    %add3A_12 = arith.addf %add3A, %get3A_11 : vector<2000x64xf32>
    %get3A_13 = arith.constant 0 : index
    %get3A_14 = arith.constant 0 : index
    %get3A_15 = vector.load %arg3[%get3A_13, %get3A_14] : memref<1x64xf32, #tpu.memory_space<vmem>>, vector<1x64xf32>
    %add3A_16 = vector.broadcast %get3A_15 : vector<1x64xf32> to vector<2000x64xf32>
    %add3A_17 = arith.addf %add3A_12, %add3A_16 : vector<2000x64xf32>
    %reduce_max3A = arith.constant dense<0xFF800000> : vector<2000xf32>
    %reduce_max3A_18 = vector.multi_reduction <maximumf>, %add3A_17, %reduce_max3A [1] : vector<2000x64xf32> to vector<2000xf32>
    %broadcast_in_dim3A = vector.shape_cast %reduce_max3A_18 : vector<2000xf32> to vector<2000x1xf32>
    %sub3A = vector.broadcast %broadcast_in_dim3A : vector<2000x1xf32> to vector<2000x64xf32>
    %sub3A_19 = arith.subf %add3A_17, %sub3A : vector<2000x64xf32>
    %exp3A = math.exp %sub3A_19 : vector<2000x64xf32>
    %sub3A_20 = vector.broadcast %broadcast_in_dim3A : vector<2000x1xf32> to vector<2000x64xf32>
    %sub3A_21 = arith.subf %add3A_17, %sub3A_20 : vector<2000x64xf32>
    %reduce_sum3A = arith.constant dense<0.000000e+00> : vector<2000xf32>
    %reduce_sum3A_22 = vector.multi_reduction <add>, %exp3A, %reduce_sum3A [1] : vector<2000x64xf32> to vector<2000xf32>
    %broadcast_in_dim3A_23 = vector.shape_cast %reduce_sum3A_22 : vector<2000xf32> to vector<2000x1xf32>
    %log3A = math.log %broadcast_in_dim3A_23 : vector<2000x1xf32>
    %sub3A_24 = vector.broadcast %log3A : vector<2000x1xf32> to vector<2000x64xf32>
    %sub3A_25 = arith.subf %sub3A_21, %sub3A_24 : vector<2000x64xf32>
    %swap3A = arith.constant 0 : index
    %swap3A_26 = arith.constant 0 : index
    %swap3A_27 = vector.load %arg4[%swap3A, %swap3A_26] : memref<2000x64xf32, #tpu.memory_space<vmem>>, vector<2000x64xf32>
    tpu.vector_store %arg4[%swap3A, %swap3A_26], %sub3A_25 {strides = array<i32>} : memref<2000x64xf32, #tpu.memory_space<vmem>>, vector<2000x64xf32>,
    return
  }
  func.func @transform_0(%arg0: i32) -> (i32, i32) {
    %c0_i32 = arith.constant 0 : i32
    %c0_i32_0 = arith.constant 0 : i32
    return %arg0, %c0_i32 : i32, i32
  }
  func.func @transform_1(%arg0: i32) -> (i32, i32, i32) {
    %c0_i32 = arith.constant 0 : i32
    %c0_i32_0 = arith.constant 0 : i32
    %c0_i32_1 = arith.constant 0 : i32
    return %c0_i32, %arg0, %c0_i32_0 : i32, i32, i32
  }
  func.func @transform_2(%arg0: i32) -> (i32, i32) {
    %c0_i32 = arith.constant 0 : i32
    %c0_i32_0 = arith.constant 0 : i32
    %c0_i32_1 = arith.constant 0 : i32
    return %c0_i32, %c0_i32_0 : i32, i32
  }
  func.func @transform_3(%arg0: i32) -> (i32, i32) {
    %c0_i32 = arith.constant 0 : i32
    %c0_i32_0 = arith.constant 0 : i32
    return %arg0, %c0_i32 : i32, i32
  }
}

</mosaic_0001>

<sc_bundles>
// kernel: kernel.13.cloned.1.call-start
scs
__scs_entry_jumppad:
0x0: {  	(pc) =	sbr.rel $0x88, $3  }
0x1: {  	(tag) =	ssettag $0x0;
	lr =	simm.s32 $0x1  }
0x2: {  	[smem:$0x3F7F] =	sst lr;
	_ =	strace $0xD0000000  }
0x3: {  	_ = 	snop  }
0x4: {  	_ = 	snop  }
0x5: {  	_ = 	snop  }
0x6: {  	_ = 	snop  }
0x7: {  	_ = 	snop  }
__scs_overlays_trampoline_lowered:
0x8: {  	[smem:$0x3F8E] =	sst s0  }
0x9: {  	[smem:$0x3F8F] =	sst s1  }
0xa: {  	[smem:$0x3F90] =	sst s2  }
0xb: {  	[smem:$0x3F91] =	sst s3  }
0xc: {  	[smem:$0x3F92] =	sst s4  }
0xd: {  	[smem:$0x3F93] =	sst s5  }
0xe: {  	[smem:$0x3F94] =	sst s6  }
0xf: {  	[smem:$0x3F95] =	sst s7  }
0x10: {  	[smem:$0x3F96] =	sst s8  }
0x11: {  	[smem:$0x3F97] =	sst s9;
	s0 =	simm.s32 @!p0 $0x0  }
0x12: {  	s1 =	sld [smem:$0x3F7D];
	s0 =	simm.s32 @p0 $0x1  }
0x13: {  	[smem:$0x3F98] =	sst s0;
	s0 =	simm.s32 @!p1 $0x0  }
0x14: {  	s2 =	sld [smem:$0x3F7C];
	s0 =	simm.s32 @p1 $0x1  }
0x15: {  	[smem:$0x3F99] =	sst s0;
	s0 =	simm.s32 @!p2 $0x0  }
0x16: {  	s3 =	sld [smem:$0x3FDB];
	s0 =	simm.s32 @p2 $0x1  }
0x17: {  	s4 =	simm.s32 $0x1BF5;
	[smem:$0x3F9B] =	sst s0  }
0x18: {  	s0 =	sld [smem:$0x3F7E];
	_ =	swait.ge [sflag:s4], $0x0  }
0x19: {  	s7 =	sld [smem:$0x3F7F]  }
0x1a: {  	s8 =	sadd.s32 $0xFFFFE003, lr  }
0x1b: {  	s9 =	sadd.s32 $0xFFFFFEF7, lr;
	s5 =	simm.s32 $0xFFFFFFFF;
	p2 =	slt.u32 s8, $0xFFFFF086  }
0x1c: {  	p1 =	slt.u32 s9, $0xF7A;
	s5 =	simm.s32 @!p2 $0x0  }
0x1d: {  	s5 =	simm.s32 @p1 $0x1;
	p0 =	seq.s32 s7, s2  }
0x1e: {  	s7 =	smul.u32 @!p0 $0xF7A, s2;
	p2 =	seq.s32 @!p0 s5, $0x0  }
0x1f: {  	s9 =	smul.u32 $0xF7A, s1;
	s8 =	simm.s32 @!p0 $0x1BF5;
	p2 =	por !p2, p0  }
0x20: {  	[sflag:s8] =	ssyncset.s32 @!p0 $0xFFFFF086;
	s6 =	sadd.s32 @!p0 s3, s7;
	s7 =	simm.s32 @!p0 $0x108  }
0x21: {  	s3 =	sadd.s32 s3, s9;
	s6 =	sadd.s32 @!p0 $0x88, s6;
	s7 =	simm.s32 @p2 $0x1082  }
0x22: {  	[simem:s7], [sflag:s8] =	dma.local @!p0 [hbm:s6], $0xF7A  }
0x23: {  	s9 =	sor.u32 $0xD0000000, s2;
	s6 =	simm.s32 $0x108;
	_ =	swait.ge @!p0 [sflag:s8], $0x0  }
0x24: {  	s3 =	sadd.s32 $0x88, s3;
	s6 =	simm.s32 @!p1 $0x1082;
	[sflag:s4] =	ssyncset.s32 $0xFFFFF086  }
0x25: {  	[simem:s6], [sflag:s4] =	dma.local [hbm:s3], $0xF7A  }
0x26: {  	[smem:$0x3F7F] =	sst s1;
	(tag) =	ssettag s2;
	_ =	strace s9  }
0x27: {  	s1 =	sld [smem:$0x3F8F]  }
0x28: {  	s2 =	sld [smem:$0x3F90]  }
0x29: {  	s4 =	sld [smem:$0x3F92]  }
0x2a: {  	p0 =	seq.s32 s5, $0x0;
	s5 =	sld [smem:$0x3F93]  }
0x2b: {  	s6 =	sld [smem:$0x3F94]  }
0x2c: {  	s7 =	sld [smem:$0x3F95]  }
0x2d: {  	s3 =	simm.s32 $0x108;
	s8 =	sld [smem:$0x3F96]  }
0x2e: {  	s3 =	simm.s32 @!p0 $0x1082;
	s9 =	sld [smem:$0x3F97]  }
0x2f: {  	lr =	sadd.s32 s0, s3;
	s0 =	sld [smem:$0x3F8E]  }
0x30: {  	s3 =	sld [smem:$0x3F91]  }
0x31: {  	[smem:$0x3F9A] =	sst s10  }
0x32: {  	s10 =	sld [smem:$0x3F98];
	_ =	sdelay $0x3  }
0x33: {  	p0 =	seq.s32 s10, $0x1;
	s10 =	sld [smem:$0x3F9A];
	_ =	sdelay $0x3  }
0x34: {  	[smem:$0x3F9A] =	sst s10  }
0x35: {  	s10 =	sld [smem:$0x3F99];
	_ =	sdelay $0x3  }
0x36: {  	p1 =	seq.s32 s10, $0x1;
	s10 =	sld [smem:$0x3F9A];
	_ =	sdelay $0x3  }
0x37: {  	[smem:$0x3F9A] =	sst s10  }
0x38: {  	s10 =	sld [smem:$0x3F9B]  }
0x39: {  	_ = 	snop;
	(pc) =	sbr.ind lr, $3  }
0x3a: {  	_ = 	snop  }
0x3b: {  	_ = 	snop  }
0x3c: {  	p2 =	seq.s32 s10, $0x1;
	s10 =	sld [smem:$0x3F9A]  }
0x3d: {  	_ =	shalt  }
0x3e: {  	_ =	shalt  }
0x3f: {  	_ =	shalt  }
0x40: {  	_ =	shalt  }
0x41: {  	_ =	shalt  }
0x42: {  	_ =	shalt  }
0x43: {  	_ =	shalt  }
0x44: {  	_ =	shalt  }
0x45: {  	_ =	shalt  }
0x46: {  	_ =	shalt  }
0x47: {  	_ =	shalt  }
0x48: {  	_ =	shalt  }
0x49: {  	_ =	shalt  }
0x4a: {  	_ =	shalt  }
0x4b: {  	_ =	shalt  }
0x4c: {  	_ =	shalt  }
0x4d: {  	_ =	shalt  }
0x4e: {  	_ =	shalt  }
0x4f: {  	_ =	shalt  }
0x50: {  	_ =	shalt  }
0x51: {  	_ =	shalt  }
0x52: {  	_ =	shalt  }
0x53: {  	_ =	shalt  }
0x54: {  	_ =	shalt  }
0x55: {  	_ =	shalt  }
0x56: {  	_ =	shalt  }
0x57: {  	_ =	shalt  }
0x58: {  	_ =	shalt  }
0x59: {  	_ =	shalt  }
0x5a: {  	_ =	shalt  }
0x5b: {  	_ =	shalt  }
0x5c: {  	_ =	shalt  }
0x5d: {  	_ =	shalt  }
0x5e: {  	_ =	shalt  }
0x5f: {  	_ =	shalt  }
0x60: {  	_ =	shalt  }
0x61: {  	_ =	shalt  }
0x62: {  	_ =	shalt  }
0x63: {  	_ =	shalt  }
0x64: {  	_ =	shalt  }
0x65: {  	_ =	shalt  }
0x66: {  	_ =	shalt  }
0x67: {  	_ =	shalt  }
0x68: {  	_ =	shalt  }
0x69: {  	_ =	shalt  }
0x6a: {  	_ =	shalt  }
0x6b: {  	_ =	shalt  }
0x6c: {  	_ =	shalt  }
0x6d: {  	_ =	shalt  }
0x6e: {  	_ =	shalt  }
0x6f: {  	_ =	shalt  }
0x70: {  	_ =	shalt  }
0x71: {  	_ =	shalt  }
0x72: {  	_ =	shalt  }
0x73: {  	_ =	shalt  }
0x74: {  	_ =	shalt  }
0x75: {  	_ =	shalt  }
0x76: {  	_ =	shalt  }
0x77: {  	_ =	shalt  }
0x78: {  	_ =	shalt  }
0x79: {  	_ =	shalt  }
0x7a: {  	_ =	shalt  }
0x7b: {  	_ =	shalt  }
0x7c: {  	_ =	shalt  }
0x7d: {  	_ =	shalt  }
0x7e: {  	_ =	shalt  }
0x7f: {  	_ =	shalt  }
0x80: {  	_ =	shalt  }
0x81: {  	_ =	shalt  }
0x82: {  	_ =	shalt  }
0x83: {  	_ =	shalt  }
0x84: {  	_ =	shalt  }
0x85: {  	_ =	shalt  }
0x86: {  	_ =	shalt  }
0x87: {  	_ =	shalt  }
.Lfunc_end0:
.L_simem_size_0:
called_computation_lowered:
.L_overlay_start_0:
0x88: {  	s2 =	sld [smem:$0x3FD9]  }
0x89: {  	s3 =	sld [smem:$0x3FFE];
	_ =	sdelay $0x1  }
0x8a: {  	s1 =	srdreg.scid  }
0x8b: {  	s0 =	sand.u32 $0x1, s1  }
0x8c: {  	s17 =	sshll.u32 s0, $0xA;
	s2 =	sadd.s32 s3, s2  }
0x8d: {  	s2 =	sadd.s32 s2, s17  }
0x8e: {  	[smem:$0x3FA6] =	sst s2  }
0x8f: {  	_ = 	snop  }
0x90: {  	s2 =	sld [smem:$0x3FC9];
	(tm) =	ssettm $0x1  }
0x91: {  	s18 =	sld [smem:$0x3FFB];
	_ =	sdelay $0x3  }
0x92: {  	_ =	strace s18  }
0x93: {  	s3 =	sld [smem:$0x3FFC];
	_ =	sdelay $0x3  }
0x94: {  	_ =	strace s3  }
0x95: {  	s3 =	sld [smem:$0x3FFD];
	_ =	sdelay $0x3  }
0x96: {  	_ =	strace s3  }
0x97: {  	_ =	strace $0x8FFFFFFF  }
0x98: {  	s19 =	sld [smem:$0x3FDB];
	_ =	sdelay $0x1  }
0x99: {  	s4 =	simm.s32 $_scs_section_size  }
0x9a: {  	s5 =	simm.s32 $_size__tile_overlayer_lowered;
	s6 =	simm.s32 $_tile_overlayer_lowered  }
0x9b: {  	s22 =	simm.s32 $0x1BFF;
	s21 =	sshll.u32 s6, $0x1;
	s3 =	sadd.s32 s4, s19  }
0x9c: {  	s7 =	simm.s32 $0x0;
	s20 =	sshll.u32 s5, $0x1;
	s5 =	sadd.s32 s21, s3  }
0x9d: {  	[timem:s7], [sflag:s22] =	dma.local [hbm:s5], s20  }
0x9e: {  	_ =	swait.ge [sflag:s22], s20  }
0x9f: {  	s4 =	ssub.s32 $0x0, s20;
	[sflag:s22] =	ssyncset.done $0x0  }
0xa0: {  	[sflag:s22] =	ssyncadd.s32 s4;
	_ =	sdelay $0x1  }
0xa1: {  	s23 =	simm.s32 $0x1B8B  }
0xa2: {  	_ =	swait.ge [sflag:s23], $0x1  }
0xa3: {  	[sflag:s23] =	ssyncset.done $0x0  }
0xa4: {  	s25 =	simm.s32 $0x1B8E;
	s24 =	sld [smem:$0x3FFE];
	[sflag:s23] =	ssyncadd.s32 $0xFFFFFFFF  }
0xa5: {  	s26 =	simm.s32 $execute0_lowered;
	[smem:$0x3FD2] =	sst s25  }
0xa6: {  	s5 =	sshll.u32 s26, $0x1;
	_ =	strace $0x80000046;
	[dreg:$0x1] =	wrdreg $0xFFFFFFFF  }
0xa7: {  	s28 =	simm.s32 $_size_execute0_lowered;
	s3 =	sadd.s32 s3, s5;
	[dreg:$0x0] =	wrdreg $0x0  }
0xa8: {  	s5 =	sshll.u32 s28, $0x1;
	[dreg:$0x2] =	wrdreg s3  }
0xa9: {  	[dreg:$0x3] =	wrdreg s5  }
0xaa: {  	[dreg:$0x4] =	wrdreg $0xC0  }
0xab: {  	_ =	task [dreg:s7], $0x5FFFF  }
0xac: {  	[dreg:$0x1] =	wrdreg $0xFFFFFFFF  }
0xad: {  	[dreg:$0x0] =	wrdreg $0x60  }
0xae: {  	[dreg:$0x2] =	wrdreg s2  }
0xaf: {  	[dreg:$0x3] =	wrdreg s24  }
0xb0: {  	[dreg:$0x4] =	wrdreg $0x76200  }
0xb1: {  	[dreg:$0x5] =	wrdreg $0x9  }
0xb2: {  	_ =	task.clear_ibuf [dreg:s7], $0x6FFFF;
	_ =	strace $0x90000046  }
0xb3: {  	s29 =	simm.s32 $0x9;
	_ =	strace $0x80000048  }
0xb4: {  	_ =	swait.ge [sflag:s29], $0x1  }
0xb5: {  	[sflag:s29] =	ssyncadd.s32 $0xFFFFFFFF  }
0xb6: {  	_ =	strace $0x90000048  }
0xb7: {  	_ =	sfence  }
0xb8: {  	s30 =	sld [smem:$0x0];
	_ =	sdelay $0x2  }
0xb9: {  	s31 =	sshll.u32 s1, $0xD;
	s1 =	sshrl.u32 s1, $0x2  }
0xba: {  	s3 =	sand.u32 $0x4000, s31;
	s1 =	sadd.s32 s1, s30  }
0xbb: {  	s0 =	sor.u32 s3, s0;
	s1 =	sshll.u32 s1, $0x11  }
0xbc: {  	s0 =	sor.u32 s1, s0  }
0xbd: {  	s0 =	sadd.s32 $0x8F2B, s0  }
0xbe: {  	[sflag:s0] =	ssyncadd.remote.s32 $0x1  }
0xbf: {  	_ =	sfence.sel $0xFFFF  }
0xc0: {  	[dreg:$0x0] =	wrdreg $0xFFFFFFFF;
	(pc) =	sbr.abs _section_cstart, $3  }
0xc1: {  	[dreg:$0x1] =	wrdreg $0xFFFFFFFF  }
0xc2: {  	_ =	task.clear_ibuf [dreg:s7], $0x2FFFF;
	_ =	strace $0x9FFFFFFF  }
0xc3: {  	(tm) =	ssettm $0x7FFFFFFF  }
tec
execute0_lowered:
.L_overlay_start_1:
0x0: {  	(tag) =	ssettag $0x1  }
0x1: {  	s1 =	rddreg [dreg:$0x0]  }
0x2: {  	s0 =	srdreg.scid;
	s2 =	rddreg [dreg:$0x1]  }
0x3: {  	s21 =	stileid.u32;
	s3 =	rddreg [dreg:$0x2]  }
0x4: {  	s28 =	simm.s32 $0x50;
	s0 =	sand.u32 $0x1, s0;
	s8 =	smul.u32 $0xA000, s21  }
0x5: {  	s29 =	simm.s32 $0x1;
	s12 =	sor.u32 $0x10, s21;
	s6 =	smul.u32 $0x27100, s0  }
0x6: {  	s30 =	simm.s32 $0x3;
	s13 =	sor.u32 $0x20, s21;
	s9 =	smul.u32 $0xA000, s12  }
0x7: {  	s31 =	simm.s32 $0x0;
	s14 =	sor.u32 $0x30, s21;
	s10 =	smul.u32 $0xA000, s13  }
0x8: {  	s15 =	sor.u32 $0x40, s21;
	s16 =	sor.u32 $0x50, s21;
	s11 =	smul.u32 $0xA000, s14  }
0x9: {  	s18 =	sor.u32 $0x60, s21;
	s24 =	sor.u32 $0x70, s21;
	s23 =	smul.u32 $0xA000, s15  }
0xa: {  	s4 =	sshll.u32 s0, $0x4;
	s0 =	ssub.s32 $0x2, s0;
	s17 =	smul.u32 $0xA000, s16  }
0xb: {  	s19 =	smul.u32 $0xA000, s18;
	p0 =	sgt.u32 s24, $0x7C;
	s5 =	sor.u32 s21, s4  }
0xc: {  	s4 =	simm.s32 $0x0;
	s20 =	sshrl.u32 s0, $0x1;
	s21 =	smul.u32 $0x500, s21  }
0xd: {  	s8 =	sshrl.u32 s8, $0x2;
	s5 =	smul.u32 $0x4E2, s5;
	[smem:$0x7FF] =	sst s4  }
0xe: {  	s0 =	ssub.s32 s0, s20;
	s9 =	sshrl.u32 s9, $0x2;
	s8 =	sadd.s32 s8, s3  }
0xf: {  	s20 =	smul.u32 $0xA000, s24;
	s10 =	sshrl.u32 s10, $0x2;
	s11 =	sshrl.u32 s11, $0x2  }
0x10: {  	s17 =	sshrl.u32 s17, $0x2;
	s25 =	sshrl.u32 s19, $0x2;
	_ =	strace $0x80000047  }
0x11: {  	s9 =	sadd.s32 s9, s3;
	s10 =	sadd.s32 s10, s3;
	s7 =	sadd.s32 s5, s2  }
0x12: {  	s2 =	sadd.s32 s6, s2;
	s26 =	sshrl.u32 s20, $0x2;
	s20 =	smul.u32 $0x500, s15  }
0x13: {  	s5 =	smul.u32 $0x500, s18;
	s22 =	sadd.s32 $0x10200, s7;
	s6 =	sadd.s32 $0x6400, s7  }
0x14: {  	s7 =	smax.u32 s0, $0x1;
	s0 =	sshrl.u32 s23, $0x2;
	s23 =	smul.u32 $0x500, s13  }
0x15: {  	s11 =	sadd.s32 s11, s3;
	s15 =	sadd.s32 s26, s3;
	s26 =	smul.u32 $0x500, s24  }
0x16: {  	s2 =	sadd.s32 $0x1A000, s2;
	[dreg:$0x4] =	wrdreg s22;
	s22 =	smul.u32 $0x500, s12  }
0x17: {  	s13 =	sadd.s32 s17, s3;
	s12 =	sadd.s32 s0, s3;
	s0 =	smul.u32 $0x500, s14  }
0x18: {  	s24 =	simm.s32 $0x4E20;
	s14 =	sadd.s32 s25, s3;
	s25 =	smul.u32 $0x500, s16  }
0x19: {  	s16 =	sadd.s32 s2, s21;
	s20 =	sadd.s32 s2, s20;
	s18 =	sadd.s32 s2, s23  }
0x1a: {  	s23 =	sadd.s32 s2, s26;
	s17 =	sadd.s32 s2, s22;
	s19 =	sadd.s32 s2, s0  }
0x1b: {  	v0 =	vimm.f32 $0.0e+00;
	s21 =	sadd.s32 s2, s25;
	s22 =	sadd.s32 s2, s5;
	s25 =	simm.s32 $0x2  }
.LBB2_1:
0x1c: {  	s2 =	simm.s32 $0x0;
	s0 =	simm.s32 $0x200  }
.LBB2_2:
0x1d: {  	p1 =	sne.s32 s0, $0x9E00;
	[tilespmem:s2+$0x4E90] =	vst v0  }
0x1e: {  	[tilespmem:s2+$0x4E20] =	vst v0  }
0x1f: {  	[tilespmem:s2+$0x4E30] =	vst v0  }
.Ltmp0:
0x20: {  	[tilespmem:s2+$0x4E40] =	vst v0;
	(pc) =	sbr.rel @p1 .LBB2_2-.Ltmp0, $4  }
0x21: {  	[tilespmem:s2+$0x4E50] =	vst v0  }
0x22: {  	[tilespmem:s2+$0x4E60] =	vst v0  }
0x23: {  	[tilespmem:s2+$0x4E70] =	vst v0  }
0x24: {  	[tilespmem:s2+$0x4E80] =	vst v0;
	s2 =	sshra.s32 s0, $0x2;
	s0 =	sadd.s32 $0x200, s0  }
0x25: {  	[tilespmem:s2+$0x4E90] =	vst v0  }
0x26: {  	[tilespmem:s2+$0x4E20] =	vst v0  }
0x27: {  	[tilespmem:s2+$0x4E30] =	vst v0  }
0x28: {  	[tilespmem:s2+$0x4E40] =	vst v0  }
0x29: {  	[tilespmem:s2+$0x4E50] =	vst v0  }
0x2a: {  	[tilespmem:s2+$0x4E60] =	vst v0  }
0x2b: {  	[tilespmem:s2+$0x4E70] =	vst v0  }
0x2c: {  	[tilespmem:s2+$0x4E80] =	vst v0  }
0x2d: {  	[spmem:s8] =	stream.linear.scatter [tilespmem:s24], [sflag:$0x2], $0x2800, $0x38;
	[tilespmem:$0x1AEA0] =	vst v63  }
0x2e: {  	_ =	swait.ge [sflag:s25], $0x2800  }
0x2f: {  	[sflag:s25] =	ssyncset.done $0x0  }
0x30: {  	[sflag:s25] =	ssyncadd.s32 $0xFFFFD800  }
0x31: {  	[spmem:s9] =	stream.linear.scatter [tilespmem:s24], [sflag:$0x2], $0x2800, $0x38;
	[tilespmem:$0x1AEA0] =	vst v63  }
0x32: {  	_ =	swait.ge [sflag:s25], $0x2800  }
0x33: {  	[sflag:s25] =	ssyncset.done $0x0  }
0x34: {  	[sflag:s25] =	ssyncadd.s32 $0xFFFFD800  }
0x35: {  	[spmem:s10] =	stream.linear.scatter [tilespmem:s24], [sflag:$0x2], $0x2800, $0x38;
	[tilespmem:$0x1AEA0] =	vst v63  }
0x36: {  	_ =	swait.ge [sflag:s25], $0x2800  }
0x37: {  	[sflag:s25] =	ssyncset.done $0x0  }
0x38: {  	[sflag:s25] =	ssyncadd.s32 $0xFFFFD800  }
0x39: {  	[spmem:s11] =	stream.linear.scatter [tilespmem:s24], [sflag:$0x2], $0x2800, $0x38;
	[tilespmem:$0x1AEA0] =	vst v63  }
0x3a: {  	_ =	swait.ge [sflag:s25], $0x2800  }
0x3b: {  	[sflag:s25] =	ssyncset.done $0x0  }
0x3c: {  	[sflag:s25] =	ssyncadd.s32 $0xFFFFD800  }
0x3d: {  	[spmem:s12] =	stream.linear.scatter [tilespmem:s24], [sflag:$0x2], $0x2800, $0x38;
	[tilespmem:$0x1AEA0] =	vst v63  }
0x3e: {  	_ =	swait.ge [sflag:s25], $0x2800  }
0x3f: {  	[sflag:s25] =	ssyncset.done $0x0  }
0x40: {  	[sflag:s25] =	ssyncadd.s32 $0xFFFFD800  }
0x41: {  	[spmem:s13] =	stream.linear.scatter [tilespmem:s24], [sflag:$0x2], $0x2800, $0x38;
	[tilespmem:$0x1AEA0] =	vst v63  }
0x42: {  	_ =	swait.ge [sflag:s25], $0x2800  }
0x43: {  	[sflag:s25] =	ssyncset.done $0x0  }
0x44: {  	[sflag:s25] =	ssyncadd.s32 $0xFFFFD800  }
0x45: {  	[spmem:s14] =	stream.linear.scatter [tilespmem:s24], [sflag:$0x2], $0x2800, $0x38;
	[tilespmem:$0x1AEA0] =	vst v63  }
0x46: {  	_ =	swait.ge [sflag:s25], $0x2800  }
0x47: {  	[sflag:s25] =	ssyncset.done $0x0  }
0x48: {  	s0 =	simm.s32 @!p0 $0x4E20;
	[sflag:s25] =	ssyncadd.s32 $0xFFFFD800  }
0x49: {  	[spmem:s15] =	stream.linear.scatter @!p0 [tilespmem:s0], [sflag:$0x2], $0x2800, $0x38;
	[tilespmem:$0x1AEA0] =	vst v63  }
0x4a: {  	s0 =	simm.s32 @!p0 $0x2  }
0x4b: {  	_ =	swait.ge @!p0 [sflag:s0], $0x2800  }
0x4c: {  	[sflag:s0] =	ssyncset.done @!p0 $0x0  }
0x4d: {  	s5 =	rddreg [dreg:$0x4];
	[sflag:s0] =	ssyncadd.s32 @!p0 $0xFFFFD800;
	s0 =	simm.s32 $0x0  }
0x4e: {  	[tilespmem:s0], [sflag:$0x2] =	stream.linear.gather [hbm4b:s5+s0], $0x2710, $0x38;
	[tilespmem:$0x1AEA0] =	vst v63  }
0x4f: {  	_ =	swait.ge [sflag:s25], $0x2710  }
0x50: {  	[sflag:s25] =	ssyncset.done $0x0  }
0x51: {  	s26 =	simm.s32 $0x2710;
	[sflag:s25] =	ssyncadd.s32 $0xFFFFD8F0  }
0x52: {  	[tilespmem:s26], [sflag:$0x2] =	stream.linear.gather [hbm4b:s6+s0], $0x2710, $0x38;
	[tilespmem:$0x1AEA0] =	vst v63  }
0x53: {  	_ =	swait.ge [sflag:s25], $0x2710  }
0x54: {  	[sflag:s25] =	ssyncset.done $0x0  }
0x55: {  	[sflag:s25] =	ssyncadd.s32 $0xFFFFD8F0  }
0x56: {  	s5 =	simm.s32 $0x0;
	[bflag:$0x0] =	sbarrier.arrive $0xFFFF  }
0x57: {  	[tilespmem:s24], [sflag:$0x1] =	stream.indirect.gather [hbm4b:s1+s28], $0x80, s5, s28, $0xb8;
	[tilespmem:$0x1AEA0] =	vst v63  }
0x58: {  	_ =	swait.ge [sflag:s29], $0x2800  }
0x59: {  	[sflag:s29] =	ssyncset.done $0x0  }
0x5a: {  	s26 =	simm.s32 $0x2710;
	[sflag:s29] =	ssyncadd.s32 $0xFFFFD800  }
0x5b: {  	[spmem:s3] =	stream.indirect.scatter.add.f32 [tilespmem:s24], [sflag:$0x2], $0x80, s26, s28, $0xb8;
	[tilespmem:$0x1AEA0] =	vst v63  }
0x5c: {  	_ =	swait.ge [sflag:s25], $0x2800  }
0x5d: {  	s2 =	simm.s32 $0x140;
	s0 =	simm.s32 $0x280;
	[sflag:s25] =	ssyncset.done $0x0  }
.LBB2_4:
0x5e: {  	s26 =	sshra.s32 s2, $0x2  }
0x5f: {  	[sflag:s25] =	ssyncadd.s32 $0xFFFFD800;
	s2 =	smov.u32 s0;
	s5 =	sadd.s32 $0x140, s0  }
0x60: {  	[tilespmem:s24], [sflag:$0x1] =	stream.indirect.gather [hbm4b:s1+s28], $0x80, s26, s28, $0xb8;
	[tilespmem:$0x1AEA0] =	vst v63  }
0x61: {  	p1 =	sne.s32 s0, $0x9B00;
	_ =	swait.ge [sflag:s29], $0x2800  }
.Ltmp1:
0x62: {  	[sflag:s29] =	ssyncset.done $0x0;
	(pc) =	sbr.rel @p1 .LBB2_4-.Ltmp1, $4  }
0x63: {  	s0 =	sadd.s32 $0x2710, s26;
	[sflag:s29] =	ssyncadd.s32 $0xFFFFD800  }
0x64: {  	[spmem:s3] =	stream.indirect.scatter.add.f32 [tilespmem:s24], [sflag:$0x2], $0x80, s0, s28, $0xb8;
	[tilespmem:$0x1AEA0] =	vst v63  }
0x65: {  	_ =	swait.ge [sflag:s25], $0x2800  }
0x66: {  	s0 =	smov.u32 s5;
	[sflag:s25] =	ssyncset.done $0x0  }
0x67: {  	s0 =	sshra.s32 s2, $0x2;
	[sflag:s25] =	ssyncadd.s32 $0xFFFFD800  }
0x68: {  	[tilespmem:s24], [sflag:$0x1] =	stream.indirect.gather [hbm4b:s1+s28], $0x80, s0, s28, $0xb8;
	[tilespmem:$0x1AEA0] =	vst v63  }
0x69: {  	_ =	swait.ge [sflag:s29], $0x2800  }
0x6a: {  	[sflag:s29] =	ssyncset.done $0x0  }
0x6b: {  	s0 =	sadd.s32 $0x2710, s0;
	[sflag:s29] =	ssyncadd.s32 $0xFFFFD800  }
0x6c: {  	[spmem:s3] =	stream.indirect.scatter.add.f32 [tilespmem:s24], [sflag:$0x2], $0x80, s0, s28, $0xb8;
	[tilespmem:$0x1AEA0] =	vst v63  }
0x6d: {  	_ =	swait.ge [sflag:s25], $0x2800  }
0x6e: {  	[sflag:s25] =	ssyncset.done $0x0  }
0x6f: {  	[sflag:s25] =	ssyncadd.s32 $0xFFFFD800  }
0x70: {  	[bflag:$0x0] =	sbarrier.arrive $0xFFFF  }
0x71: {  	[tilespmem:s24], [sflag:$0x3] =	stream.linear.gather [spmem:s8], $0x2800, $0x38;
	[tilespmem:$0x1AEA0] =	vst v63  }
0x72: {  	_ =	swait.ge [sflag:s30], $0x2800  }
0x73: {  	[sflag:s30] =	ssyncset.done $0x0  }
0x74: {  	[sflag:s30] =	ssyncadd.s32 $0xFFFFD800  }
0x75: {  	[hbm4b:s16+s4] =	stream.linear.scatter [tilespmem:s24], [sflag:$0x2], $0x2800, $0x38;
	[tilespmem:$0x1AEA0] =	vst v63  }
0x76: {  	_ =	swait.ge [sflag:s25], $0x2800  }
0x77: {  	[sflag:s25] =	ssyncset.done $0x0  }
0x78: {  	[sflag:s25] =	ssyncadd.s32 $0xFFFFD800  }
0x79: {  	[tilespmem:s24], [sflag:$0x3] =	stream.linear.gather [spmem:s9], $0x2800, $0x38;
	[tilespmem:$0x1AEA0] =	vst v63  }
0x7a: {  	_ =	swait.ge [sflag:s30], $0x2800  }
0x7b: {  	[sflag:s30] =	ssyncset.done $0x0  }
0x7c: {  	[sflag:s30] =	ssyncadd.s32 $0xFFFFD800  }
0x7d: {  	[hbm4b:s17+s4] =	stream.linear.scatter [tilespmem:s24], [sflag:$0x2], $0x2800, $0x38;
	[tilespmem:$0x1AEA0] =	vst v63  }
0x7e: {  	_ =	swait.ge [sflag:s25], $0x2800  }
0x7f: {  	[sflag:s25] =	ssyncset.done $0x0  }
0x80: {  	[sflag:s25] =	ssyncadd.s32 $0xFFFFD800  }
0x81: {  	[tilespmem:s24], [sflag:$0x3] =	stream.linear.gather [spmem:s10], $0x2800, $0x38;
	[tilespmem:$0x1AEA0] =	vst v63  }
0x82: {  	_ =	swait.ge [sflag:s30], $0x2800  }
0x83: {  	[sflag:s30] =	ssyncset.done $0x0  }
0x84: {  	[sflag:s30] =	ssyncadd.s32 $0xFFFFD800  }
0x85: {  	[hbm4b:s18+s4] =	stream.linear.scatter [tilespmem:s24], [sflag:$0x2], $0x2800, $0x38;
	[tilespmem:$0x1AEA0] =	vst v63  }
0x86: {  	_ =	swait.ge [sflag:s25], $0x2800  }
0x87: {  	[sflag:s25] =	ssyncset.done $0x0  }
0x88: {  	[sflag:s25] =	ssyncadd.s32 $0xFFFFD800  }
0x89: {  	[tilespmem:s24], [sflag:$0x3] =	stream.linear.gather [spmem:s11], $0x2800, $0x38;
	[tilespmem:$0x1AEA0] =	vst v63  }
0x8a: {  	_ =	swait.ge [sflag:s30], $0x2800  }
0x8b: {  	[sflag:s30] =	ssyncset.done $0x0  }
0x8c: {  	[sflag:s30] =	ssyncadd.s32 $0xFFFFD800  }
0x8d: {  	[hbm4b:s19+s4] =	stream.linear.scatter [tilespmem:s24], [sflag:$0x2], $0x2800, $0x38;
	[tilespmem:$0x1AEA0] =	vst v63  }
0x8e: {  	_ =	swait.ge [sflag:s25], $0x2800  }
0x8f: {  	[sflag:s25] =	ssyncset.done $0x0  }
0x90: {  	[sflag:s25] =	ssyncadd.s32 $0xFFFFD800  }
0x91: {  	[tilespmem:s24], [sflag:$0x3] =	stream.linear.gather [spmem:s12], $0x2800, $0x38;
	[tilespmem:$0x1AEA0] =	vst v63  }
0x92: {  	_ =	swait.ge [sflag:s30], $0x2800  }
0x93: {  	[sflag:s30] =	ssyncset.done $0x0  }
0x94: {  	[sflag:s30] =	ssyncadd.s32 $0xFFFFD800  }
0x95: {  	[hbm4b:s20+s4] =	stream.linear.scatter [tilespmem:s24], [sflag:$0x2], $0x2800, $0x38;
	[tilespmem:$0x1AEA0] =	vst v63  }
0x96: {  	_ =	swait.ge [sflag:s25], $0x2800  }
0x97: {  	[sflag:s25] =	ssyncset.done $0x0  }
0x98: {  	[sflag:s25] =	ssyncadd.s32 $0xFFFFD800  }
0x99: {  	[tilespmem:s24], [sflag:$0x3] =	stream.linear.gather [spmem:s13], $0x2800, $0x38;
	[tilespmem:$0x1AEA0] =	vst v63  }
0x9a: {  	_ =	swait.ge [sflag:s30], $0x2800  }
0x9b: {  	[sflag:s30] =	ssyncset.done $0x0  }
0x9c: {  	[sflag:s30] =	ssyncadd.s32 $0xFFFFD800  }
0x9d: {  	[hbm4b:s21+s4] =	stream.linear.scatter [tilespmem:s24], [sflag:$0x2], $0x2800, $0x38;
	[tilespmem:$0x1AEA0] =	vst v63  }
0x9e: {  	_ =	swait.ge [sflag:s25], $0x2800  }
0x9f: {  	[sflag:s25] =	ssyncset.done $0x0  }
0xa0: {  	[sflag:s25] =	ssyncadd.s32 $0xFFFFD800  }
0xa1: {  	[tilespmem:s24], [sflag:$0x3] =	stream.linear.gather [spmem:s14], $0x2800, $0x38;
	[tilespmem:$0x1AEA0] =	vst v63  }
0xa2: {  	_ =	swait.ge [sflag:s30], $0x2800  }
0xa3: {  	[sflag:s30] =	ssyncset.done $0x0  }
0xa4: {  	[sflag:s30] =	ssyncadd.s32 $0xFFFFD800  }
0xa5: {  	[hbm4b:s22+s4] =	stream.linear.scatter [tilespmem:s24], [sflag:$0x2], $0x2800, $0x38;
	[tilespmem:$0x1AEA0] =	vst v63  }
0xa6: {  	_ =	swait.ge [sflag:s25], $0x2800  }
0xa7: {  	[sflag:s25] =	ssyncset.done $0x0  }
0xa8: {  	s2 =	simm.s32 @!p0 $0x3;
	s0 =	simm.s32 @!p0 $0x4E20;
	[sflag:s25] =	ssyncadd.s32 $0xFFFFD800  }
0xa9: {  	[tilespmem:s0], [sflag:$0x3] =	stream.linear.gather @!p0 [spmem:s15], $0x2800, $0x38;
	[tilespmem:$0x1AEA0] =	vst v63  }
0xaa: {  	_ =	swait.ge @!p0 [sflag:s2], $0x2800  }
0xab: {  	s31 =	sadd.s32 $0x1, s31;
	[sflag:s2] =	ssyncset.done @!p0 $0x0  }
0xac: {  	p1 =	sne.s32 s31, s7;
	[sflag:s2] =	ssyncadd.s32 @!p0 $0xFFFFD800;
	s2 =	simm.s32 @!p0 $0x0  }
0xad: {  	[hbm4b:s23+s2] =	stream.linear.scatter @!p0 [tilespmem:s0], [sflag:$0x2], $0x2800, $0x38;
	[tilespmem:$0x1AEA0] =	vst v63  }
.Ltmp2:
0xae: {  	_ = 	snop;
	(pc) =	sbr.rel @p1 .LBB2_1-.Ltmp2, $4  }
0xaf: {  	s0 =	simm.s32 @!p0 $0x2  }
0xb0: {  	_ =	swait.ge @!p0 [sflag:s0], $0x2800  }
0xb1: {  	[sflag:s0] =	ssyncset.done @!p0 $0x0  }
0xb2: {  	[sflag:s0] =	ssyncadd.s32 @!p0 $0xFFFFD800  }
0xb3: {  	_ =	sfence.sel $0x180000  }
0xb4: {  	[bflag:$0x0] =	sbarrier.arrive $0xFFFF  }
0xb5: {  	_ =	strace $0x90000047  }
0xb6: {  	s0 =	stileid.u32;
	[bflag:$0x2] =	sbarrier.arrive $0xFFFF  }
0xb7: {  	p0 =	sne.s32 s0, $0x0;
	s0 =	rddreg [dreg:$0x3]  }
0xb8: {  	s0 =	sadd.s32 @!p0 $0x100000, s0  }
0xb9: {  	[sflag:s0] =	ssyncadd.tile.s32 @!p0 $0x1;
	_ =	shalt  }
.Lfunc_end2:
_tile_overlayer_lowered:
.L_overlay_start_2:
0xba: {  	(tag) =	ssettag $0x2  }
0xbb: {  	s0 =	rddreg [dreg:$0x0];
	s2 =	stileid.u32  }
0xbc: {  	s1 =	rddreg [dreg:$0x1];
	p0 =	sne.s32 s2, $0x0  }
0xbd: {  	s3 =	rddreg [dreg:$0x2];
	[bflag:$0x3] =	sbarrier.arrive $0xFFFF;
	s2 =	simm.s32 @!p0 $0x1C02  }
0xbe: {  	[timem:s3], [sflag:s2] =	dma.local @!p0 [hbm:s0], s1  }
0xbf: {  	s0 =	simm.s32 @!p0 $0x2  }
0xc0: {  	_ =	swait.ge @!p0 [sflag:s0], s1  }
0xc1: {  	s1 =	ssub.s32 @!p0 $0x0, s1;
	[sflag:s0] =	ssyncset.done @!p0 $0x0  }
0xc2: {  	[sflag:s0] =	ssyncadd.s32 @!p0 s1  }
0xc3: {  	[bflag:$0x3] =	sbarrier.arrive $0xFFFF  }
0xc4: {  	_ =	shalt  }

// kernel: kernel.16.cloned.1.call-start
scs
__scs_entry_jumppad:
0x0: {  	(pc) =	sbr.rel $0x88, $3  }
0x1: {  	(tag) =	ssettag $0x0;
	lr =	simm.s32 $0x1  }
0x2: {  	[smem:$0x3F7F] =	sst lr;
	_ =	strace $0xD0000000  }
0x3: {  	_ = 	snop  }
0x4: {  	_ = 	snop  }
0x5: {  	_ = 	snop  }
0x6: {  	_ = 	snop  }
0x7: {  	_ = 	snop  }
__scs_overlays_trampoline_lowered:
0x8: {  	[smem:$0x3F8E] =	sst s0  }
0x9: {  	[smem:$0x3F8F] =	sst s1  }
0xa: {  	[smem:$0x3F90] =	sst s2  }
0xb: {  	[smem:$0x3F91] =	sst s3  }
0xc: {  	[smem:$0x3F92] =	sst s4  }
0xd: {  	[smem:$0x3F93] =	sst s5  }
0xe: {  	[smem:$0x3F94] =	sst s6  }
0xf: {  	[smem:$0x3F95] =	sst s7  }
0x10: {  	[smem:$0x3F96] =	sst s8  }
0x11: {  	[smem:$0x3F97] =	sst s9;
	s0 =	simm.s32 @!p0 $0x0  }
0x12: {  	s1 =	sld [smem:$0x3F7D];
	s0 =	simm.s32 @p0 $0x1  }
0x13: {  	[smem:$0x3F98] =	sst s0;
	s0 =	simm.s32 @!p1 $0x0  }
0x14: {  	s2 =	sld [smem:$0x3F7C];
	s0 =	simm.s32 @p1 $0x1  }
0x15: {  	[smem:$0x3F99] =	sst s0;
	s0 =	simm.s32 @!p2 $0x0  }
0x16: {  	s3 =	sld [smem:$0x3FDB];
	s0 =	simm.s32 @p2 $0x1  }
0x17: {  	s4 =	simm.s32 $0x1BF5;
	[smem:$0x3F9B] =	sst s0  }
0x18: {  	s0 =	sld [smem:$0x3F7E];
	_ =	swait.ge [sflag:s4], $0x0  }
0x19: {  	s7 =	sld [smem:$0x3F7F]  }
0x1a: {  	s8 =	sadd.s32 $0xFFFFE003, lr  }
0x1b: {  	s9 =	sadd.s32 $0xFFFFFEF7, lr;
	s5 =	simm.s32 $0xFFFFFFFF;
	p2 =	slt.u32 s8, $0xFFFFF086  }
0x1c: {  	p1 =	slt.u32 s9, $0xF7A;
	s5 =	simm.s32 @!p2 $0x0  }
0x1d: {  	s5 =	simm.s32 @p1 $0x1;
	p0 =	seq.s32 s7, s2  }
0x1e: {  	s7 =	smul.u32 @!p0 $0xF7A, s2;
	p2 =	seq.s32 @!p0 s5, $0x0  }
0x1f: {  	s9 =	smul.u32 $0xF7A, s1;
	s8 =	simm.s32 @!p0 $0x1BF5;
	p2 =	por !p2, p0  }
0x20: {  	[sflag:s8] =	ssyncset.s32 @!p0 $0xFFFFF086;
	s6 =	sadd.s32 @!p0 s3, s7;
	s7 =	simm.s32 @!p0 $0x108  }
0x21: {  	s3 =	sadd.s32 s3, s9;
	s6 =	sadd.s32 @!p0 $0x88, s6;
	s7 =	simm.s32 @p2 $0x1082  }
0x22: {  	[simem:s7], [sflag:s8] =	dma.local @!p0 [hbm:s6], $0xF7A  }
0x23: {  	s9 =	sor.u32 $0xD0000000, s2;
	s6 =	simm.s32 $0x108;
	_ =	swait.ge @!p0 [sflag:s8], $0x0  }
0x24: {  	s3 =	sadd.s32 $0x88, s3;
	s6 =	simm.s32 @!p1 $0x1082;
	[sflag:s4] =	ssyncset.s32 $0xFFFFF086  }
0x25: {  	[simem:s6], [sflag:s4] =	dma.local [hbm:s3], $0xF7A  }
0x26: {  	[smem:$0x3F7F] =	sst s1;
	(tag) =	ssettag s2;
	_ =	strace s9  }
0x27: {  	s1 =	sld [smem:$0x3F8F]  }
0x28: {  	s2 =	sld [smem:$0x3F90]  }
0x29: {  	s4 =	sld [smem:$0x3F92]  }
0x2a: {  	p0 =	seq.s32 s5, $0x0;
	s5 =	sld [smem:$0x3F93]  }
0x2b: {  	s6 =	sld [smem:$0x3F94]  }
0x2c: {  	s7 =	sld [smem:$0x3F95]  }
0x2d: {  	s3 =	simm.s32 $0x108;
	s8 =	sld [smem:$0x3F96]  }
0x2e: {  	s3 =	simm.s32 @!p0 $0x1082;
	s9 =	sld [smem:$0x3F97]  }
0x2f: {  	lr =	sadd.s32 s0, s3;
	s0 =	sld [smem:$0x3F8E]  }
0x30: {  	s3 =	sld [smem:$0x3F91]  }
0x31: {  	[smem:$0x3F9A] =	sst s10  }
0x32: {  	s10 =	sld [smem:$0x3F98];
	_ =	sdelay $0x3  }
0x33: {  	p0 =	seq.s32 s10, $0x1;
	s10 =	sld [smem:$0x3F9A];
	_ =	sdelay $0x3  }
0x34: {  	[smem:$0x3F9A] =	sst s10  }
0x35: {  	s10 =	sld [smem:$0x3F99];
	_ =	sdelay $0x3  }
0x36: {  	p1 =	seq.s32 s10, $0x1;
	s10 =	sld [smem:$0x3F9A];
	_ =	sdelay $0x3  }
0x37: {  	[smem:$0x3F9A] =	sst s10  }
0x38: {  	s10 =	sld [smem:$0x3F9B]  }
0x39: {  	_ = 	snop;
	(pc) =	sbr.ind lr, $3  }
0x3a: {  	_ = 	snop  }
0x3b: {  	_ = 	snop  }
0x3c: {  	p2 =	seq.s32 s10, $0x1;
	s10 =	sld [smem:$0x3F9A]  }
0x3d: {  	_ =	shalt  }
0x3e: {  	_ =	shalt  }
0x3f: {  	_ =	shalt  }
0x40: {  	_ =	shalt  }
0x41: {  	_ =	shalt  }
0x42: {  	_ =	shalt  }
0x43: {  	_ =	shalt  }
0x44: {  	_ =	shalt  }
0x45: {  	_ =	shalt  }
0x46: {  	_ =	shalt  }
0x47: {  	_ =	shalt  }
0x48: {  	_ =	shalt  }
0x49: {  	_ =	shalt  }
0x4a: {  	_ =	shalt  }
0x4b: {  	_ =	shalt  }
0x4c: {  	_ =	shalt  }
0x4d: {  	_ =	shalt  }
0x4e: {  	_ =	shalt  }
0x4f: {  	_ =	shalt  }
0x50: {  	_ =	shalt  }
0x51: {  	_ =	shalt  }
0x52: {  	_ =	shalt  }
0x53: {  	_ =	shalt  }
0x54: {  	_ =	shalt  }
0x55: {  	_ =	shalt  }
0x56: {  	_ =	shalt  }
0x57: {  	_ =	shalt  }
0x58: {  	_ =	shalt  }
0x59: {  	_ =	shalt  }
0x5a: {  	_ =	shalt  }
0x5b: {  	_ =	shalt  }
0x5c: {  	_ =	shalt  }
0x5d: {  	_ =	shalt  }
0x5e: {  	_ =	shalt  }
0x5f: {  	_ =	shalt  }
0x60: {  	_ =	shalt  }
0x61: {  	_ =	shalt  }
0x62: {  	_ =	shalt  }
0x63: {  	_ =	shalt  }
0x64: {  	_ =	shalt  }
0x65: {  	_ =	shalt  }
0x66: {  	_ =	shalt  }
0x67: {  	_ =	shalt  }
0x68: {  	_ =	shalt  }
0x69: {  	_ =	shalt  }
0x6a: {  	_ =	shalt  }
0x6b: {  	_ =	shalt  }
0x6c: {  	_ =	shalt  }
0x6d: {  	_ =	shalt  }
0x6e: {  	_ =	shalt  }
0x6f: {  	_ =	shalt  }
0x70: {  	_ =	shalt  }
0x71: {  	_ =	shalt  }
0x72: {  	_ =	shalt  }
0x73: {  	_ =	shalt  }
0x74: {  	_ =	shalt  }
0x75: {  	_ =	shalt  }
0x76: {  	_ =	shalt  }
0x77: {  	_ =	shalt  }
0x78: {  	_ =	shalt  }
0x79: {  	_ =	shalt  }
0x7a: {  	_ =	shalt  }
0x7b: {  	_ =	shalt  }
0x7c: {  	_ =	shalt  }
0x7d: {  	_ =	shalt  }
0x7e: {  	_ =	shalt  }
0x7f: {  	_ =	shalt  }
0x80: {  	_ =	shalt  }
0x81: {  	_ =	shalt  }
0x82: {  	_ =	shalt  }
0x83: {  	_ =	shalt  }
0x84: {  	_ =	shalt  }
0x85: {  	_ =	shalt  }
0x86: {  	_ =	shalt  }
0x87: {  	_ =	shalt  }
.Lfunc_end0:
.L_simem_size_0:
called_computation.1_lowered:
.L_overlay_start_0:
0x88: {  	s2 =	sld [smem:$0x3FD9]  }
0x89: {  	s3 =	sld [smem:$0x3FFE];
	_ =	sdelay $0x1  }
0x8a: {  	s1 =	srdreg.scid  }
0x8b: {  	s0 =	sand.u32 $0x1, s1  }
0x8c: {  	s16 =	sshll.u32 s0, $0xA;
	s2 =	sadd.s32 s3, s2  }
0x8d: {  	s2 =	sadd.s32 s2, s16  }
0x8e: {  	[smem:$0x3FA6] =	sst s2  }
0x8f: {  	_ = 	snop  }
0x90: {  	(tm) =	ssettm $0x1  }
0x91: {  	s17 =	sld [smem:$0x3FFB];
	_ =	sdelay $0x3  }
0x92: {  	_ =	strace s17  }
0x93: {  	s2 =	sld [smem:$0x3FFC];
	_ =	sdelay $0x3  }
0x94: {  	_ =	strace s2  }
0x95: {  	s2 =	sld [smem:$0x3FFD];
	_ =	sdelay $0x3  }
0x96: {  	_ =	strace s2  }
0x97: {  	_ =	strace $0x8FFFFFFF  }
0x98: {  	s18 =	sld [smem:$0x3FDB];
	_ =	sdelay $0x1  }
0x99: {  	s19 =	simm.s32 $_scs_section_size  }
0x9a: {  	s4 =	simm.s32 $_size__tile_overlayer_lowered;
	s5 =	simm.s32 $_tile_overlayer_lowered  }
0x9b: {  	s22 =	simm.s32 $0x1BFF;
	s21 =	sshll.u32 s5, $0x1;
	s2 =	sadd.s32 s19, s18  }
0x9c: {  	s6 =	simm.s32 $0x0;
	s20 =	sshll.u32 s4, $0x1;
	s4 =	sadd.s32 s21, s2  }
0x9d: {  	[timem:s6], [sflag:s22] =	dma.local [hbm:s4], s20  }
0x9e: {  	_ =	swait.ge [sflag:s22], s20  }
0x9f: {  	s3 =	ssub.s32 $0x0, s20;
	[sflag:s22] =	ssyncset.done $0x0  }
0xa0: {  	[sflag:s22] =	ssyncadd.s32 s3;
	_ =	sdelay $0x1  }
0xa1: {  	s23 =	simm.s32 $0x1B8B  }
0xa2: {  	_ =	swait.ge [sflag:s23], $0x1  }
0xa3: {  	[sflag:s23] =	ssyncset.done $0x0  }
0xa4: {  	s25 =	simm.s32 $0x1B8E;
	s24 =	sld [smem:$0x3FFE];
	[sflag:s23] =	ssyncadd.s32 $0xFFFFFFFF  }
0xa5: {  	s26 =	simm.s32 $execute0_lowered;
	[smem:$0x3FD2] =	sst s25  }
0xa6: {  	s4 =	sshll.u32 s26, $0x1;
	_ =	strace $0x80000049;
	[dreg:$0x1] =	wrdreg $0xFFFFFFFF  }
0xa7: {  	s28 =	simm.s32 $_size_execute0_lowered;
	s2 =	sadd.s32 s2, s4;
	[dreg:$0x0] =	wrdreg $0x0  }
0xa8: {  	s4 =	sshll.u32 s28, $0x1;
	[dreg:$0x2] =	wrdreg s2  }
0xa9: {  	[dreg:$0x3] =	wrdreg s4  }
0xaa: {  	[dreg:$0x4] =	wrdreg $0xC0  }
0xab: {  	_ =	task [dreg:s6], $0x5FFFF  }
0xac: {  	[dreg:$0x1] =	wrdreg $0xFFFFFFFF  }
0xad: {  	[dreg:$0x0] =	wrdreg $0x60  }
0xae: {  	[dreg:$0x2] =	wrdreg s24  }
0xaf: {  	[dreg:$0x3] =	wrdreg $0x76200  }
0xb0: {  	[dreg:$0x4] =	wrdreg $0x9  }
0xb1: {  	_ =	task.clear_ibuf [dreg:s6], $0x5FFFF;
	_ =	strace $0x90000049  }
0xb2: {  	s29 =	simm.s32 $0x9;
	_ =	strace $0x8000004B  }
0xb3: {  	_ =	swait.ge [sflag:s29], $0x1  }
0xb4: {  	[sflag:s29] =	ssyncadd.s32 $0xFFFFFFFF  }
0xb5: {  	_ =	strace $0x9000004B  }
0xb6: {  	_ =	sfence  }
0xb7: {  	s30 =	sld [smem:$0x0];
	_ =	sdelay $0x2  }
0xb8: {  	s31 =	sshll.u32 s1, $0xD;
	s1 =	sshrl.u32 s1, $0x2  }
0xb9: {  	s3 =	sand.u32 $0x4000, s31;
	s1 =	sadd.s32 s1, s30  }
0xba: {  	s0 =	sor.u32 s3, s0;
	s1 =	sshll.u32 s1, $0x11  }
0xbb: {  	s0 =	sor.u32 s1, s0  }
0xbc: {  	s0 =	sadd.s32 $0x8F2B, s0  }
0xbd: {  	[sflag:s0] =	ssyncadd.remote.s32 $0x1  }
0xbe: {  	_ =	sfence.sel $0xFFFF  }
0xbf: {  	[dreg:$0x0] =	wrdreg $0xFFFFFFFF;
	(pc) =	sbr.abs _section_cstart, $3  }
0xc0: {  	[dreg:$0x1] =	wrdreg $0xFFFFFFFF  }
0xc1: {  	_ =	task.clear_ibuf [dreg:s6], $0x2FFFF;
	_ =	strace $0x9FFFFFFF  }
0xc2: {  	(tm) =	ssettm $0x7FFFFFFF  }
0xc3: {  	_ =	shalt  }
tec
execute0_lowered:
.L_overlay_start_1:
0x0: {  	(tag) =	ssettag $0x1  }
0x1: {  	s0 =	srdreg.scid;
	s21 =	stileid.u32  }
0x2: {  	s1 =	rddreg [dreg:$0x0];
	s0 =	sand.u32 $0x1, s0;
	s8 =	smul.u32 $0xA000, s21  }
0x3: {  	s2 =	rddreg [dreg:$0x1];
	s12 =	sor.u32 $0x10, s21;
	s6 =	smul.u32 $0x27100, s0  }
0x4: {  	s28 =	simm.s32 $0x50;
	s13 =	sor.u32 $0x20, s21;
	s9 =	smul.u32 $0xA000, s12  }
0x5: {  	s29 =	simm.s32 $0x1;
	s14 =	sor.u32 $0x30, s21;
	s10 =	smul.u32 $0xA000, s13  }
0x6: {  	s30 =	simm.s32 $0x3;
	s15 =	sor.u32 $0x40, s21;
	s11 =	smul.u32 $0xA000, s14  }
0x7: {  	s31 =	simm.s32 $0x0;
	s16 =	sor.u32 $0x50, s21;
	s23 =	smul.u32 $0xA000, s15  }
0x8: {  	s18 =	sor.u32 $0x60, s21;
	s24 =	sor.u32 $0x70, s21;
	s17 =	smul.u32 $0xA000, s16  }
0x9: {  	s3 =	sshll.u32 s0, $0x4;
	s0 =	ssub.s32 $0x2, s0;
	s19 =	smul.u32 $0xA000, s18  }
0xa: {  	p0 =	sgt.u32 s24, $0x7C;
	s4 =	sor.u32 s21, s3;
	s3 =	simm.s32 $0x0  }
0xb: {  	s20 =	sshrl.u32 s0, $0x1;
	s8 =	sshrl.u32 s8, $0x2;
	s21 =	smul.u32 $0x500, s21  }
0xc: {  	s5 =	smul.u32 $0x4E2, s4;
	[smem:$0x7FF] =	sst s3;
	s4 =	sadd.s32 $0x1A000, s1  }
0xd: {  	s0 =	ssub.s32 s0, s20;
	s9 =	sshrl.u32 s9, $0x2;
	s8 =	sadd.s32 s8, s2  }
0xe: {  	s20 =	smul.u32 $0xA000, s24;
	s10 =	sshrl.u32 s10, $0x2;
	s11 =	sshrl.u32 s11, $0x2  }
0xf: {  	s17 =	sshrl.u32 s17, $0x2;
	s25 =	sshrl.u32 s19, $0x2;
	_ =	strace $0x8000004A  }
0x10: {  	s9 =	sadd.s32 s9, s2;
	s10 =	sadd.s32 s10, s2;
	s7 =	sadd.s32 s5, s1  }
0x11: {  	s1 =	sadd.s32 s6, s1;
	s26 =	sshrl.u32 s20, $0x2;
	s20 =	smul.u32 $0x500, s15  }
0x12: {  	s5 =	smul.u32 $0x500, s18;
	s22 =	sadd.s32 $0x10200, s7;
	s6 =	sadd.s32 $0x6400, s7  }
0x13: {  	s7 =	smax.u32 s0, $0x1;
	s0 =	sshrl.u32 s23, $0x2;
	s23 =	smul.u32 $0x500, s13  }
0x14: {  	s11 =	sadd.s32 s11, s2;
	s15 =	sadd.s32 s26, s2;
	s26 =	smul.u32 $0x500, s24  }
0x15: {  	s1 =	sadd.s32 $0x41200, s1;
	[dreg:$0x3] =	wrdreg s22;
	s22 =	smul.u32 $0x500, s12  }
0x16: {  	s13 =	sadd.s32 s17, s2;
	s12 =	sadd.s32 s0, s2;
	s0 =	smul.u32 $0x500, s14  }
0x17: {  	s24 =	simm.s32 $0x4E20;
	s14 =	sadd.s32 s25, s2;
	s25 =	smul.u32 $0x500, s16  }
0x18: {  	s16 =	sadd.s32 s1, s21;
	s20 =	sadd.s32 s1, s20;
	s18 =	sadd.s32 s1, s23  }
0x19: {  	s23 =	sadd.s32 s1, s26;
	s17 =	sadd.s32 s1, s22;
	s19 =	sadd.s32 s1, s0  }
0x1a: {  	v0 =	vimm.f32 $0.0e+00;
	s21 =	sadd.s32 s1, s25;
	s22 =	sadd.s32 s1, s5;
	s25 =	simm.s32 $0x2  }
.LBB2_1:
0x1b: {  	s1 =	simm.s32 $0x0;
	s0 =	simm.s32 $0x200  }
.LBB2_2:
0x1c: {  	p1 =	sne.s32 s0, $0x9E00;
	[tilespmem:s1+$0x4E90] =	vst v0  }
0x1d: {  	[tilespmem:s1+$0x4E20] =	vst v0  }
0x1e: {  	[tilespmem:s1+$0x4E30] =	vst v0  }
.Ltmp0:
0x1f: {  	[tilespmem:s1+$0x4E40] =	vst v0;
	(pc) =	sbr.rel @p1 .LBB2_2-.Ltmp0, $4  }
0x20: {  	[tilespmem:s1+$0x4E50] =	vst v0  }
0x21: {  	[tilespmem:s1+$0x4E60] =	vst v0  }
0x22: {  	[tilespmem:s1+$0x4E70] =	vst v0  }
0x23: {  	[tilespmem:s1+$0x4E80] =	vst v0;
	s1 =	sshra.s32 s0, $0x2;
	s0 =	sadd.s32 $0x200, s0  }
0x24: {  	[tilespmem:s1+$0x4E90] =	vst v0  }
0x25: {  	[tilespmem:s1+$0x4E20] =	vst v0  }
0x26: {  	[tilespmem:s1+$0x4E30] =	vst v0  }
0x27: {  	[tilespmem:s1+$0x4E40] =	vst v0  }
0x28: {  	[tilespmem:s1+$0x4E50] =	vst v0  }
0x29: {  	[tilespmem:s1+$0x4E60] =	vst v0  }
0x2a: {  	[tilespmem:s1+$0x4E70] =	vst v0  }
0x2b: {  	[tilespmem:s1+$0x4E80] =	vst v0  }
0x2c: {  	[spmem:s8] =	stream.linear.scatter [tilespmem:s24], [sflag:$0x2], $0x2800, $0x38;
	[tilespmem:$0x1AEA0] =	vst v63  }
0x2d: {  	_ =	swait.ge [sflag:s25], $0x2800  }
0x2e: {  	[sflag:s25] =	ssyncset.done $0x0  }
0x2f: {  	[sflag:s25] =	ssyncadd.s32 $0xFFFFD800  }
0x30: {  	[spmem:s9] =	stream.linear.scatter [tilespmem:s24], [sflag:$0x2], $0x2800, $0x38;
	[tilespmem:$0x1AEA0] =	vst v63  }
0x31: {  	_ =	swait.ge [sflag:s25], $0x2800  }
0x32: {  	[sflag:s25] =	ssyncset.done $0x0  }
0x33: {  	[sflag:s25] =	ssyncadd.s32 $0xFFFFD800  }
0x34: {  	[spmem:s10] =	stream.linear.scatter [tilespmem:s24], [sflag:$0x2], $0x2800, $0x38;
	[tilespmem:$0x1AEA0] =	vst v63  }
0x35: {  	_ =	swait.ge [sflag:s25], $0x2800  }
0x36: {  	[sflag:s25] =	ssyncset.done $0x0  }
0x37: {  	[sflag:s25] =	ssyncadd.s32 $0xFFFFD800  }
0x38: {  	[spmem:s11] =	stream.linear.scatter [tilespmem:s24], [sflag:$0x2], $0x2800, $0x38;
	[tilespmem:$0x1AEA0] =	vst v63  }
0x39: {  	_ =	swait.ge [sflag:s25], $0x2800  }
0x3a: {  	[sflag:s25] =	ssyncset.done $0x0  }
0x3b: {  	[sflag:s25] =	ssyncadd.s32 $0xFFFFD800  }
0x3c: {  	[spmem:s12] =	stream.linear.scatter [tilespmem:s24], [sflag:$0x2], $0x2800, $0x38;
	[tilespmem:$0x1AEA0] =	vst v63  }
0x3d: {  	_ =	swait.ge [sflag:s25], $0x2800  }
0x3e: {  	[sflag:s25] =	ssyncset.done $0x0  }
0x3f: {  	[sflag:s25] =	ssyncadd.s32 $0xFFFFD800  }
0x40: {  	[spmem:s13] =	stream.linear.scatter [tilespmem:s24], [sflag:$0x2], $0x2800, $0x38;
	[tilespmem:$0x1AEA0] =	vst v63  }
0x41: {  	_ =	swait.ge [sflag:s25], $0x2800  }
0x42: {  	[sflag:s25] =	ssyncset.done $0x0  }
0x43: {  	[sflag:s25] =	ssyncadd.s32 $0xFFFFD800  }
0x44: {  	[spmem:s14] =	stream.linear.scatter [tilespmem:s24], [sflag:$0x2], $0x2800, $0x38;
	[tilespmem:$0x1AEA0] =	vst v63  }
0x45: {  	_ =	swait.ge [sflag:s25], $0x2800  }
0x46: {  	[sflag:s25] =	ssyncset.done $0x0  }
0x47: {  	s0 =	simm.s32 @!p0 $0x4E20;
	[sflag:s25] =	ssyncadd.s32 $0xFFFFD800  }
0x48: {  	[spmem:s15] =	stream.linear.scatter @!p0 [tilespmem:s0], [sflag:$0x2], $0x2800, $0x38;
	[tilespmem:$0x1AEA0] =	vst v63  }
0x49: {  	s0 =	simm.s32 @!p0 $0x2  }
0x4a: {  	_ =	swait.ge @!p0 [sflag:s0], $0x2800  }
0x4b: {  	[sflag:s0] =	ssyncset.done @!p0 $0x0  }
0x4c: {  	s5 =	rddreg [dreg:$0x3];
	[sflag:s0] =	ssyncadd.s32 @!p0 $0xFFFFD800;
	s0 =	simm.s32 $0x0  }
0x4d: {  	[tilespmem:s0], [sflag:$0x2] =	stream.linear.gather [hbm4b:s5+s0], $0x2710, $0x38;
	[tilespmem:$0x1AEA0] =	vst v63  }
0x4e: {  	_ =	swait.ge [sflag:s25], $0x2710  }
0x4f: {  	[sflag:s25] =	ssyncset.done $0x0  }
0x50: {  	s26 =	simm.s32 $0x2710;
	[sflag:s25] =	ssyncadd.s32 $0xFFFFD8F0  }
0x51: {  	[tilespmem:s26], [sflag:$0x2] =	stream.linear.gather [hbm4b:s6+s0], $0x2710, $0x38;
	[tilespmem:$0x1AEA0] =	vst v63  }
0x52: {  	_ =	swait.ge [sflag:s25], $0x2710  }
0x53: {  	[sflag:s25] =	ssyncset.done $0x0  }
0x54: {  	[sflag:s25] =	ssyncadd.s32 $0xFFFFD8F0  }
0x55: {  	s5 =	simm.s32 $0x0;
	[bflag:$0x0] =	sbarrier.arrive $0xFFFF  }
0x56: {  	[tilespmem:s24], [sflag:$0x1] =	stream.indirect.gather [hbm4b:s4+s28], $0x80, s5, s28, $0xb8;
	[tilespmem:$0x1AEA0] =	vst v63  }
0x57: {  	_ =	swait.ge [sflag:s29], $0x2800  }
0x58: {  	[sflag:s29] =	ssyncset.done $0x0  }
0x59: {  	s26 =	simm.s32 $0x2710;
	[sflag:s29] =	ssyncadd.s32 $0xFFFFD800  }
0x5a: {  	[spmem:s2] =	stream.indirect.scatter.add.f32 [tilespmem:s24], [sflag:$0x2], $0x80, s26, s28, $0xb8;
	[tilespmem:$0x1AEA0] =	vst v63  }
0x5b: {  	_ =	swait.ge [sflag:s25], $0x2800  }
0x5c: {  	s1 =	simm.s32 $0x140;
	s0 =	simm.s32 $0x280;
	[sflag:s25] =	ssyncset.done $0x0  }
.LBB2_4:
0x5d: {  	s26 =	sshra.s32 s1, $0x2  }
0x5e: {  	[sflag:s25] =	ssyncadd.s32 $0xFFFFD800;
	s1 =	smov.u32 s0;
	s5 =	sadd.s32 $0x140, s0  }
0x5f: {  	[tilespmem:s24], [sflag:$0x1] =	stream.indirect.gather [hbm4b:s4+s28], $0x80, s26, s28, $0xb8;
	[tilespmem:$0x1AEA0] =	vst v63  }
0x60: {  	p1 =	sne.s32 s0, $0x9B00;
	_ =	swait.ge [sflag:s29], $0x2800  }
.Ltmp1:
0x61: {  	[sflag:s29] =	ssyncset.done $0x0;
	(pc) =	sbr.rel @p1 .LBB2_4-.Ltmp1, $4  }
0x62: {  	s0 =	sadd.s32 $0x2710, s26;
	[sflag:s29] =	ssyncadd.s32 $0xFFFFD800  }
0x63: {  	[spmem:s2] =	stream.indirect.scatter.add.f32 [tilespmem:s24], [sflag:$0x2], $0x80, s0, s28, $0xb8;
	[tilespmem:$0x1AEA0] =	vst v63  }
0x64: {  	_ =	swait.ge [sflag:s25], $0x2800  }
0x65: {  	s0 =	smov.u32 s5;
	[sflag:s25] =	ssyncset.done $0x0  }
0x66: {  	s0 =	sshra.s32 s1, $0x2;
	[sflag:s25] =	ssyncadd.s32 $0xFFFFD800  }
0x67: {  	[tilespmem:s24], [sflag:$0x1] =	stream.indirect.gather [hbm4b:s4+s28], $0x80, s0, s28, $0xb8;
	[tilespmem:$0x1AEA0] =	vst v63  }
0x68: {  	_ =	swait.ge [sflag:s29], $0x2800  }
0x69: {  	[sflag:s29] =	ssyncset.done $0x0  }
0x6a: {  	s0 =	sadd.s32 $0x2710, s0;
	[sflag:s29] =	ssyncadd.s32 $0xFFFFD800  }
0x6b: {  	[spmem:s2] =	stream.indirect.scatter.add.f32 [tilespmem:s24], [sflag:$0x2], $0x80, s0, s28, $0xb8;
	[tilespmem:$0x1AEA0] =	vst v63  }
0x6c: {  	_ =	swait.ge [sflag:s25], $0x2800  }
0x6d: {  	[sflag:s25] =	ssyncset.done $0x0  }
0x6e: {  	[sflag:s25] =	ssyncadd.s32 $0xFFFFD800  }
0x6f: {  	[bflag:$0x0] =	sbarrier.arrive $0xFFFF  }
0x70: {  	[tilespmem:s24], [sflag:$0x3] =	stream.linear.gather [spmem:s8], $0x2800, $0x38;
	[tilespmem:$0x1AEA0] =	vst v63  }
0x71: {  	_ =	swait.ge [sflag:s30], $0x2800  }
0x72: {  	[sflag:s30] =	ssyncset.done $0x0  }
0x73: {  	[sflag:s30] =	ssyncadd.s32 $0xFFFFD800  }
0x74: {  	[hbm4b:s16+s3] =	stream.linear.scatter [tilespmem:s24], [sflag:$0x2], $0x2800, $0x38;
	[tilespmem:$0x1AEA0] =	vst v63  }
0x75: {  	_ =	swait.ge [sflag:s25], $0x2800  }
0x76: {  	[sflag:s25] =	ssyncset.done $0x0  }
0x77: {  	[sflag:s25] =	ssyncadd.s32 $0xFFFFD800  }
0x78: {  	[tilespmem:s24], [sflag:$0x3] =	stream.linear.gather [spmem:s9], $0x2800, $0x38;
	[tilespmem:$0x1AEA0] =	vst v63  }
0x79: {  	_ =	swait.ge [sflag:s30], $0x2800  }
0x7a: {  	[sflag:s30] =	ssyncset.done $0x0  }
0x7b: {  	[sflag:s30] =	ssyncadd.s32 $0xFFFFD800  }
0x7c: {  	[hbm4b:s17+s3] =	stream.linear.scatter [tilespmem:s24], [sflag:$0x2], $0x2800, $0x38;
	[tilespmem:$0x1AEA0] =	vst v63  }
0x7d: {  	_ =	swait.ge [sflag:s25], $0x2800  }
0x7e: {  	[sflag:s25] =	ssyncset.done $0x0  }
0x7f: {  	[sflag:s25] =	ssyncadd.s32 $0xFFFFD800  }
0x80: {  	[tilespmem:s24], [sflag:$0x3] =	stream.linear.gather [spmem:s10], $0x2800, $0x38;
	[tilespmem:$0x1AEA0] =	vst v63  }
0x81: {  	_ =	swait.ge [sflag:s30], $0x2800  }
0x82: {  	[sflag:s30] =	ssyncset.done $0x0  }
0x83: {  	[sflag:s30] =	ssyncadd.s32 $0xFFFFD800  }
0x84: {  	[hbm4b:s18+s3] =	stream.linear.scatter [tilespmem:s24], [sflag:$0x2], $0x2800, $0x38;
	[tilespmem:$0x1AEA0] =	vst v63  }
0x85: {  	_ =	swait.ge [sflag:s25], $0x2800  }
0x86: {  	[sflag:s25] =	ssyncset.done $0x0  }
0x87: {  	[sflag:s25] =	ssyncadd.s32 $0xFFFFD800  }
0x88: {  	[tilespmem:s24], [sflag:$0x3] =	stream.linear.gather [spmem:s11], $0x2800, $0x38;
	[tilespmem:$0x1AEA0] =	vst v63  }
0x89: {  	_ =	swait.ge [sflag:s30], $0x2800  }
0x8a: {  	[sflag:s30] =	ssyncset.done $0x0  }
0x8b: {  	[sflag:s30] =	ssyncadd.s32 $0xFFFFD800  }
0x8c: {  	[hbm4b:s19+s3] =	stream.linear.scatter [tilespmem:s24], [sflag:$0x2], $0x2800, $0x38;
	[tilespmem:$0x1AEA0] =	vst v63  }
0x8d: {  	_ =	swait.ge [sflag:s25], $0x2800  }
0x8e: {  	[sflag:s25] =	ssyncset.done $0x0  }
0x8f: {  	[sflag:s25] =	ssyncadd.s32 $0xFFFFD800  }
0x90: {  	[tilespmem:s24], [sflag:$0x3] =	stream.linear.gather [spmem:s12], $0x2800, $0x38;
	[tilespmem:$0x1AEA0] =	vst v63  }
0x91: {  	_ =	swait.ge [sflag:s30], $0x2800  }
0x92: {  	[sflag:s30] =	ssyncset.done $0x0  }
0x93: {  	[sflag:s30] =	ssyncadd.s32 $0xFFFFD800  }
0x94: {  	[hbm4b:s20+s3] =	stream.linear.scatter [tilespmem:s24], [sflag:$0x2], $0x2800, $0x38;
	[tilespmem:$0x1AEA0] =	vst v63  }
0x95: {  	_ =	swait.ge [sflag:s25], $0x2800  }
0x96: {  	[sflag:s25] =	ssyncset.done $0x0  }
0x97: {  	[sflag:s25] =	ssyncadd.s32 $0xFFFFD800  }
0x98: {  	[tilespmem:s24], [sflag:$0x3] =	stream.linear.gather [spmem:s13], $0x2800, $0x38;
	[tilespmem:$0x1AEA0] =	vst v63  }
0x99: {  	_ =	swait.ge [sflag:s30], $0x2800  }
0x9a: {  	[sflag:s30] =	ssyncset.done $0x0  }
0x9b: {  	[sflag:s30] =	ssyncadd.s32 $0xFFFFD800  }
0x9c: {  	[hbm4b:s21+s3] =	stream.linear.scatter [tilespmem:s24], [sflag:$0x2], $0x2800, $0x38;
	[tilespmem:$0x1AEA0] =	vst v63  }
0x9d: {  	_ =	swait.ge [sflag:s25], $0x2800  }
0x9e: {  	[sflag:s25] =	ssyncset.done $0x0  }
0x9f: {  	[sflag:s25] =	ssyncadd.s32 $0xFFFFD800  }
0xa0: {  	[tilespmem:s24], [sflag:$0x3] =	stream.linear.gather [spmem:s14], $0x2800, $0x38;
	[tilespmem:$0x1AEA0] =	vst v63  }
0xa1: {  	_ =	swait.ge [sflag:s30], $0x2800  }
0xa2: {  	[sflag:s30] =	ssyncset.done $0x0  }
0xa3: {  	[sflag:s30] =	ssyncadd.s32 $0xFFFFD800  }
0xa4: {  	[hbm4b:s22+s3] =	stream.linear.scatter [tilespmem:s24], [sflag:$0x2], $0x2800, $0x38;
	[tilespmem:$0x1AEA0] =	vst v63  }
0xa5: {  	_ =	swait.ge [sflag:s25], $0x2800  }
0xa6: {  	[sflag:s25] =	ssyncset.done $0x0  }
0xa7: {  	s1 =	simm.s32 @!p0 $0x3;
	s0 =	simm.s32 @!p0 $0x4E20;
	[sflag:s25] =	ssyncadd.s32 $0xFFFFD800  }
0xa8: {  	[tilespmem:s0], [sflag:$0x3] =	stream.linear.gather @!p0 [spmem:s15], $0x2800, $0x38;
	[tilespmem:$0x1AEA0] =	vst v63  }
0xa9: {  	_ =	swait.ge @!p0 [sflag:s1], $0x2800  }
0xaa: {  	s31 =	sadd.s32 $0x1, s31;
	[sflag:s1] =	ssyncset.done @!p0 $0x0  }
0xab: {  	p1 =	sne.s32 s31, s7;
	[sflag:s1] =	ssyncadd.s32 @!p0 $0xFFFFD800;
	s1 =	simm.s32 @!p0 $0x0  }
0xac: {  	[hbm4b:s23+s1] =	stream.linear.scatter @!p0 [tilespmem:s0], [sflag:$0x2], $0x2800, $0x38;
	[tilespmem:$0x1AEA0] =	vst v63  }
.Ltmp2:
0xad: {  	_ = 	snop;
	(pc) =	sbr.rel @p1 .LBB2_1-.Ltmp2, $4  }
0xae: {  	s0 =	simm.s32 @!p0 $0x2  }
0xaf: {  	_ =	swait.ge @!p0 [sflag:s0], $0x2800  }
0xb0: {  	[sflag:s0] =	ssyncset.done @!p0 $0x0  }
0xb1: {  	[sflag:s0] =	ssyncadd.s32 @!p0 $0xFFFFD800  }
0xb2: {  	_ =	sfence.sel $0x180000  }
0xb3: {  	[bflag:$0x0] =	sbarrier.arrive $0xFFFF  }
0xb4: {  	_ =	strace $0x9000004A  }
0xb5: {  	s0 =	stileid.u32;
	[bflag:$0x2] =	sbarrier.arrive $0xFFFF  }
0xb6: {  	p0 =	sne.s32 s0, $0x0;
	s0 =	rddreg [dreg:$0x2]  }
0xb7: {  	s0 =	sadd.s32 @!p0 $0x100000, s0  }
0xb8: {  	[sflag:s0] =	ssyncadd.tile.s32 @!p0 $0x1;
	_ =	shalt  }
.Lfunc_end2:
_tile_overlayer_lowered:
.L_overlay_start_2:
0xb9: {  	(tag) =	ssettag $0x2  }
0xba: {  	s0 =	rddreg [dreg:$0x0];
	s2 =	stileid.u32  }
0xbb: {  	s1 =	rddreg [dreg:$0x1];
	p0 =	sne.s32 s2, $0x0  }
0xbc: {  	s3 =	rddreg [dreg:$0x2];
	[bflag:$0x3] =	sbarrier.arrive $0xFFFF;
	s2 =	simm.s32 @!p0 $0x1C02  }
0xbd: {  	[timem:s3], [sflag:s2] =	dma.local @!p0 [hbm:s0], s1  }
0xbe: {  	s0 =	simm.s32 @!p0 $0x2  }
0xbf: {  	_ =	swait.ge @!p0 [sflag:s0], s1  }
0xc0: {  	s1 =	ssub.s32 @!p0 $0x0, s1;
	[sflag:s0] =	ssyncset.done @!p0 $0x0  }
0xc1: {  	[sflag:s0] =	ssyncadd.s32 @!p0 s1  }
0xc2: {  	[bflag:$0x3] =	sbarrier.arrive $0xFFFF  }
0xc3: {  	_ =	shalt  }

// kernel: kernel.19.cloned.1.call-start
scs
__scs_entry_jumppad:
0x0: {  	(pc) =	sbr.rel $0x88, $3  }
0x1: {  	(tag) =	ssettag $0x0;
	lr =	simm.s32 $0x1  }
0x2: {  	[smem:$0x3F7F] =	sst lr;
	_ =	strace $0xD0000000  }
0x3: {  	_ = 	snop  }
0x4: {  	_ = 	snop  }
0x5: {  	_ = 	snop  }
0x6: {  	_ = 	snop  }
0x7: {  	_ = 	snop  }
__scs_overlays_trampoline_lowered:
0x8: {  	[smem:$0x3F8E] =	sst s0  }
0x9: {  	[smem:$0x3F8F] =	sst s1  }
0xa: {  	[smem:$0x3F90] =	sst s2  }
0xb: {  	[smem:$0x3F91] =	sst s3  }
0xc: {  	[smem:$0x3F92] =	sst s4  }
0xd: {  	[smem:$0x3F93] =	sst s5  }
0xe: {  	[smem:$0x3F94] =	sst s6  }
0xf: {  	[smem:$0x3F95] =	sst s7  }
0x10: {  	[smem:$0x3F96] =	sst s8  }
0x11: {  	[smem:$0x3F97] =	sst s9;
	s0 =	simm.s32 @!p0 $0x0  }
0x12: {  	s1 =	sld [smem:$0x3F7D];
	s0 =	simm.s32 @p0 $0x1  }
0x13: {  	[smem:$0x3F98] =	sst s0;
	s0 =	simm.s32 @!p1 $0x0  }
0x14: {  	s2 =	sld [smem:$0x3F7C];
	s0 =	simm.s32 @p1 $0x1  }
0x15: {  	[smem:$0x3F99] =	sst s0;
	s0 =	simm.s32 @!p2 $0x0  }
0x16: {  	s3 =	sld [smem:$0x3FDB];
	s0 =	simm.s32 @p2 $0x1  }
0x17: {  	s4 =	simm.s32 $0x1BF5;
	[smem:$0x3F9B] =	sst s0  }
0x18: {  	s0 =	sld [smem:$0x3F7E];
	_ =	swait.ge [sflag:s4], $0x0  }
0x19: {  	s7 =	sld [smem:$0x3F7F]  }
0x1a: {  	s8 =	sadd.s32 $0xFFFFE003, lr  }
0x1b: {  	s9 =	sadd.s32 $0xFFFFFEF7, lr;
	s5 =	simm.s32 $0xFFFFFFFF;
	p2 =	slt.u32 s8, $0xFFFFF086  }
0x1c: {  	p1 =	slt.u32 s9, $0xF7A;
	s5 =	simm.s32 @!p2 $0x0  }
0x1d: {  	s5 =	simm.s32 @p1 $0x1;
	p0 =	seq.s32 s7, s2  }
0x1e: {  	s7 =	smul.u32 @!p0 $0xF7A, s2;
	p2 =	seq.s32 @!p0 s5, $0x0  }
0x1f: {  	s9 =	smul.u32 $0xF7A, s1;
	s8 =	simm.s32 @!p0 $0x1BF5;
	p2 =	por !p2, p0  }
0x20: {  	[sflag:s8] =	ssyncset.s32 @!p0 $0xFFFFF086;
	s6 =	sadd.s32 @!p0 s3, s7;
	s7 =	simm.s32 @!p0 $0x108  }
0x21: {  	s3 =	sadd.s32 s3, s9;
	s6 =	sadd.s32 @!p0 $0x88, s6;
	s7 =	simm.s32 @p2 $0x1082  }
0x22: {  	[simem:s7], [sflag:s8] =	dma.local @!p0 [hbm:s6], $0xF7A  }
0x23: {  	s9 =	sor.u32 $0xD0000000, s2;
	s6 =	simm.s32 $0x108;
	_ =	swait.ge @!p0 [sflag:s8], $0x0  }
0x24: {  	s3 =	sadd.s32 $0x88, s3;
	s6 =	simm.s32 @!p1 $0x1082;
	[sflag:s4] =	ssyncset.s32 $0xFFFFF086  }
0x25: {  	[simem:s6], [sflag:s4] =	dma.local [hbm:s3], $0xF7A  }
0x26: {  	[smem:$0x3F7F] =	sst s1;
	(tag) =	ssettag s2;
	_ =	strace s9  }
0x27: {  	s1 =	sld [smem:$0x3F8F]  }
0x28: {  	s2 =	sld [smem:$0x3F90]  }
0x29: {  	s4 =	sld [smem:$0x3F92]  }
0x2a: {  	p0 =	seq.s32 s5, $0x0;
	s5 =	sld [smem:$0x3F93]  }
0x2b: {  	s6 =	sld [smem:$0x3F94]  }
0x2c: {  	s7 =	sld [smem:$0x3F95]  }
0x2d: {  	s3 =	simm.s32 $0x108;
	s8 =	sld [smem:$0x3F96]  }
0x2e: {  	s3 =	simm.s32 @!p0 $0x1082;
	s9 =	sld [smem:$0x3F97]  }
0x2f: {  	lr =	sadd.s32 s0, s3;
	s0 =	sld [smem:$0x3F8E]  }
0x30: {  	s3 =	sld [smem:$0x3F91]  }
0x31: {  	[smem:$0x3F9A] =	sst s10  }
0x32: {  	s10 =	sld [smem:$0x3F98];
	_ =	sdelay $0x3  }
0x33: {  	p0 =	seq.s32 s10, $0x1;
	s10 =	sld [smem:$0x3F9A];
	_ =	sdelay $0x3  }
0x34: {  	[smem:$0x3F9A] =	sst s10  }
0x35: {  	s10 =	sld [smem:$0x3F99];
	_ =	sdelay $0x3  }
0x36: {  	p1 =	seq.s32 s10, $0x1;
	s10 =	sld [smem:$0x3F9A];
	_ =	sdelay $0x3  }
0x37: {  	[smem:$0x3F9A] =	sst s10  }
0x38: {  	s10 =	sld [smem:$0x3F9B]  }
0x39: {  	_ = 	snop;
	(pc) =	sbr.ind lr, $3  }
0x3a: {  	_ = 	snop  }
0x3b: {  	_ = 	snop  }
0x3c: {  	p2 =	seq.s32 s10, $0x1;
	s10 =	sld [smem:$0x3F9A]  }
0x3d: {  	_ =	shalt  }
0x3e: {  	_ =	shalt  }
0x3f: {  	_ =	shalt  }
0x40: {  	_ =	shalt  }
0x41: {  	_ =	shalt  }
0x42: {  	_ =	shalt  }
0x43: {  	_ =	shalt  }
0x44: {  	_ =	shalt  }
0x45: {  	_ =	shalt  }
0x46: {  	_ =	shalt  }
0x47: {  	_ =	shalt  }
0x48: {  	_ =	shalt  }
0x49: {  	_ =	shalt  }
0x4a: {  	_ =	shalt  }
0x4b: {  	_ =	shalt  }
0x4c: {  	_ =	shalt  }
0x4d: {  	_ =	shalt  }
0x4e: {  	_ =	shalt  }
0x4f: {  	_ =	shalt  }
0x50: {  	_ =	shalt  }
0x51: {  	_ =	shalt  }
0x52: {  	_ =	shalt  }
0x53: {  	_ =	shalt  }
0x54: {  	_ =	shalt  }
0x55: {  	_ =	shalt  }
0x56: {  	_ =	shalt  }
0x57: {  	_ =	shalt  }
0x58: {  	_ =	shalt  }
0x59: {  	_ =	shalt  }
0x5a: {  	_ =	shalt  }
0x5b: {  	_ =	shalt  }
0x5c: {  	_ =	shalt  }
0x5d: {  	_ =	shalt  }
0x5e: {  	_ =	shalt  }
0x5f: {  	_ =	shalt  }
0x60: {  	_ =	shalt  }
0x61: {  	_ =	shalt  }
0x62: {  	_ =	shalt  }
0x63: {  	_ =	shalt  }
0x64: {  	_ =	shalt  }
0x65: {  	_ =	shalt  }
0x66: {  	_ =	shalt  }
0x67: {  	_ =	shalt  }
0x68: {  	_ =	shalt  }
0x69: {  	_ =	shalt  }
0x6a: {  	_ =	shalt  }
0x6b: {  	_ =	shalt  }
0x6c: {  	_ =	shalt  }
0x6d: {  	_ =	shalt  }
0x6e: {  	_ =	shalt  }
0x6f: {  	_ =	shalt  }
0x70: {  	_ =	shalt  }
0x71: {  	_ =	shalt  }
0x72: {  	_ =	shalt  }
0x73: {  	_ =	shalt  }
0x74: {  	_ =	shalt  }
0x75: {  	_ =	shalt  }
0x76: {  	_ =	shalt  }
0x77: {  	_ =	shalt  }
0x78: {  	_ =	shalt  }
0x79: {  	_ =	shalt  }
0x7a: {  	_ =	shalt  }
0x7b: {  	_ =	shalt  }
0x7c: {  	_ =	shalt  }
0x7d: {  	_ =	shalt  }
0x7e: {  	_ =	shalt  }
0x7f: {  	_ =	shalt  }
0x80: {  	_ =	shalt  }
0x81: {  	_ =	shalt  }
0x82: {  	_ =	shalt  }
0x83: {  	_ =	shalt  }
0x84: {  	_ =	shalt  }
0x85: {  	_ =	shalt  }
0x86: {  	_ =	shalt  }
0x87: {  	_ =	shalt  }
.Lfunc_end0:
.L_simem_size_0:
called_computation.2_lowered:
.L_overlay_start_0:
0x88: {  	s2 =	sld [smem:$0x3FD9]  }
0x89: {  	s3 =	sld [smem:$0x3FFE];
	_ =	sdelay $0x1  }
0x8a: {  	s1 =	srdreg.scid  }
0x8b: {  	s0 =	sand.u32 $0x1, s1  }
0x8c: {  	s16 =	sshll.u32 s0, $0xA;
	s2 =	sadd.s32 s3, s2  }
0x8d: {  	s2 =	sadd.s32 s2, s16  }
0x8e: {  	[smem:$0x3FA6] =	sst s2  }
0x8f: {  	_ = 	snop  }
0x90: {  	(tm) =	ssettm $0x1  }
0x91: {  	s17 =	sld [smem:$0x3FFB];
	_ =	sdelay $0x3  }
0x92: {  	_ =	strace s17  }
0x93: {  	s2 =	sld [smem:$0x3FFC];
	_ =	sdelay $0x3  }
0x94: {  	_ =	strace s2  }
0x95: {  	s2 =	sld [smem:$0x3FFD];
	_ =	sdelay $0x3  }
0x96: {  	_ =	strace s2  }
0x97: {  	_ =	strace $0x8FFFFFFF  }
0x98: {  	s18 =	sld [smem:$0x3FDB];
	_ =	sdelay $0x1  }
0x99: {  	s19 =	simm.s32 $_scs_section_size  }
0x9a: {  	s4 =	simm.s32 $_size__tile_overlayer_lowered;
	s5 =	simm.s32 $_tile_overlayer_lowered  }
0x9b: {  	s22 =	simm.s32 $0x1BFF;
	s21 =	sshll.u32 s5, $0x1;
	s2 =	sadd.s32 s19, s18  }
0x9c: {  	s6 =	simm.s32 $0x0;
	s20 =	sshll.u32 s4, $0x1;
	s4 =	sadd.s32 s21, s2  }
0x9d: {  	[timem:s6], [sflag:s22] =	dma.local [hbm:s4], s20  }
0x9e: {  	_ =	swait.ge [sflag:s22], s20  }
0x9f: {  	s3 =	ssub.s32 $0x0, s20;
	[sflag:s22] =	ssyncset.done $0x0  }
0xa0: {  	[sflag:s22] =	ssyncadd.s32 s3;
	_ =	sdelay $0x1  }
0xa1: {  	s23 =	simm.s32 $0x1B8B  }
0xa2: {  	_ =	swait.ge [sflag:s23], $0x1  }
0xa3: {  	[sflag:s23] =	ssyncset.done $0x0  }
0xa4: {  	s25 =	simm.s32 $0x1B8E;
	s24 =	sld [smem:$0x3FFE];
	[sflag:s23] =	ssyncadd.s32 $0xFFFFFFFF  }
0xa5: {  	s26 =	simm.s32 $execute0_lowered;
	[smem:$0x3FD2] =	sst s25  }
0xa6: {  	s4 =	sshll.u32 s26, $0x1;
	_ =	strace $0x8000004C;
	[dreg:$0x1] =	wrdreg $0xFFFFFFFF  }
0xa7: {  	s28 =	simm.s32 $_size_execute0_lowered;
	s2 =	sadd.s32 s2, s4;
	[dreg:$0x0] =	wrdreg $0x0  }
0xa8: {  	s4 =	sshll.u32 s28, $0x1;
	[dreg:$0x2] =	wrdreg s2  }
0xa9: {  	[dreg:$0x3] =	wrdreg s4  }
0xaa: {  	[dreg:$0x4] =	wrdreg $0xC0  }
0xab: {  	_ =	task [dreg:s6], $0x5FFFF  }
0xac: {  	[dreg:$0x1] =	wrdreg $0xFFFFFFFF  }
0xad: {  	[dreg:$0x0] =	wrdreg $0x60  }
0xae: {  	[dreg:$0x2] =	wrdreg s24  }
0xaf: {  	[dreg:$0x3] =	wrdreg $0x76200  }
0xb0: {  	[dreg:$0x4] =	wrdreg $0x9  }
0xb1: {  	_ =	task.clear_ibuf [dreg:s6], $0x5FFFF;
	_ =	strace $0x9000004C  }
0xb2: {  	s29 =	simm.s32 $0x9;
	_ =	strace $0x8000004E  }
0xb3: {  	_ =	swait.ge [sflag:s29], $0x1  }
0xb4: {  	[sflag:s29] =	ssyncadd.s32 $0xFFFFFFFF  }
0xb5: {  	_ =	strace $0x9000004E  }
0xb6: {  	_ =	sfence  }
0xb7: {  	s30 =	sld [smem:$0x0];
	_ =	sdelay $0x2  }
0xb8: {  	s31 =	sshll.u32 s1, $0xD;
	s1 =	sshrl.u32 s1, $0x2  }
0xb9: {  	s3 =	sand.u32 $0x4000, s31;
	s1 =	sadd.s32 s1, s30  }
0xba: {  	s0 =	sor.u32 s3, s0;
	s1 =	sshll.u32 s1, $0x11  }
0xbb: {  	s0 =	sor.u32 s1, s0  }
0xbc: {  	s0 =	sadd.s32 $0x8F2B, s0  }
0xbd: {  	[sflag:s0] =	ssyncadd.remote.s32 $0x1  }
0xbe: {  	_ =	sfence.sel $0xFFFF  }
0xbf: {  	[dreg:$0x0] =	wrdreg $0xFFFFFFFF;
	(pc) =	sbr.abs _section_cstart, $3  }
0xc0: {  	[dreg:$0x1] =	wrdreg $0xFFFFFFFF  }
0xc1: {  	_ =	task.clear_ibuf [dreg:s6], $0x2FFFF;
	_ =	strace $0x9FFFFFFF  }
0xc2: {  	(tm) =	ssettm $0x7FFFFFFF  }
0xc3: {  	_ =	shalt  }
tec
execute0_lowered:
.L_overlay_start_1:
0x0: {  	(tag) =	ssettag $0x1  }
0x1: {  	s0 =	srdreg.scid;
	s21 =	stileid.u32  }
0x2: {  	s1 =	rddreg [dreg:$0x0];
	s0 =	sand.u32 $0x1, s0;
	s8 =	smul.u32 $0xA000, s21  }
0x3: {  	s2 =	rddreg [dreg:$0x1];
	s12 =	sor.u32 $0x10, s21;
	s6 =	smul.u32 $0x27100, s0  }
0x4: {  	s28 =	simm.s32 $0x50;
	s13 =	sor.u32 $0x20, s21;
	s9 =	smul.u32 $0xA000, s12  }
0x5: {  	s29 =	simm.s32 $0x1;
	s14 =	sor.u32 $0x30, s21;
	s10 =	smul.u32 $0xA000, s13  }
0x6: {  	s30 =	simm.s32 $0x3;
	s15 =	sor.u32 $0x40, s21;
	s11 =	smul.u32 $0xA000, s14  }
0x7: {  	s31 =	simm.s32 $0x0;
	s16 =	sor.u32 $0x50, s21;
	s23 =	smul.u32 $0xA000, s15  }
0x8: {  	s18 =	sor.u32 $0x60, s21;
	s24 =	sor.u32 $0x70, s21;
	s17 =	smul.u32 $0xA000, s16  }
0x9: {  	s3 =	sshll.u32 s0, $0x4;
	s0 =	ssub.s32 $0x2, s0;
	s19 =	smul.u32 $0xA000, s18  }
0xa: {  	p0 =	sgt.u32 s24, $0x7C;
	s4 =	sor.u32 s21, s3;
	s3 =	simm.s32 $0x0  }
0xb: {  	s20 =	sshrl.u32 s0, $0x1;
	s8 =	sshrl.u32 s8, $0x2;
	s21 =	smul.u32 $0x500, s21  }
0xc: {  	s5 =	smul.u32 $0x4E2, s4;
	[smem:$0x7FF] =	sst s3;
	s4 =	sadd.s32 $0x1A000, s1  }
0xd: {  	s0 =	ssub.s32 s0, s20;
	s9 =	sshrl.u32 s9, $0x2;
	s8 =	sadd.s32 s8, s2  }
0xe: {  	s20 =	smul.u32 $0xA000, s24;
	s10 =	sshrl.u32 s10, $0x2;
	s11 =	sshrl.u32 s11, $0x2  }
0xf: {  	s17 =	sshrl.u32 s17, $0x2;
	s25 =	sshrl.u32 s19, $0x2;
	_ =	strace $0x8000004D  }
0x10: {  	s9 =	sadd.s32 s9, s2;
	s10 =	sadd.s32 s10, s2;
	s7 =	sadd.s32 s5, s1  }
0x11: {  	s1 =	sadd.s32 s6, s1;
	s26 =	sshrl.u32 s20, $0x2;
	s20 =	smul.u32 $0x500, s15  }
0x12: {  	s5 =	smul.u32 $0x500, s18;
	s22 =	sadd.s32 $0x10200, s7;
	s6 =	sadd.s32 $0x6400, s7  }
0x13: {  	s7 =	smax.u32 s0, $0x1;
	s0 =	sshrl.u32 s23, $0x2;
	s23 =	smul.u32 $0x500, s13  }
0x14: {  	s11 =	sadd.s32 s11, s2;
	s15 =	sadd.s32 s26, s2;
	s26 =	smul.u32 $0x500, s24  }
0x15: {  	s1 =	sadd.s32 $0x41200, s1;
	[dreg:$0x3] =	wrdreg s22;
	s22 =	smul.u32 $0x500, s12  }
0x16: {  	s13 =	sadd.s32 s17, s2;
	s12 =	sadd.s32 s0, s2;
	s0 =	smul.u32 $0x500, s14  }
0x17: {  	s24 =	simm.s32 $0x4E20;
	s14 =	sadd.s32 s25, s2;
	s25 =	smul.u32 $0x500, s16  }
0x18: {  	s16 =	sadd.s32 s1, s21;
	s20 =	sadd.s32 s1, s20;
	s18 =	sadd.s32 s1, s23  }
0x19: {  	s23 =	sadd.s32 s1, s26;
	s17 =	sadd.s32 s1, s22;
	s19 =	sadd.s32 s1, s0  }
0x1a: {  	v0 =	vimm.f32 $0.0e+00;
	s21 =	sadd.s32 s1, s25;
	s22 =	sadd.s32 s1, s5;
	s25 =	simm.s32 $0x2  }
.LBB2_1:
0x1b: {  	s1 =	simm.s32 $0x0;
	s0 =	simm.s32 $0x200  }
.LBB2_2:
0x1c: {  	p1 =	sne.s32 s0, $0x9E00;
	[tilespmem:s1+$0x4E90] =	vst v0  }
0x1d: {  	[tilespmem:s1+$0x4E20] =	vst v0  }
0x1e: {  	[tilespmem:s1+$0x4E30] =	vst v0  }
.Ltmp0:
0x1f: {  	[tilespmem:s1+$0x4E40] =	vst v0;
	(pc) =	sbr.rel @p1 .LBB2_2-.Ltmp0, $4  }
0x20: {  	[tilespmem:s1+$0x4E50] =	vst v0  }
0x21: {  	[tilespmem:s1+$0x4E60] =	vst v0  }
0x22: {  	[tilespmem:s1+$0x4E70] =	vst v0  }
0x23: {  	[tilespmem:s1+$0x4E80] =	vst v0;
	s1 =	sshra.s32 s0, $0x2;
	s0 =	sadd.s32 $0x200, s0  }
0x24: {  	[tilespmem:s1+$0x4E90] =	vst v0  }
0x25: {  	[tilespmem:s1+$0x4E20] =	vst v0  }
0x26: {  	[tilespmem:s1+$0x4E30] =	vst v0  }
0x27: {  	[tilespmem:s1+$0x4E40] =	vst v0  }
0x28: {  	[tilespmem:s1+$0x4E50] =	vst v0  }
0x29: {  	[tilespmem:s1+$0x4E60] =	vst v0  }
0x2a: {  	[tilespmem:s1+$0x4E70] =	vst v0  }
0x2b: {  	[tilespmem:s1+$0x4E80] =	vst v0  }
0x2c: {  	[spmem:s8] =	stream.linear.scatter [tilespmem:s24], [sflag:$0x2], $0x2800, $0x38;
	[tilespmem:$0x1AEA0] =	vst v63  }
0x2d: {  	_ =	swait.ge [sflag:s25], $0x2800  }
0x2e: {  	[sflag:s25] =	ssyncset.done $0x0  }
0x2f: {  	[sflag:s25] =	ssyncadd.s32 $0xFFFFD800  }
0x30: {  	[spmem:s9] =	stream.linear.scatter [tilespmem:s24], [sflag:$0x2], $0x2800, $0x38;
	[tilespmem:$0x1AEA0] =	vst v63  }
0x31: {  	_ =	swait.ge [sflag:s25], $0x2800  }
0x32: {  	[sflag:s25] =	ssyncset.done $0x0  }
0x33: {  	[sflag:s25] =	ssyncadd.s32 $0xFFFFD800  }
0x34: {  	[spmem:s10] =	stream.linear.scatter [tilespmem:s24], [sflag:$0x2], $0x2800, $0x38;
	[tilespmem:$0x1AEA0] =	vst v63  }
0x35: {  	_ =	swait.ge [sflag:s25], $0x2800  }
0x36: {  	[sflag:s25] =	ssyncset.done $0x0  }
0x37: {  	[sflag:s25] =	ssyncadd.s32 $0xFFFFD800  }
0x38: {  	[spmem:s11] =	stream.linear.scatter [tilespmem:s24], [sflag:$0x2], $0x2800, $0x38;
	[tilespmem:$0x1AEA0] =	vst v63  }
0x39: {  	_ =	swait.ge [sflag:s25], $0x2800  }
0x3a: {  	[sflag:s25] =	ssyncset.done $0x0  }
0x3b: {  	[sflag:s25] =	ssyncadd.s32 $0xFFFFD800  }
0x3c: {  	[spmem:s12] =	stream.linear.scatter [tilespmem:s24], [sflag:$0x2], $0x2800, $0x38;
	[tilespmem:$0x1AEA0] =	vst v63  }
0x3d: {  	_ =	swait.ge [sflag:s25], $0x2800  }
0x3e: {  	[sflag:s25] =	ssyncset.done $0x0  }
0x3f: {  	[sflag:s25] =	ssyncadd.s32 $0xFFFFD800  }
0x40: {  	[spmem:s13] =	stream.linear.scatter [tilespmem:s24], [sflag:$0x2], $0x2800, $0x38;
	[tilespmem:$0x1AEA0] =	vst v63  }
0x41: {  	_ =	swait.ge [sflag:s25], $0x2800  }
0x42: {  	[sflag:s25] =	ssyncset.done $0x0  }
0x43: {  	[sflag:s25] =	ssyncadd.s32 $0xFFFFD800  }
0x44: {  	[spmem:s14] =	stream.linear.scatter [tilespmem:s24], [sflag:$0x2], $0x2800, $0x38;
	[tilespmem:$0x1AEA0] =	vst v63  }
0x45: {  	_ =	swait.ge [sflag:s25], $0x2800  }
0x46: {  	[sflag:s25] =	ssyncset.done $0x0  }
0x47: {  	s0 =	simm.s32 @!p0 $0x4E20;
	[sflag:s25] =	ssyncadd.s32 $0xFFFFD800  }
0x48: {  	[spmem:s15] =	stream.linear.scatter @!p0 [tilespmem:s0], [sflag:$0x2], $0x2800, $0x38;
	[tilespmem:$0x1AEA0] =	vst v63  }
0x49: {  	s0 =	simm.s32 @!p0 $0x2  }
0x4a: {  	_ =	swait.ge @!p0 [sflag:s0], $0x2800  }
0x4b: {  	[sflag:s0] =	ssyncset.done @!p0 $0x0  }
0x4c: {  	s5 =	rddreg [dreg:$0x3];
	[sflag:s0] =	ssyncadd.s32 @!p0 $0xFFFFD800;
	s0 =	simm.s32 $0x0  }
0x4d: {  	[tilespmem:s0], [sflag:$0x2] =	stream.linear.gather [hbm4b:s5+s0], $0x2710, $0x38;
	[tilespmem:$0x1AEA0] =	vst v63  }
0x4e: {  	_ =	swait.ge [sflag:s25], $0x2710  }
0x4f: {  	[sflag:s25] =	ssyncset.done $0x0  }
0x50: {  	s26 =	simm.s32 $0x2710;
	[sflag:s25] =	ssyncadd.s32 $0xFFFFD8F0  }
0x51: {  	[tilespmem:s26], [sflag:$0x2] =	stream.linear.gather [hbm4b:s6+s0], $0x2710, $0x38;
	[tilespmem:$0x1AEA0] =	vst v63  }
0x52: {  	_ =	swait.ge [sflag:s25], $0x2710  }
0x53: {  	[sflag:s25] =	ssyncset.done $0x0  }
0x54: {  	[sflag:s25] =	ssyncadd.s32 $0xFFFFD8F0  }
0x55: {  	s5 =	simm.s32 $0x0;
	[bflag:$0x0] =	sbarrier.arrive $0xFFFF  }
0x56: {  	[tilespmem:s24], [sflag:$0x1] =	stream.indirect.gather [hbm4b:s4+s28], $0x80, s5, s28, $0xb8;
	[tilespmem:$0x1AEA0] =	vst v63  }
0x57: {  	_ =	swait.ge [sflag:s29], $0x2800  }
0x58: {  	[sflag:s29] =	ssyncset.done $0x0  }
0x59: {  	s26 =	simm.s32 $0x2710;
	[sflag:s29] =	ssyncadd.s32 $0xFFFFD800  }
0x5a: {  	[spmem:s2] =	stream.indirect.scatter.add.f32 [tilespmem:s24], [sflag:$0x2], $0x80, s26, s28, $0xb8;
	[tilespmem:$0x1AEA0] =	vst v63  }
0x5b: {  	_ =	swait.ge [sflag:s25], $0x2800  }
0x5c: {  	s1 =	simm.s32 $0x140;
	s0 =	simm.s32 $0x280;
	[sflag:s25] =	ssyncset.done $0x0  }
.LBB2_4:
0x5d: {  	s26 =	sshra.s32 s1, $0x2  }
0x5e: {  	[sflag:s25] =	ssyncadd.s32 $0xFFFFD800;
	s1 =	smov.u32 s0;
	s5 =	sadd.s32 $0x140, s0  }
0x5f: {  	[tilespmem:s24], [sflag:$0x1] =	stream.indirect.gather [hbm4b:s4+s28], $0x80, s26, s28, $0xb8;
	[tilespmem:$0x1AEA0] =	vst v63  }
0x60: {  	p1 =	sne.s32 s0, $0x9B00;
	_ =	swait.ge [sflag:s29], $0x2800  }
.Ltmp1:
0x61: {  	[sflag:s29] =	ssyncset.done $0x0;
	(pc) =	sbr.rel @p1 .LBB2_4-.Ltmp1, $4  }
0x62: {  	s0 =	sadd.s32 $0x2710, s26;
	[sflag:s29] =	ssyncadd.s32 $0xFFFFD800  }
0x63: {  	[spmem:s2] =	stream.indirect.scatter.add.f32 [tilespmem:s24], [sflag:$0x2], $0x80, s0, s28, $0xb8;
	[tilespmem:$0x1AEA0] =	vst v63  }
0x64: {  	_ =	swait.ge [sflag:s25], $0x2800  }
0x65: {  	s0 =	smov.u32 s5;
	[sflag:s25] =	ssyncset.done $0x0  }
0x66: {  	s0 =	sshra.s32 s1, $0x2;
	[sflag:s25] =	ssyncadd.s32 $0xFFFFD800  }
0x67: {  	[tilespmem:s24], [sflag:$0x1] =	stream.indirect.gather [hbm4b:s4+s28], $0x80, s0, s28, $0xb8;
	[tilespmem:$0x1AEA0] =	vst v63  }
0x68: {  	_ =	swait.ge [sflag:s29], $0x2800  }
0x69: {  	[sflag:s29] =	ssyncset.done $0x0  }
0x6a: {  	s0 =	sadd.s32 $0x2710, s0;
	[sflag:s29] =	ssyncadd.s32 $0xFFFFD800  }
0x6b: {  	[spmem:s2] =	stream.indirect.scatter.add.f32 [tilespmem:s24], [sflag:$0x2], $0x80, s0, s28, $0xb8;
	[tilespmem:$0x1AEA0] =	vst v63  }
0x6c: {  	_ =	swait.ge [sflag:s25], $0x2800  }
0x6d: {  	[sflag:s25] =	ssyncset.done $0x0  }
0x6e: {  	[sflag:s25] =	ssyncadd.s32 $0xFFFFD800  }
0x6f: {  	[bflag:$0x0] =	sbarrier.arrive $0xFFFF  }
0x70: {  	[tilespmem:s24], [sflag:$0x3] =	stream.linear.gather [spmem:s8], $0x2800, $0x38;
	[tilespmem:$0x1AEA0] =	vst v63  }
0x71: {  	_ =	swait.ge [sflag:s30], $0x2800  }
0x72: {  	[sflag:s30] =	ssyncset.done $0x0  }
0x73: {  	[sflag:s30] =	ssyncadd.s32 $0xFFFFD800  }
0x74: {  	[hbm4b:s16+s3] =	stream.linear.scatter [tilespmem:s24], [sflag:$0x2], $0x2800, $0x38;
	[tilespmem:$0x1AEA0] =	vst v63  }
0x75: {  	_ =	swait.ge [sflag:s25], $0x2800  }
0x76: {  	[sflag:s25] =	ssyncset.done $0x0  }
0x77: {  	[sflag:s25] =	ssyncadd.s32 $0xFFFFD800  }
0x78: {  	[tilespmem:s24], [sflag:$0x3] =	stream.linear.gather [spmem:s9], $0x2800, $0x38;
	[tilespmem:$0x1AEA0] =	vst v63  }
0x79: {  	_ =	swait.ge [sflag:s30], $0x2800  }
0x7a: {  	[sflag:s30] =	ssyncset.done $0x0  }
0x7b: {  	[sflag:s30] =	ssyncadd.s32 $0xFFFFD800  }
0x7c: {  	[hbm4b:s17+s3] =	stream.linear.scatter [tilespmem:s24], [sflag:$0x2], $0x2800, $0x38;
	[tilespmem:$0x1AEA0] =	vst v63  }
0x7d: {  	_ =	swait.ge [sflag:s25], $0x2800  }
0x7e: {  	[sflag:s25] =	ssyncset.done $0x0  }
0x7f: {  	[sflag:s25] =	ssyncadd.s32 $0xFFFFD800  }
0x80: {  	[tilespmem:s24], [sflag:$0x3] =	stream.linear.gather [spmem:s10], $0x2800, $0x38;
	[tilespmem:$0x1AEA0] =	vst v63  }
0x81: {  	_ =	swait.ge [sflag:s30], $0x2800  }
0x82: {  	[sflag:s30] =	ssyncset.done $0x0  }
0x83: {  	[sflag:s30] =	ssyncadd.s32 $0xFFFFD800  }
0x84: {  	[hbm4b:s18+s3] =	stream.linear.scatter [tilespmem:s24], [sflag:$0x2], $0x2800, $0x38;
	[tilespmem:$0x1AEA0] =	vst v63  }
0x85: {  	_ =	swait.ge [sflag:s25], $0x2800  }
0x86: {  	[sflag:s25] =	ssyncset.done $0x0  }
0x87: {  	[sflag:s25] =	ssyncadd.s32 $0xFFFFD800  }
0x88: {  	[tilespmem:s24], [sflag:$0x3] =	stream.linear.gather [spmem:s11], $0x2800, $0x38;
	[tilespmem:$0x1AEA0] =	vst v63  }
0x89: {  	_ =	swait.ge [sflag:s30], $0x2800  }
0x8a: {  	[sflag:s30] =	ssyncset.done $0x0  }
0x8b: {  	[sflag:s30] =	ssyncadd.s32 $0xFFFFD800  }
0x8c: {  	[hbm4b:s19+s3] =	stream.linear.scatter [tilespmem:s24], [sflag:$0x2], $0x2800, $0x38;
	[tilespmem:$0x1AEA0] =	vst v63  }
0x8d: {  	_ =	swait.ge [sflag:s25], $0x2800  }
0x8e: {  	[sflag:s25] =	ssyncset.done $0x0  }
0x8f: {  	[sflag:s25] =	ssyncadd.s32 $0xFFFFD800  }
0x90: {  	[tilespmem:s24], [sflag:$0x3] =	stream.linear.gather [spmem:s12], $0x2800, $0x38;
	[tilespmem:$0x1AEA0] =	vst v63  }
0x91: {  	_ =	swait.ge [sflag:s30], $0x2800  }
0x92: {  	[sflag:s30] =	ssyncset.done $0x0  }
0x93: {  	[sflag:s30] =	ssyncadd.s32 $0xFFFFD800  }
0x94: {  	[hbm4b:s20+s3] =	stream.linear.scatter [tilespmem:s24], [sflag:$0x2], $0x2800, $0x38;
	[tilespmem:$0x1AEA0] =	vst v63  }
0x95: {  	_ =	swait.ge [sflag:s25], $0x2800  }
0x96: {  	[sflag:s25] =	ssyncset.done $0x0  }
0x97: {  	[sflag:s25] =	ssyncadd.s32 $0xFFFFD800  }
0x98: {  	[tilespmem:s24], [sflag:$0x3] =	stream.linear.gather [spmem:s13], $0x2800, $0x38;
	[tilespmem:$0x1AEA0] =	vst v63  }
0x99: {  	_ =	swait.ge [sflag:s30], $0x2800  }
0x9a: {  	[sflag:s30] =	ssyncset.done $0x0  }
0x9b: {  	[sflag:s30] =	ssyncadd.s32 $0xFFFFD800  }
0x9c: {  	[hbm4b:s21+s3] =	stream.linear.scatter [tilespmem:s24], [sflag:$0x2], $0x2800, $0x38;
	[tilespmem:$0x1AEA0] =	vst v63  }
0x9d: {  	_ =	swait.ge [sflag:s25], $0x2800  }
0x9e: {  	[sflag:s25] =	ssyncset.done $0x0  }
0x9f: {  	[sflag:s25] =	ssyncadd.s32 $0xFFFFD800  }
0xa0: {  	[tilespmem:s24], [sflag:$0x3] =	stream.linear.gather [spmem:s14], $0x2800, $0x38;
	[tilespmem:$0x1AEA0] =	vst v63  }
0xa1: {  	_ =	swait.ge [sflag:s30], $0x2800  }
0xa2: {  	[sflag:s30] =	ssyncset.done $0x0  }
0xa3: {  	[sflag:s30] =	ssyncadd.s32 $0xFFFFD800  }
0xa4: {  	[hbm4b:s22+s3] =	stream.linear.scatter [tilespmem:s24], [sflag:$0x2], $0x2800, $0x38;
	[tilespmem:$0x1AEA0] =	vst v63  }
0xa5: {  	_ =	swait.ge [sflag:s25], $0x2800  }
0xa6: {  	[sflag:s25] =	ssyncset.done $0x0  }
0xa7: {  	s1 =	simm.s32 @!p0 $0x3;
	s0 =	simm.s32 @!p0 $0x4E20;
	[sflag:s25] =	ssyncadd.s32 $0xFFFFD800  }
0xa8: {  	[tilespmem:s0], [sflag:$0x3] =	stream.linear.gather @!p0 [spmem:s15], $0x2800, $0x38;
	[tilespmem:$0x1AEA0] =	vst v63  }
0xa9: {  	_ =	swait.ge @!p0 [sflag:s1], $0x2800  }
0xaa: {  	s31 =	sadd.s32 $0x1, s31;
	[sflag:s1] =	ssyncset.done @!p0 $0x0  }
0xab: {  	p1 =	sne.s32 s31, s7;
	[sflag:s1] =	ssyncadd.s32 @!p0 $0xFFFFD800;
	s1 =	simm.s32 @!p0 $0x0  }
0xac: {  	[hbm4b:s23+s1] =	stream.linear.scatter @!p0 [tilespmem:s0], [sflag:$0x2], $0x2800, $0x38;
	[tilespmem:$0x1AEA0] =	vst v63  }
.Ltmp2:
0xad: {  	_ = 	snop;
	(pc) =	sbr.rel @p1 .LBB2_1-.Ltmp2, $4  }
0xae: {  	s0 =	simm.s32 @!p0 $0x2  }
0xaf: {  	_ =	swait.ge @!p0 [sflag:s0], $0x2800  }
0xb0: {  	[sflag:s0] =	ssyncset.done @!p0 $0x0  }
0xb1: {  	[sflag:s0] =	ssyncadd.s32 @!p0 $0xFFFFD800  }
0xb2: {  	_ =	sfence.sel $0x180000  }
0xb3: {  	[bflag:$0x0] =	sbarrier.arrive $0xFFFF  }
0xb4: {  	_ =	strace $0x9000004D  }
0xb5: {  	s0 =	stileid.u32;
	[bflag:$0x2] =	sbarrier.arrive $0xFFFF  }
0xb6: {  	p0 =	sne.s32 s0, $0x0;
	s0 =	rddreg [dreg:$0x2]  }
0xb7: {  	s0 =	sadd.s32 @!p0 $0x100000, s0  }
0xb8: {  	[sflag:s0] =	ssyncadd.tile.s32 @!p0 $0x1;
	_ =	shalt  }
.Lfunc_end2:
_tile_overlayer_lowered:
.L_overlay_start_2:
0xb9: {  	(tag) =	ssettag $0x2  }
0xba: {  	s0 =	rddreg [dreg:$0x0];
	s2 =	stileid.u32  }
0xbb: {  	s1 =	rddreg [dreg:$0x1];
	p0 =	sne.s32 s2, $0x0  }
0xbc: {  	s3 =	rddreg [dreg:$0x2];
	[bflag:$0x3] =	sbarrier.arrive $0xFFFF;
	s2 =	simm.s32 @!p0 $0x1C02  }
0xbd: {  	[timem:s3], [sflag:s2] =	dma.local @!p0 [hbm:s0], s1  }
0xbe: {  	s0 =	simm.s32 @!p0 $0x2  }
0xbf: {  	_ =	swait.ge @!p0 [sflag:s0], s1  }
0xc0: {  	s1 =	ssub.s32 @!p0 $0x0, s1;
	[sflag:s0] =	ssyncset.done @!p0 $0x0  }
0xc1: {  	[sflag:s0] =	ssyncadd.s32 @!p0 s1  }
0xc2: {  	[bflag:$0x3] =	sbarrier.arrive $0xFFFF  }
0xc3: {  	_ =	shalt  }

// kernel: kernel.22.cloned.1.call-start
scs
__scs_entry_jumppad:
0x0: {  	(pc) =	sbr.rel $0x88, $3  }
0x1: {  	(tag) =	ssettag $0x0;
	lr =	simm.s32 $0x1  }
0x2: {  	[smem:$0x3F7F] =	sst lr;
	_ =	strace $0xD0000000  }
0x3: {  	_ = 	snop  }
0x4: {  	_ = 	snop  }
0x5: {  	_ = 	snop  }
0x6: {  	_ = 	snop  }
0x7: {  	_ = 	snop  }
__scs_overlays_trampoline_lowered:
0x8: {  	[smem:$0x3F8E] =	sst s0  }
0x9: {  	[smem:$0x3F8F] =	sst s1  }
0xa: {  	[smem:$0x3F90] =	sst s2  }
0xb: {  	[smem:$0x3F91] =	sst s3  }
0xc: {  	[smem:$0x3F92] =	sst s4  }
0xd: {  	[smem:$0x3F93] =	sst s5  }
0xe: {  	[smem:$0x3F94] =	sst s6  }
0xf: {  	[smem:$0x3F95] =	sst s7  }
0x10: {  	[smem:$0x3F96] =	sst s8  }
0x11: {  	[smem:$0x3F97] =	sst s9;
	s0 =	simm.s32 @!p0 $0x0  }
0x12: {  	s1 =	sld [smem:$0x3F7D];
	s0 =	simm.s32 @p0 $0x1  }
0x13: {  	[smem:$0x3F98] =	sst s0;
	s0 =	simm.s32 @!p1 $0x0  }
0x14: {  	s2 =	sld [smem:$0x3F7C];
	s0 =	simm.s32 @p1 $0x1  }
0x15: {  	[smem:$0x3F99] =	sst s0;
	s0 =	simm.s32 @!p2 $0x0  }
0x16: {  	s3 =	sld [smem:$0x3FDB];
	s0 =	simm.s32 @p2 $0x1  }
0x17: {  	s4 =	simm.s32 $0x1BF5;
	[smem:$0x3F9B] =	sst s0  }
0x18: {  	s0 =	sld [smem:$0x3F7E];
	_ =	swait.ge [sflag:s4], $0x0  }
0x19: {  	s7 =	sld [smem:$0x3F7F]  }
0x1a: {  	s8 =	sadd.s32 $0xFFFFE003, lr  }
0x1b: {  	s9 =	sadd.s32 $0xFFFFFEF7, lr;
	s5 =	simm.s32 $0xFFFFFFFF;
	p2 =	slt.u32 s8, $0xFFFFF086  }
0x1c: {  	p1 =	slt.u32 s9, $0xF7A;
	s5 =	simm.s32 @!p2 $0x0  }
0x1d: {  	s5 =	simm.s32 @p1 $0x1;
	p0 =	seq.s32 s7, s2  }
0x1e: {  	s7 =	smul.u32 @!p0 $0xF7A, s2;
	p2 =	seq.s32 @!p0 s5, $0x0  }
0x1f: {  	s9 =	smul.u32 $0xF7A, s1;
	s8 =	simm.s32 @!p0 $0x1BF5;
	p2 =	por !p2, p0  }
0x20: {  	[sflag:s8] =	ssyncset.s32 @!p0 $0xFFFFF086;
	s6 =	sadd.s32 @!p0 s3, s7;
	s7 =	simm.s32 @!p0 $0x108  }
0x21: {  	s3 =	sadd.s32 s3, s9;
	s6 =	sadd.s32 @!p0 $0x88, s6;
	s7 =	simm.s32 @p2 $0x1082  }
0x22: {  	[simem:s7], [sflag:s8] =	dma.local @!p0 [hbm:s6], $0xF7A  }
0x23: {  	s9 =	sor.u32 $0xD0000000, s2;
	s6 =	simm.s32 $0x108;
	_ =	swait.ge @!p0 [sflag:s8], $0x0  }
0x24: {  	s3 =	sadd.s32 $0x88, s3;
	s6 =	simm.s32 @!p1 $0x1082;
	[sflag:s4] =	ssyncset.s32 $0xFFFFF086  }
0x25: {  	[simem:s6], [sflag:s4] =	dma.local [hbm:s3], $0xF7A  }
0x26: {  	[smem:$0x3F7F] =	sst s1;
	(tag) =	ssettag s2;
	_ =	strace s9  }
0x27: {  	s1 =	sld [smem:$0x3F8F]  }
0x28: {  	s2 =	sld [smem:$0x3F90]  }
0x29: {  	s4 =	sld [smem:$0x3F92]  }
0x2a: {  	p0 =	seq.s32 s5, $0x0;
	s5 =	sld [smem:$0x3F93]  }
0x2b: {  	s6 =	sld [smem:$0x3F94]  }
0x2c: {  	s7 =	sld [smem:$0x3F95]  }
0x2d: {  	s3 =	simm.s32 $0x108;
	s8 =	sld [smem:$0x3F96]  }
0x2e: {  	s3 =	simm.s32 @!p0 $0x1082;
	s9 =	sld [smem:$0x3F97]  }
0x2f: {  	lr =	sadd.s32 s0, s3;
	s0 =	sld [smem:$0x3F8E]  }
0x30: {  	s3 =	sld [smem:$0x3F91]  }
0x31: {  	[smem:$0x3F9A] =	sst s10  }
0x32: {  	s10 =	sld [smem:$0x3F98];
	_ =	sdelay $0x3  }
0x33: {  	p0 =	seq.s32 s10, $0x1;
	s10 =	sld [smem:$0x3F9A];
	_ =	sdelay $0x3  }
0x34: {  	[smem:$0x3F9A] =	sst s10  }
0x35: {  	s10 =	sld [smem:$0x3F99];
	_ =	sdelay $0x3  }
0x36: {  	p1 =	seq.s32 s10, $0x1;
	s10 =	sld [smem:$0x3F9A];
	_ =	sdelay $0x3  }
0x37: {  	[smem:$0x3F9A] =	sst s10  }
0x38: {  	s10 =	sld [smem:$0x3F9B]  }
0x39: {  	_ = 	snop;
	(pc) =	sbr.ind lr, $3  }
0x3a: {  	_ = 	snop  }
0x3b: {  	_ = 	snop  }
0x3c: {  	p2 =	seq.s32 s10, $0x1;
	s10 =	sld [smem:$0x3F9A]  }
0x3d: {  	_ =	shalt  }
0x3e: {  	_ =	shalt  }
0x3f: {  	_ =	shalt  }
0x40: {  	_ =	shalt  }
0x41: {  	_ =	shalt  }
0x42: {  	_ =	shalt  }
0x43: {  	_ =	shalt  }
0x44: {  	_ =	shalt  }
0x45: {  	_ =	shalt  }
0x46: {  	_ =	shalt  }
0x47: {  	_ =	shalt  }
0x48: {  	_ =	shalt  }
0x49: {  	_ =	shalt  }
0x4a: {  	_ =	shalt  }
0x4b: {  	_ =	shalt  }
0x4c: {  	_ =	shalt  }
0x4d: {  	_ =	shalt  }
0x4e: {  	_ =	shalt  }
0x4f: {  	_ =	shalt  }
0x50: {  	_ =	shalt  }
0x51: {  	_ =	shalt  }
0x52: {  	_ =	shalt  }
0x53: {  	_ =	shalt  }
0x54: {  	_ =	shalt  }
0x55: {  	_ =	shalt  }
0x56: {  	_ =	shalt  }
0x57: {  	_ =	shalt  }
0x58: {  	_ =	shalt  }
0x59: {  	_ =	shalt  }
0x5a: {  	_ =	shalt  }
0x5b: {  	_ =	shalt  }
0x5c: {  	_ =	shalt  }
0x5d: {  	_ =	shalt  }
0x5e: {  	_ =	shalt  }
0x5f: {  	_ =	shalt  }
0x60: {  	_ =	shalt  }
0x61: {  	_ =	shalt  }
0x62: {  	_ =	shalt  }
0x63: {  	_ =	shalt  }
0x64: {  	_ =	shalt  }
0x65: {  	_ =	shalt  }
0x66: {  	_ =	shalt  }
0x67: {  	_ =	shalt  }
0x68: {  	_ =	shalt  }
0x69: {  	_ =	shalt  }
0x6a: {  	_ =	shalt  }
0x6b: {  	_ =	shalt  }
0x6c: {  	_ =	shalt  }
0x6d: {  	_ =	shalt  }
0x6e: {  	_ =	shalt  }
0x6f: {  	_ =	shalt  }
0x70: {  	_ =	shalt  }
0x71: {  	_ =	shalt  }
0x72: {  	_ =	shalt  }
0x73: {  	_ =	shalt  }
0x74: {  	_ =	shalt  }
0x75: {  	_ =	shalt  }
0x76: {  	_ =	shalt  }
0x77: {  	_ =	shalt  }
0x78: {  	_ =	shalt  }
0x79: {  	_ =	shalt  }
0x7a: {  	_ =	shalt  }
0x7b: {  	_ =	shalt  }
0x7c: {  	_ =	shalt  }
0x7d: {  	_ =	shalt  }
0x7e: {  	_ =	shalt  }
0x7f: {  	_ =	shalt  }
0x80: {  	_ =	shalt  }
0x81: {  	_ =	shalt  }
0x82: {  	_ =	shalt  }
0x83: {  	_ =	shalt  }
0x84: {  	_ =	shalt  }
0x85: {  	_ =	shalt  }
0x86: {  	_ =	shalt  }
0x87: {  	_ =	shalt  }
.Lfunc_end0:
.L_simem_size_0:
called_computation.3_lowered:
.L_overlay_start_0:
0x88: {  	s2 =	sld [smem:$0x3FD9]  }
0x89: {  	s3 =	sld [smem:$0x3FFE];
	_ =	sdelay $0x1  }
0x8a: {  	s1 =	srdreg.scid  }
0x8b: {  	s0 =	sand.u32 $0x1, s1  }
0x8c: {  	s17 =	sshll.u32 s0, $0xA;
	s2 =	sadd.s32 s3, s2  }
0x8d: {  	s2 =	sadd.s32 s2, s17  }
0x8e: {  	[smem:$0x3FA6] =	sst s2  }
0x8f: {  	_ = 	snop  }
0x90: {  	s2 =	sld [smem:$0x3FD0];
	(tm) =	ssettm $0x1  }
0x91: {  	s18 =	sld [smem:$0x3FFB];
	_ =	sdelay $0x3  }
0x92: {  	_ =	strace s18  }
0x93: {  	s3 =	sld [smem:$0x3FFC];
	_ =	sdelay $0x3  }
0x94: {  	_ =	strace s3  }
0x95: {  	s3 =	sld [smem:$0x3FFD];
	_ =	sdelay $0x3  }
0x96: {  	_ =	strace s3  }
0x97: {  	_ =	strace $0x8FFFFFFF  }
0x98: {  	s19 =	sld [smem:$0x3FDB];
	_ =	sdelay $0x1  }
0x99: {  	s4 =	simm.s32 $_scs_section_size  }
0x9a: {  	s5 =	simm.s32 $_size__tile_overlayer_lowered;
	s6 =	simm.s32 $_tile_overlayer_lowered  }
0x9b: {  	s22 =	simm.s32 $0x1BFF;
	s21 =	sshll.u32 s6, $0x1;
	s3 =	sadd.s32 s4, s19  }
0x9c: {  	s7 =	simm.s32 $0x0;
	s20 =	sshll.u32 s5, $0x1;
	s5 =	sadd.s32 s21, s3  }
0x9d: {  	[timem:s7], [sflag:s22] =	dma.local [hbm:s5], s20  }
0x9e: {  	_ =	swait.ge [sflag:s22], s20  }
0x9f: {  	s4 =	ssub.s32 $0x0, s20;
	[sflag:s22] =	ssyncset.done $0x0  }
0xa0: {  	[sflag:s22] =	ssyncadd.s32 s4;
	_ =	sdelay $0x1  }
0xa1: {  	s23 =	simm.s32 $0x1B8B  }
0xa2: {  	_ =	swait.ge [sflag:s23], $0x1  }
0xa3: {  	[sflag:s23] =	ssyncset.done $0x0  }
0xa4: {  	s25 =	simm.s32 $0x1B8E;
	s24 =	sld [smem:$0x3FFE];
	[sflag:s23] =	ssyncadd.s32 $0xFFFFFFFF  }
0xa5: {  	s26 =	simm.s32 $execute0_lowered;
	[smem:$0x3FD2] =	sst s25  }
0xa6: {  	s5 =	sshll.u32 s26, $0x1;
	_ =	strace $0x8000004F;
	[dreg:$0x1] =	wrdreg $0xFFFFFFFF  }
0xa7: {  	s28 =	simm.s32 $_size_execute0_lowered;
	s3 =	sadd.s32 s3, s5;
	[dreg:$0x0] =	wrdreg $0x0  }
0xa8: {  	s5 =	sshll.u32 s28, $0x1;
	[dreg:$0x2] =	wrdreg s3  }
0xa9: {  	[dreg:$0x3] =	wrdreg s5  }
0xaa: {  	[dreg:$0x4] =	wrdreg $0xC0  }
0xab: {  	_ =	task [dreg:s7], $0x5FFFF  }
0xac: {  	[dreg:$0x1] =	wrdreg $0xFFFFFFFF  }
0xad: {  	[dreg:$0x0] =	wrdreg $0x60  }
0xae: {  	[dreg:$0x2] =	wrdreg s2  }
0xaf: {  	[dreg:$0x3] =	wrdreg s24  }
0xb0: {  	[dreg:$0x4] =	wrdreg $0x62200  }
0xb1: {  	[dreg:$0x5] =	wrdreg $0x9  }
0xb2: {  	_ =	task.clear_ibuf [dreg:s7], $0x6FFFF;
	_ =	strace $0x9000004F  }
0xb3: {  	s29 =	simm.s32 $0x9;
	_ =	strace $0x80000051  }
0xb4: {  	_ =	swait.ge [sflag:s29], $0x1  }
0xb5: {  	[sflag:s29] =	ssyncadd.s32 $0xFFFFFFFF  }
0xb6: {  	_ =	strace $0x90000051  }
0xb7: {  	_ =	sfence  }
0xb8: {  	s30 =	sld [smem:$0x0];
	_ =	sdelay $0x2  }
0xb9: {  	s31 =	sshll.u32 s1, $0xD;
	s1 =	sshrl.u32 s1, $0x2  }
0xba: {  	s3 =	sand.u32 $0x4000, s31;
	s1 =	sadd.s32 s1, s30  }
0xbb: {  	s0 =	sor.u32 s3, s0;
	s1 =	sshll.u32 s1, $0x11  }
0xbc: {  	s0 =	sor.u32 s1, s0  }
0xbd: {  	s0 =	sadd.s32 $0x8F2B, s0  }
0xbe: {  	[sflag:s0] =	ssyncadd.remote.s32 $0x1  }
0xbf: {  	_ =	sfence.sel $0xFFFF  }
0xc0: {  	[dreg:$0x0] =	wrdreg $0xFFFFFFFF;
	(pc) =	sbr.abs _section_cstart, $3  }
0xc1: {  	[dreg:$0x1] =	wrdreg $0xFFFFFFFF  }
0xc2: {  	_ =	task.clear_ibuf [dreg:s7], $0x2FFFF;
	_ =	strace $0x9FFFFFFF  }
0xc3: {  	(tm) =	ssettm $0x7FFFFFFF  }
tec
execute0_lowered:
.L_overlay_start_1:
0x0: {  	(tag) =	ssettag $0x1  }
0x1: {  	s1 =	rddreg [dreg:$0x0]  }
0x2: {  	s0 =	srdreg.scid;
	s2 =	rddreg [dreg:$0x1]  }
0x3: {  	s21 =	stileid.u32;
	s3 =	rddreg [dreg:$0x2]  }
0x4: {  	s28 =	simm.s32 $0x50;
	s0 =	sand.u32 $0x1, s0;
	s8 =	smul.u32 $0x5000, s21  }
0x5: {  	s29 =	simm.s32 $0x1;
	s12 =	sor.u32 $0x10, s21;
	s6 =	smul.u32 $0x13880, s0  }
0x6: {  	s30 =	simm.s32 $0x3;
	s13 =	sor.u32 $0x20, s21;
	s9 =	smul.u32 $0x5000, s12  }
0x7: {  	s31 =	simm.s32 $0x0;
	s14 =	sor.u32 $0x30, s21;
	s10 =	smul.u32 $0x5000, s13  }
0x8: {  	s15 =	sor.u32 $0x40, s21;
	s16 =	sor.u32 $0x50, s21;
	s11 =	smul.u32 $0x5000, s14  }
0x9: {  	s18 =	sor.u32 $0x60, s21;
	s24 =	sor.u32 $0x70, s21;
	s23 =	smul.u32 $0x5000, s15  }
0xa: {  	s4 =	sshll.u32 s0, $0x4;
	s0 =	ssub.s32 $0x2, s0;
	s17 =	smul.u32 $0x5000, s16  }
0xb: {  	s19 =	smul.u32 $0x5000, s18;
	p0 =	sgt.u32 s24, $0x7C;
	s5 =	sor.u32 s21, s4  }
0xc: {  	s4 =	simm.s32 $0x0;
	s20 =	sshrl.u32 s0, $0x1;
	s21 =	smul.u32 $0x280, s21  }
0xd: {  	s8 =	sshrl.u32 s8, $0x2;
	s5 =	smul.u32 $0x4E2, s5;
	[smem:$0x7FF] =	sst s4  }
0xe: {  	s0 =	ssub.s32 s0, s20;
	s9 =	sshrl.u32 s9, $0x2;
	s8 =	sadd.s32 s8, s3  }
0xf: {  	s20 =	smul.u32 $0x5000, s24;
	s10 =	sshrl.u32 s10, $0x2;
	s11 =	sshrl.u32 s11, $0x2  }
0x10: {  	s17 =	sshrl.u32 s17, $0x2;
	s25 =	sshrl.u32 s19, $0x2;
	_ =	strace $0x80000050  }
0x11: {  	s9 =	sadd.s32 s9, s3;
	s10 =	sadd.s32 s10, s3;
	s7 =	sadd.s32 s5, s2  }
0x12: {  	s2 =	sadd.s32 s6, s2;
	s26 =	sshrl.u32 s20, $0x2;
	s20 =	smul.u32 $0x280, s15  }
0x13: {  	s5 =	smul.u32 $0x280, s18;
	s22 =	sadd.s32 $0x10200, s7;
	s6 =	sadd.s32 $0x6400, s7  }
0x14: {  	s7 =	smax.u32 s0, $0x1;
	s0 =	sshrl.u32 s23, $0x2;
	s23 =	smul.u32 $0x280, s13  }
0x15: {  	s11 =	sadd.s32 s11, s3;
	s15 =	sadd.s32 s26, s3;
	s26 =	smul.u32 $0x280, s24  }
0x16: {  	s2 =	sadd.s32 $0x1A000, s2;
	[dreg:$0x4] =	wrdreg s22;
	s22 =	smul.u32 $0x280, s12  }
0x17: {  	s13 =	sadd.s32 s17, s3;
	s12 =	sadd.s32 s0, s3;
	s0 =	smul.u32 $0x280, s14  }
0x18: {  	s24 =	simm.s32 $0x4E20;
	s14 =	sadd.s32 s25, s3;
	s25 =	smul.u32 $0x280, s16  }
0x19: {  	s16 =	sadd.s32 s2, s21;
	s20 =	sadd.s32 s2, s20;
	s18 =	sadd.s32 s2, s23  }
0x1a: {  	s23 =	sadd.s32 s2, s26;
	s17 =	sadd.s32 s2, s22;
	s19 =	sadd.s32 s2, s0  }
0x1b: {  	v0 =	vimm.f32 $0.0e+00;
	s21 =	sadd.s32 s2, s25;
	s22 =	sadd.s32 s2, s5;
	s25 =	simm.s32 $0x2  }
.LBB2_1:
0x1c: {  	s0 =	simm.s32 $0x100;
	s2 =	simm.s32 $0x0  }
.LBB2_2:
0x1d: {  	p1 =	sne.s32 s0, $0x4F00;
	[tilespmem:s2+$0x4E50] =	vst v0;
	s26 =	smov.u32 s0;
	s0 =	sadd.s32 $0x100, s0  }
.Ltmp0:
0x1e: {  	[tilespmem:s2+$0x4E40] =	vst v0;
	(pc) =	sbr.rel @p1 .LBB2_2-.Ltmp0, $3  }
0x1f: {  	[tilespmem:s2+$0x4E20] =	vst v0  }
0x20: {  	[tilespmem:s2+$0x4E30] =	vst v0;
	_ =	sdelay $0x1  }
0x21: {  	s2 =	sshra.s32 s26, $0x2  }
0x22: {  	[tilespmem:s2+$0x4E50] =	vst v0  }
0x23: {  	[tilespmem:s2+$0x4E40] =	vst v0  }
0x24: {  	[tilespmem:s2+$0x4E20] =	vst v0  }
0x25: {  	[tilespmem:s2+$0x4E30] =	vst v0  }
0x26: {  	[spmem:s8] =	stream.linear.scatter [tilespmem:s24], [sflag:$0x2], $0x1400, $0x38;
	[tilespmem:$0xFE60] =	vst v63  }
0x27: {  	_ =	swait.ge [sflag:s25], $0x1400  }
0x28: {  	[sflag:s25] =	ssyncset.done $0x0  }
0x29: {  	[sflag:s25] =	ssyncadd.s32 $0xFFFFEC00  }
0x2a: {  	[spmem:s9] =	stream.linear.scatter [tilespmem:s24], [sflag:$0x2], $0x1400, $0x38;
	[tilespmem:$0xFE60] =	vst v63  }
0x2b: {  	_ =	swait.ge [sflag:s25], $0x1400  }
0x2c: {  	[sflag:s25] =	ssyncset.done $0x0  }
0x2d: {  	[sflag:s25] =	ssyncadd.s32 $0xFFFFEC00  }
0x2e: {  	[spmem:s10] =	stream.linear.scatter [tilespmem:s24], [sflag:$0x2], $0x1400, $0x38;
	[tilespmem:$0xFE60] =	vst v63  }
0x2f: {  	_ =	swait.ge [sflag:s25], $0x1400  }
0x30: {  	[sflag:s25] =	ssyncset.done $0x0  }
0x31: {  	[sflag:s25] =	ssyncadd.s32 $0xFFFFEC00  }
0x32: {  	[spmem:s11] =	stream.linear.scatter [tilespmem:s24], [sflag:$0x2], $0x1400, $0x38;
	[tilespmem:$0xFE60] =	vst v63  }
0x33: {  	_ =	swait.ge [sflag:s25], $0x1400  }
0x34: {  	[sflag:s25] =	ssyncset.done $0x0  }
0x35: {  	[sflag:s25] =	ssyncadd.s32 $0xFFFFEC00  }
0x36: {  	[spmem:s12] =	stream.linear.scatter [tilespmem:s24], [sflag:$0x2], $0x1400, $0x38;
	[tilespmem:$0xFE60] =	vst v63  }
0x37: {  	_ =	swait.ge [sflag:s25], $0x1400  }
0x38: {  	[sflag:s25] =	ssyncset.done $0x0  }
0x39: {  	[sflag:s25] =	ssyncadd.s32 $0xFFFFEC00  }
0x3a: {  	[spmem:s13] =	stream.linear.scatter [tilespmem:s24], [sflag:$0x2], $0x1400, $0x38;
	[tilespmem:$0xFE60] =	vst v63  }
0x3b: {  	_ =	swait.ge [sflag:s25], $0x1400  }
0x3c: {  	[sflag:s25] =	ssyncset.done $0x0  }
0x3d: {  	[sflag:s25] =	ssyncadd.s32 $0xFFFFEC00  }
0x3e: {  	[spmem:s14] =	stream.linear.scatter [tilespmem:s24], [sflag:$0x2], $0x1400, $0x38;
	[tilespmem:$0xFE60] =	vst v63  }
0x3f: {  	_ =	swait.ge [sflag:s25], $0x1400  }
0x40: {  	[sflag:s25] =	ssyncset.done $0x0  }
0x41: {  	s0 =	simm.s32 @!p0 $0x4E20;
	[sflag:s25] =	ssyncadd.s32 $0xFFFFEC00  }
0x42: {  	[spmem:s15] =	stream.linear.scatter @!p0 [tilespmem:s0], [sflag:$0x2], $0x1400, $0x38;
	[tilespmem:$0xFE60] =	vst v63  }
0x43: {  	s0 =	simm.s32 @!p0 $0x2  }
0x44: {  	_ =	swait.ge @!p0 [sflag:s0], $0x1400  }
0x45: {  	[sflag:s0] =	ssyncset.done @!p0 $0x0  }
0x46: {  	s5 =	rddreg [dreg:$0x4];
	[sflag:s0] =	ssyncadd.s32 @!p0 $0xFFFFEC00;
	s0 =	simm.s32 $0x0  }
0x47: {  	[tilespmem:s0], [sflag:$0x2] =	stream.linear.gather [hbm4b:s5+s0], $0x2710, $0x38;
	[tilespmem:$0xFE60] =	vst v63  }
0x48: {  	_ =	swait.ge [sflag:s25], $0x2710  }
0x49: {  	[sflag:s25] =	ssyncset.done $0x0  }
0x4a: {  	s26 =	simm.s32 $0x2710;
	[sflag:s25] =	ssyncadd.s32 $0xFFFFD8F0  }
0x4b: {  	[tilespmem:s26], [sflag:$0x2] =	stream.linear.gather [hbm4b:s6+s0], $0x2710, $0x38;
	[tilespmem:$0xFE60] =	vst v63  }
0x4c: {  	_ =	swait.ge [sflag:s25], $0x2710  }
0x4d: {  	[sflag:s25] =	ssyncset.done $0x0  }
0x4e: {  	[sflag:s25] =	ssyncadd.s32 $0xFFFFD8F0  }
0x4f: {  	s5 =	simm.s32 $0x0;
	[bflag:$0x0] =	sbarrier.arrive $0xFFFF  }
0x50: {  	[tilespmem:s24], [sflag:$0x1] =	stream.indirect.gather [hbm4b:s1+s28], $0x40, s5, s28, $0xb8;
	[tilespmem:$0xFE60] =	vst v63  }
0x51: {  	_ =	swait.ge [sflag:s29], $0x1400  }
0x52: {  	[sflag:s29] =	ssyncset.done $0x0  }
0x53: {  	s26 =	simm.s32 $0x2710;
	[sflag:s29] =	ssyncadd.s32 $0xFFFFEC00  }
0x54: {  	[spmem:s3] =	stream.indirect.scatter.add.f32 [tilespmem:s24], [sflag:$0x2], $0x40, s26, s28, $0xb8;
	[tilespmem:$0xFE60] =	vst v63  }
0x55: {  	_ =	swait.ge [sflag:s25], $0x1400  }
0x56: {  	s2 =	simm.s32 $0x140;
	s0 =	simm.s32 $0x280;
	[sflag:s25] =	ssyncset.done $0x0  }
.LBB2_4:
0x57: {  	s26 =	sshra.s32 s2, $0x2  }
0x58: {  	[sflag:s25] =	ssyncadd.s32 $0xFFFFEC00;
	s2 =	smov.u32 s0;
	s5 =	sadd.s32 $0x140, s0  }
0x59: {  	[tilespmem:s24], [sflag:$0x1] =	stream.indirect.gather [hbm4b:s1+s28], $0x40, s26, s28, $0xb8;
	[tilespmem:$0xFE60] =	vst v63  }
0x5a: {  	p1 =	sne.s32 s0, $0x9B00;
	_ =	swait.ge [sflag:s29], $0x1400  }
.Ltmp1:
0x5b: {  	[sflag:s29] =	ssyncset.done $0x0;
	(pc) =	sbr.rel @p1 .LBB2_4-.Ltmp1, $4  }
0x5c: {  	s0 =	sadd.s32 $0x2710, s26;
	[sflag:s29] =	ssyncadd.s32 $0xFFFFEC00  }
0x5d: {  	[spmem:s3] =	stream.indirect.scatter.add.f32 [tilespmem:s24], [sflag:$0x2], $0x40, s0, s28, $0xb8;
	[tilespmem:$0xFE60] =	vst v63  }
0x5e: {  	_ =	swait.ge [sflag:s25], $0x1400  }
0x5f: {  	s0 =	smov.u32 s5;
	[sflag:s25] =	ssyncset.done $0x0  }
0x60: {  	s0 =	sshra.s32 s2, $0x2;
	[sflag:s25] =	ssyncadd.s32 $0xFFFFEC00  }
0x61: {  	[tilespmem:s24], [sflag:$0x1] =	stream.indirect.gather [hbm4b:s1+s28], $0x40, s0, s28, $0xb8;
	[tilespmem:$0xFE60] =	vst v63  }
0x62: {  	_ =	swait.ge [sflag:s29], $0x1400  }
0x63: {  	[sflag:s29] =	ssyncset.done $0x0  }
0x64: {  	s0 =	sadd.s32 $0x2710, s0;
	[sflag:s29] =	ssyncadd.s32 $0xFFFFEC00  }
0x65: {  	[spmem:s3] =	stream.indirect.scatter.add.f32 [tilespmem:s24], [sflag:$0x2], $0x40, s0, s28, $0xb8;
	[tilespmem:$0xFE60] =	vst v63  }
0x66: {  	_ =	swait.ge [sflag:s25], $0x1400  }
0x67: {  	[sflag:s25] =	ssyncset.done $0x0  }
0x68: {  	[sflag:s25] =	ssyncadd.s32 $0xFFFFEC00  }
0x69: {  	[bflag:$0x0] =	sbarrier.arrive $0xFFFF  }
0x6a: {  	[tilespmem:s24], [sflag:$0x3] =	stream.linear.gather [spmem:s8], $0x1400, $0x38;
	[tilespmem:$0xFE60] =	vst v63  }
0x6b: {  	_ =	swait.ge [sflag:s30], $0x1400  }
0x6c: {  	[sflag:s30] =	ssyncset.done $0x0  }
0x6d: {  	[sflag:s30] =	ssyncadd.s32 $0xFFFFEC00  }
0x6e: {  	[hbm4b:s16+s4] =	stream.linear.scatter [tilespmem:s24], [sflag:$0x2], $0x1400, $0x38;
	[tilespmem:$0xFE60] =	vst v63  }
0x6f: {  	_ =	swait.ge [sflag:s25], $0x1400  }
0x70: {  	[sflag:s25] =	ssyncset.done $0x0  }
0x71: {  	[sflag:s25] =	ssyncadd.s32 $0xFFFFEC00  }
0x72: {  	[tilespmem:s24], [sflag:$0x3] =	stream.linear.gather [spmem:s9], $0x1400, $0x38;
	[tilespmem:$0xFE60] =	vst v63  }
0x73: {  	_ =	swait.ge [sflag:s30], $0x1400  }
0x74: {  	[sflag:s30] =	ssyncset.done $0x0  }
0x75: {  	[sflag:s30] =	ssyncadd.s32 $0xFFFFEC00  }
0x76: {  	[hbm4b:s17+s4] =	stream.linear.scatter [tilespmem:s24], [sflag:$0x2], $0x1400, $0x38;
	[tilespmem:$0xFE60] =	vst v63  }
0x77: {  	_ =	swait.ge [sflag:s25], $0x1400  }
0x78: {  	[sflag:s25] =	ssyncset.done $0x0  }
0x79: {  	[sflag:s25] =	ssyncadd.s32 $0xFFFFEC00  }
0x7a: {  	[tilespmem:s24], [sflag:$0x3] =	stream.linear.gather [spmem:s10], $0x1400, $0x38;
	[tilespmem:$0xFE60] =	vst v63  }
0x7b: {  	_ =	swait.ge [sflag:s30], $0x1400  }
0x7c: {  	[sflag:s30] =	ssyncset.done $0x0  }
0x7d: {  	[sflag:s30] =	ssyncadd.s32 $0xFFFFEC00  }
0x7e: {  	[hbm4b:s18+s4] =	stream.linear.scatter [tilespmem:s24], [sflag:$0x2], $0x1400, $0x38;
	[tilespmem:$0xFE60] =	vst v63  }
0x7f: {  	_ =	swait.ge [sflag:s25], $0x1400  }
0x80: {  	[sflag:s25] =	ssyncset.done $0x0  }
0x81: {  	[sflag:s25] =	ssyncadd.s32 $0xFFFFEC00  }
0x82: {  	[tilespmem:s24], [sflag:$0x3] =	stream.linear.gather [spmem:s11], $0x1400, $0x38;
	[tilespmem:$0xFE60] =	vst v63  }
0x83: {  	_ =	swait.ge [sflag:s30], $0x1400  }
0x84: {  	[sflag:s30] =	ssyncset.done $0x0  }
0x85: {  	[sflag:s30] =	ssyncadd.s32 $0xFFFFEC00  }
0x86: {  	[hbm4b:s19+s4] =	stream.linear.scatter [tilespmem:s24], [sflag:$0x2], $0x1400, $0x38;
	[tilespmem:$0xFE60] =	vst v63  }
0x87: {  	_ =	swait.ge [sflag:s25], $0x1400  }
0x88: {  	[sflag:s25] =	ssyncset.done $0x0  }
0x89: {  	[sflag:s25] =	ssyncadd.s32 $0xFFFFEC00  }
0x8a: {  	[tilespmem:s24], [sflag:$0x3] =	stream.linear.gather [spmem:s12], $0x1400, $0x38;
	[tilespmem:$0xFE60] =	vst v63  }
0x8b: {  	_ =	swait.ge [sflag:s30], $0x1400  }
0x8c: {  	[sflag:s30] =	ssyncset.done $0x0  }
0x8d: {  	[sflag:s30] =	ssyncadd.s32 $0xFFFFEC00  }
0x8e: {  	[hbm4b:s20+s4] =	stream.linear.scatter [tilespmem:s24], [sflag:$0x2], $0x1400, $0x38;
	[tilespmem:$0xFE60] =	vst v63  }
0x8f: {  	_ =	swait.ge [sflag:s25], $0x1400  }
0x90: {  	[sflag:s25] =	ssyncset.done $0x0  }
0x91: {  	[sflag:s25] =	ssyncadd.s32 $0xFFFFEC00  }
0x92: {  	[tilespmem:s24], [sflag:$0x3] =	stream.linear.gather [spmem:s13], $0x1400, $0x38;
	[tilespmem:$0xFE60] =	vst v63  }
0x93: {  	_ =	swait.ge [sflag:s30], $0x1400  }
0x94: {  	[sflag:s30] =	ssyncset.done $0x0  }
0x95: {  	[sflag:s30] =	ssyncadd.s32 $0xFFFFEC00  }
0x96: {  	[hbm4b:s21+s4] =	stream.linear.scatter [tilespmem:s24], [sflag:$0x2], $0x1400, $0x38;
	[tilespmem:$0xFE60] =	vst v63  }
0x97: {  	_ =	swait.ge [sflag:s25], $0x1400  }
0x98: {  	[sflag:s25] =	ssyncset.done $0x0  }
0x99: {  	[sflag:s25] =	ssyncadd.s32 $0xFFFFEC00  }
0x9a: {  	[tilespmem:s24], [sflag:$0x3] =	stream.linear.gather [spmem:s14], $0x1400, $0x38;
	[tilespmem:$0xFE60] =	vst v63  }
0x9b: {  	_ =	swait.ge [sflag:s30], $0x1400  }
0x9c: {  	[sflag:s30] =	ssyncset.done $0x0  }
0x9d: {  	[sflag:s30] =	ssyncadd.s32 $0xFFFFEC00  }
0x9e: {  	[hbm4b:s22+s4] =	stream.linear.scatter [tilespmem:s24], [sflag:$0x2], $0x1400, $0x38;
	[tilespmem:$0xFE60] =	vst v63  }
0x9f: {  	_ =	swait.ge [sflag:s25], $0x1400  }
0xa0: {  	[sflag:s25] =	ssyncset.done $0x0  }
0xa1: {  	s2 =	simm.s32 @!p0 $0x3;
	s0 =	simm.s32 @!p0 $0x4E20;
	[sflag:s25] =	ssyncadd.s32 $0xFFFFEC00  }
0xa2: {  	[tilespmem:s0], [sflag:$0x3] =	stream.linear.gather @!p0 [spmem:s15], $0x1400, $0x38;
	[tilespmem:$0xFE60] =	vst v63  }
0xa3: {  	_ =	swait.ge @!p0 [sflag:s2], $0x1400  }
0xa4: {  	s31 =	sadd.s32 $0x1, s31;
	[sflag:s2] =	ssyncset.done @!p0 $0x0  }
0xa5: {  	p1 =	sne.s32 s31, s7;
	[sflag:s2] =	ssyncadd.s32 @!p0 $0xFFFFEC00;
	s2 =	simm.s32 @!p0 $0x0  }
0xa6: {  	[hbm4b:s23+s2] =	stream.linear.scatter @!p0 [tilespmem:s0], [sflag:$0x2], $0x1400, $0x38;
	[tilespmem:$0xFE60] =	vst v63  }
.Ltmp2:
0xa7: {  	_ = 	snop;
	(pc) =	sbr.rel @p1 .LBB2_1-.Ltmp2, $4  }
0xa8: {  	s0 =	simm.s32 @!p0 $0x2  }
0xa9: {  	_ =	swait.ge @!p0 [sflag:s0], $0x1400  }
0xaa: {  	[sflag:s0] =	ssyncset.done @!p0 $0x0  }
0xab: {  	[sflag:s0] =	ssyncadd.s32 @!p0 $0xFFFFEC00  }
0xac: {  	_ =	sfence.sel $0x180000  }
0xad: {  	[bflag:$0x0] =	sbarrier.arrive $0xFFFF  }
0xae: {  	_ =	strace $0x90000050  }
0xaf: {  	s0 =	stileid.u32;
	[bflag:$0x2] =	sbarrier.arrive $0xFFFF  }
0xb0: {  	p0 =	sne.s32 s0, $0x0;
	s0 =	rddreg [dreg:$0x3]  }
0xb1: {  	s0 =	sadd.s32 @!p0 $0x100000, s0  }
0xb2: {  	[sflag:s0] =	ssyncadd.tile.s32 @!p0 $0x1;
	_ =	shalt  }
.Lfunc_end2:
_tile_overlayer_lowered:
.L_overlay_start_2:
0xb3: {  	(tag) =	ssettag $0x2  }
0xb4: {  	s0 =	rddreg [dreg:$0x0];
	s2 =	stileid.u32  }
0xb5: {  	s1 =	rddreg [dreg:$0x1];
	p0 =	sne.s32 s2, $0x0  }
0xb6: {  	s3 =	rddreg [dreg:$0x2];
	[bflag:$0x3] =	sbarrier.arrive $0xFFFF;
	s2 =	simm.s32 @!p0 $0x1C02  }
0xb7: {  	[timem:s3], [sflag:s2] =	dma.local @!p0 [hbm:s0], s1  }
0xb8: {  	s0 =	simm.s32 @!p0 $0x2  }
0xb9: {  	_ =	swait.ge @!p0 [sflag:s0], s1  }
0xba: {  	s1 =	ssub.s32 @!p0 $0x0, s1;
	[sflag:s0] =	ssyncset.done @!p0 $0x0  }
0xbb: {  	[sflag:s0] =	ssyncadd.s32 @!p0 s1  }
0xbc: {  	[bflag:$0x3] =	sbarrier.arrive $0xFFFF  }
0xbd: {  	_ =	shalt  }

</sc_bundles>
